<compile_context>
chip_gen: v7x
topology: tpu7x:2x2x1
jax: 0.10.2.dev20260603
libtpu: 0.0.44.dev20260713+nightly
codegen_flags: <defaults>
</compile_context>

<pallas_src>
import functools

import jax
import jax.numpy as jnp
from jax import lax
from jax.experimental import pallas as pl
from jax.experimental.pallas import tpu as pltpu
from jax.experimental.pallas import tpu_sc as plsc

N = 10000
E = 320000
D = 128

NC = 2
NS = 16
NW = NC * NS
EPW = E // NW
K = 125
NCHUNK = EPW // K
RPT = 624
ZR = 16
TAIL = N - NS * RPT

_mesh = plsc.VectorSubcoreMesh(core_axis_name="c", subcore_axis_name="s")


def _fill(buf, rows, value):
    vec = jnp.full((16,), value, jnp.float32)

    def body(i, carry):
        buf[i // (D // 16), pl.ds((i % (D // 16)) * 16, 16)] = vec
        return carry

    lax.fori_loop(0, rows * (D // 16), body, 0)


def _zero_acc(zbuf, acc, s):
    _fill(zbuf, ZR, 0.0)

    def body(i, carry):
        pltpu.sync_copy(zbuf, acc.at[pl.ds(s * RPT + i * ZR, ZR)])
        return carry

    lax.fori_loop(0, RPT // ZR, body, 0)

    @pl.when(s == NS - 1)
    def _():
        pltpu.sync_copy(zbuf.at[pl.ds(0, TAIL)], acc.at[pl.ds(NS * RPT, TAIL)])


def _copy_out(acc, out_hbm, c, s):
    pltpu.sync_copy(acc.at[pl.ds(s * RPT, RPT)],
                    out_hbm.at[c, pl.ds(s * RPT, RPT)])

    @pl.when(s == NS - 1)
    def _():
        pltpu.sync_copy(acc.at[pl.ds(NS * RPT, TAIL)],
                        out_hbm.at[c, pl.ds(NS * RPT, TAIL)])


DW = 128
DK = 100
DNCHUNK = EPW // DK


@functools.partial(
    pl.kernel,
    out_type=jax.ShapeDtypeStruct((NC, N, DW), jnp.float32),
    mesh=_mesh,
    scratch_types=[
        pltpu.VMEM((DNCHUNK, DK), jnp.int32),
        pltpu.VMEM((DK, DW), jnp.float32),
        pltpu.VMEM((ZR, DW), jnp.float32),
        pltpu.VMEM_SHARED((N, DW), jnp.float32),
    ],
)
def _deg_kernel(dst_hbm, out_hbm, dst_v, ones_v, zbuf, acc):
    c = lax.axis_index("c")
    s = lax.axis_index("s")
    wid = s * NC + c
    _zero_acc(zbuf, acc, s)
    _fill(ones_v, DK, 1.0)
    pltpu.sync_copy(dst_hbm.at[wid], dst_v)
    plsc.subcore_barrier()

    def body(j, carry):
        pltpu.sync_copy(ones_v, acc.at[dst_v.at[j]], add=True)
        return carry

    lax.fori_loop(0, DNCHUNK, body, 0)
    plsc.subcore_barrier()
    _copy_out(acc, out_hbm, c, s)


@functools.partial(
    pl.kernel,
    out_type=jax.ShapeDtypeStruct((NC, N, D), jnp.float32),
    mesh=_mesh,
    scratch_types=[
        pltpu.VMEM((4, K), jnp.int32),
        pltpu.VMEM((4, K), jnp.int32),
        pltpu.VMEM((K, D), jnp.float32),
        pltpu.VMEM((K, D), jnp.float32),
        pltpu.VMEM((ZR, D), jnp.float32),
        pltpu.VMEM_SHARED((N, D), jnp.float32),
        pltpu.SemaphoreType.DMA,
        pltpu.SemaphoreType.DMA,
        pltpu.SemaphoreType.DMA,
        pltpu.SemaphoreType.DMA,
        pltpu.SemaphoreType.DMA,
        pltpu.SemaphoreType.DMA,
    ],
)
def _edge_kernel(y_hbm, src_hbm, dst_hbm, out_hbm,
                 sidx, didx, buf0, buf1, zbuf, acc,
                 gsem0, gsem1, isem0, isem1, isem2, isem3):
    c = lax.axis_index("c")
    s = lax.axis_index("s")
    wid = s * NC + c
    bufs = (buf0, buf1)
    gsems = (gsem0, gsem1)
    isems = (isem0, isem1, isem2, isem3)

    def load_idx(chunk, row):
        pltpu.async_copy(src_hbm.at[wid, chunk], sidx.at[row], isems[row])
        pltpu.async_copy(dst_hbm.at[wid, chunk], didx.at[row], isems[row])

    def wait_idx(chunk, row):
        pltpu.make_async_copy(src_hbm.at[wid, chunk], sidx.at[row],
                              isems[row]).wait()
        pltpu.make_async_copy(dst_hbm.at[wid, chunk], didx.at[row],
                              isems[row]).wait()

    _zero_acc(zbuf, acc, s)
    for r in range(4):
        load_idx(r, r)
    plsc.subcore_barrier()
    for r in range(2):
        wait_idx(r, r)
        pltpu.async_copy(y_hbm.at[sidx.at[r]], bufs[r], gsems[r])

    def body(jj, carry):
        for b in range(4):
            j = 4 * jj + b
            p = b % 2
            pltpu.make_async_copy(y_hbm.at[sidx.at[b]], bufs[p],
                                  gsems[p]).wait()
            pltpu.sync_copy(bufs[p], acc.at[didx.at[b]], add=True)

            @pl.when(j + 4 < NCHUNK)
            def _():
                load_idx(j + 4, b)

            @pl.when(j + 2 < NCHUNK)
            def _():
                wait_idx(j + 2, (b + 2) % 4)
                pltpu.async_copy(y_hbm.at[sidx.at[(b + 2) % 4]], bufs[p],
                                 gsems[p])
        return carry

    lax.fori_loop(0, NCHUNK // 4, body, 0)
    plsc.subcore_barrier()
    _copy_out(acc, out_hbm, c, s)



R = 2000


def _dis_block(degp_ref):
    deg = degp_ref[0, :, 0:1] + degp_ref[1, :, 0:1] + 1.0
    return lax.rsqrt(deg)


def _f32(ref):
    return ref[...].astype(jnp.float32)


def _tcmm_body(x_ref, w_ref, xw_ref):
    xw_ref[...] = jnp.dot(x_ref[...], w_ref[...],
                          preferred_element_type=jnp.float32)


def _tc1_body(degp_ref, xw_ref, y_ref):
    y_ref[...] = _dis_block(degp_ref) * xw_ref[...]


def _tc2_body(degp_ref, aggp_ref, y1_ref, b1_ref, w_ref, y2_ref):
    dis = _dis_block(degp_ref)
    agg = aggp_ref[0] + aggp_ref[1] + y1_ref[...]
    h = jnp.maximum(dis * agg + b1_ref[...], 0.0)
    y2_ref[...] = dis * jnp.dot(h, w_ref[...],
                                preferred_element_type=jnp.float32)


def _tc3_body(degp_ref, aggp_ref, y2_ref, b2_ref, z_ref):
    agg = aggp_ref[0] + aggp_ref[1] + y2_ref[...]
    z_ref[...] = _dis_block(degp_ref) * agg + b2_ref[...]


_deg_spec = pl.BlockSpec((NC, R, DW), lambda i: (0, i, 0))
_part_spec = pl.BlockSpec((NC, R, D), lambda i: (0, i, 0))
_row_spec = pl.BlockSpec((R, D), lambda i: (i, 0))
_mat_spec = pl.BlockSpec((D, D), lambda i: (0, 0))
_vec_spec = pl.BlockSpec((1, D), lambda i: (0, 0))
_rows = jax.ShapeDtypeStruct((N, D), jnp.float32)

_tcmm = pl.pallas_call(
    _tcmm_body, grid=(N // R,),
    in_specs=[_row_spec, _mat_spec],
    out_specs=_row_spec,
    out_shape=_rows,
)

_tc1 = pl.pallas_call(
    _tc1_body, grid=(N // R,),
    in_specs=[_deg_spec, _row_spec],
    out_specs=_row_spec,
    out_shape=_rows,
)

_tc2 = pl.pallas_call(
    _tc2_body, grid=(N // R,),
    in_specs=[_deg_spec, _part_spec, _row_spec, _vec_spec, _mat_spec],
    out_specs=_row_spec,
    out_shape=_rows,
)

_tc3 = pl.pallas_call(
    _tc3_body, grid=(N // R,),
    in_specs=[_deg_spec, _part_spec, _row_spec, _vec_spec],
    out_specs=_row_spec,
    out_shape=_rows,
)


def kernel(x, edge_index, W1, b1, W2, b2):
    src3 = edge_index[0].reshape(NW, NCHUNK, K)
    dst3 = edge_index[1].reshape(NW, NCHUNK, K)
    degp = _deg_kernel(edge_index[1].reshape(NW, DNCHUNK, DK))
    xw1 = _tcmm(x, W1)
    y1 = _tc1(jax.lax.optimization_barrier(degp), xw1)
    agg1 = _edge_kernel(y1, src3, dst3)
    y2 = _tc2(degp, agg1, y1, b1.reshape(1, D), W2)
    agg2 = _edge_kernel(y2, src3, dst3)
    z = _tc3(degp, agg2, y2, b2.reshape(1, D))
    return z

# --- scband reference (transcript-rebuilt; emitter-appended) ---
"""Pipeline reference for scband-anime-gnn-40003325395140 (READ-ONLY COPY).

The authoritative reference and input builder live on the scoring server;
editing this copy changes nothing except your own understanding.
"""

import jax, jax.numpy as jnp
import numpy as np

N = 10000
E = 320000
D_IN = 128
D_H = 128
D_OUT = 128


def setup_inputs(seed: int = 0) -> dict:
    key = jax.random.key(seed)
    k1, k2, k3, k4 = jax.random.split(key, 4)
    x = jax.random.normal(k1, (N, D_IN), dtype=jnp.float32)
    edge_index = jax.random.randint(k2, (2, E), 0, N, dtype=jnp.int32)
    # GCNConv layer 1 params (lin weight [in, out], bias added post-aggregation)
    W1 = jax.random.normal(k3, (D_IN, D_H), dtype=jnp.float32) * (1.0 / np.sqrt(D_IN))
    b1 = jnp.zeros((D_H,), dtype=jnp.float32)
    # GCNConv layer 2 params
    W2 = jax.random.normal(k4, (D_H, D_OUT), dtype=jnp.float32) * (1.0 / np.sqrt(D_H))
    b2 = jnp.zeros((D_OUT,), dtype=jnp.float32)
    return {"x": x, "edge_index": edge_index, "W1": W1, "b1": b1, "W2": W2, "b2": b2}


def _gcn_layer(x, src, dst, norm, W, b):
    n = x.shape[0]
    xw = x @ W
    msgs = xw[src] * norm[:, None]
    out = jnp.zeros((n, W.shape[1]), dtype=x.dtype).at[dst].add(msgs)
    return out + b


def reference(x, edge_index, W1, b1, W2, b2):
    n = x.shape[0]
    # add self-loops (PyG GCNConv default add_self_loops=True)
    loop = jnp.arange(n, dtype=edge_index.dtype)
    src = jnp.concatenate([edge_index[0], loop])
    dst = jnp.concatenate([edge_index[1], loop])
    # symmetric normalization D^{-1/2} (A+I) D^{-1/2}
    deg = jnp.zeros((n,), dtype=x.dtype).at[dst].add(1.0)
    deg_inv_sqrt = jnp.where(deg > 0, 1.0 / jnp.sqrt(deg), 0.0)
    norm = deg_inv_sqrt[src] * deg_inv_sqrt[dst]
    h = _gcn_layer(x, src, dst, norm, W1, b1)
    h = jax.nn.relu(h)
    # F.dropout with training=False is identity (eval mode)
    z = _gcn_layer(h, src, dst, norm, W2, b2)
    return z

if __name__ == "__main__":
    import jax
    _d = setup_inputs()
    print(jax.jit(kernel)(*tuple(_d.values())))

</pallas_src>

<mosaic_0001>
#map = affine_map<(d0, d1) -> (0, 0)>
#map1 = affine_map<(d0, d1) -> (0, 0, 0)>
module attributes {stable_mosaic.version = 14 : i64} {
  func.func @_edge_kernel(%arg0: i32, %arg1: i32, %arg2: memref<10000x128xf32, #tpu.memory_space<hbm>>, %arg3: memref<32x80x125xi32, #tpu.memory_space<hbm>>, %arg4: memref<32x80x125xi32, #tpu.memory_space<hbm>>, %arg5: memref<2x10000x128xf32, #tpu.memory_space<hbm>>, %arg6: memref<4x125xi32, #tpu.memory_space<vmem>>, %arg7: memref<4x125xi32, #tpu.memory_space<vmem>>, %arg8: memref<125x128xf32, #tpu.memory_space<vmem>>, %arg9: memref<125x128xf32, #tpu.memory_space<vmem>>, %arg10: memref<16x128xf32, #tpu.memory_space<vmem>>, %arg11: memref<10000x128xf32, #tpu.memory_space<vmem_shared>>, %arg12: memref<!tpu.dma_semaphore, #tpu.memory_space<semaphore_mem>>, %arg13: memref<!tpu.dma_semaphore, #tpu.memory_space<semaphore_mem>>, %arg14: memref<!tpu.dma_semaphore, #tpu.memory_space<semaphore_mem>>, %arg15: memref<!tpu.dma_semaphore, #tpu.memory_space<semaphore_mem>>, %arg16: memref<!tpu.dma_semaphore, #tpu.memory_space<semaphore_mem>>, %arg17: memref<!tpu.dma_semaphore, #tpu.memory_space<semaphore_mem>>) attributes {dimension_semantics = [#tpu.dimension_semantics<core_parallel>, #tpu.dimension_semantics<subcore_parallel>], iteration_bounds = array<i64: 2, 16>, scalar_prefetch = 0 : i64, scratch_operands = 12 : i64, tpu.core_type = #tpu.core_type<sc_vector_subcore>, window_params = [{transform_indices = #map}, {transform_indices = #map1}, {transform_indices = #map1}, {transform_indices = #map1}]} {
    %mul3A = arith.constant 2 : i32
    %mul3A_0 = arith.muli %arg1, %mul3A : i32
    %add3A = arith.addi %mul3A_0, %arg0 : i32
    %broadcast_in_dim3A = arith.constant 0.000000e+00 : f32
    %broadcast_in_dim3A_1 = vector.broadcast %broadcast_in_dim3A : f32 to vector<16xf32>
    %scan3A = arith.constant 0 : i32
    %scan3A_2 = arith.constant 0 : i32
    %scan3A_3 = arith.constant 128 : i32
    %scan3A_4 = arith.addi %scan3A_2, %scan3A_3 : i32
    %scan3A_5 = arith.constant 1 : i32
    scf.for %scan3A_211 = %scan3A_2 to %scan3A_4 step %scan3A_5  : i32 {
      %jit3A = arith.constant 8 : i32
      %div3A = arith.divsi %scan3A_211, %jit3A : i32
      %sign3A = arith.constant 0 : i32
      %sign3A_212 = arith.cmpi sgt, %scan3A_211, %sign3A : i32
      %sign3A_213 = arith.extui %sign3A_212 : i1 to i32
      %sign3A_214 = arith.constant 0 : i32
      %sign3A_215 = arith.cmpi slt, %scan3A_211, %sign3A_214 : i32
      %sign3A_216 = arith.extui %sign3A_215 : i1 to i32
      %sign3A_217 = arith.subi %sign3A_213, %sign3A_216 : i32
      %sign3A_218 = arith.constant 0 : i32
      %sign3A_219 = arith.cmpi sgt, %jit3A, %sign3A_218 : i32
      %sign3A_220 = arith.extui %sign3A_219 : i1 to i32
      %sign3A_221 = arith.constant 0 : i32
      %sign3A_222 = arith.cmpi slt, %jit3A, %sign3A_221 : i32
      %sign3A_223 = arith.extui %sign3A_222 : i1 to i32
      %sign3A_224 = arith.subi %sign3A_220, %sign3A_223 : i32
      %ne3A = arith.cmpi ne, %sign3A_217, %sign3A_224 : i32
      %rem3A = arith.remsi %scan3A_211, %jit3A : i32
      %ne3A_225 = arith.constant 0 : i32
      %ne3A_226 = arith.cmpi ne, %rem3A, %ne3A_225 : i32
      %and3A = arith.andi %ne3A, %ne3A_226 : i1
      %sub3A = arith.constant 1 : i32
      %sub3A_227 = arith.subi %div3A, %sub3A : i32
      %select_n3A = arith.select %and3A, %sub3A_227, %div3A : i32
      %jit3A_228 = arith.constant 8 : i32
      %eq3A_229 = arith.constant 0 : i32
      %eq3A_230 = arith.cmpi eq, %jit3A_228, %eq3A_229 : i32
      %jit3A_231 = arith.constant 1 : i32
      %select_n3A_232 = arith.select %eq3A_230, %jit3A_231, %jit3A_228 : i32
      %rem3A_233 = arith.remsi %scan3A_211, %select_n3A_232 : i32
      %ne3A_234 = arith.constant 0 : i32
      %ne3A_235 = arith.cmpi ne, %rem3A_233, %ne3A_234 : i32
      %lt3A = arith.constant 0 : i32
      %lt3A_236 = arith.cmpi slt, %rem3A_233, %lt3A : i32
      %lt3A_237 = arith.constant 0 : i32
      %lt3A_238 = arith.cmpi slt, %select_n3A_232, %lt3A_237 : i32
      %ne3A_239 = arith.xori %lt3A_236, %lt3A_238 : i1
      %and3A_240 = arith.andi %ne3A_239, %ne3A_235 : i1
      %add3A_241 = arith.addi %rem3A_233, %select_n3A_232 : i32
      %select_n3A_242 = arith.select %and3A_240, %add3A_241, %rem3A_233 : i32
      %mul3A_243 = arith.constant 16 : i32
      %mul3A_244 = arith.muli %select_n3A_242, %mul3A_243 : i32
      %swap3A = arith.index_cast %select_n3A : i32 to index
      %swap3A_245 = arith.index_cast %mul3A_244 : i32 to index
      %swap3A_246 = tpu.vector_load %arg10[%swap3A, %swap3A_245] {strides = array<i32>} : memref<16x128xf32, #tpu.memory_space<vmem>>, vector<1x16xf32>,
      %swap3A_247 = vector.shape_cast %swap3A_246 : vector<1x16xf32> to vector<16xf32>
      %swap3A_248 = vector.shape_cast %broadcast_in_dim3A_1 : vector<16xf32> to vector<1x16xf32>
      tpu.vector_store %arg10[%swap3A, %swap3A_245], %swap3A_248 {strides = array<i32>} : memref<16x128xf32, #tpu.memory_space<vmem>>, vector<1x16xf32>,
    }
    %scan3A_6 = arith.constant 128 : i32
    %scan3A_7 = arith.constant 0 : i32
    %scan3A_8 = arith.constant 0 : i32
    %scan3A_9 = arith.constant 39 : i32
    %scan3A_10 = arith.addi %scan3A_8, %scan3A_9 : i32
    %scan3A_11 = arith.constant 1 : i32
    scf.for %scan3A_211 = %scan3A_8 to %scan3A_10 step %scan3A_11  : i32 {
      %mul3A_212 = arith.constant 624 : i32
      %mul3A_213 = arith.muli %arg1, %mul3A_212 : i32
      %mul3A_214 = arith.constant 16 : i32
      %mul3A_215 = arith.muli %scan3A_211, %mul3A_214 : i32
      %add3A_216 = arith.addi %mul3A_213, %mul3A_215 : i32
      "tpu.region"() ({
        %run_scoped3A = tpu.sem_alloc : memref<!tpu.dma_semaphore, #tpu.memory_space<semaphore_mem>>
        %dma_start3A_217 = arith.constant 0 : i32
        %dma_start3A_218 = tpu.memref_slice %arg11[%add3A_216, %dma_start3A_217] : memref<10000x128xf32, #tpu.memory_space<vmem_shared>> -> memref<16x128xf32, #tpu.memory_space<vmem_shared>>
        %dma_start3A_219 = arith.constant 0 : i32
        %dma_start3A_220 = tpu.memref_slice %arg11[%add3A_216, %dma_start3A_219] : memref<10000x128xf32, #tpu.memory_space<vmem_shared>> -> memref<16x128xf32, #tpu.memory_space<vmem_shared>>
        tpu.enqueue_dma source(%arg10 : memref<16x128xf32, #tpu.memory_space<vmem>>) target(%dma_start3A_220 : memref<16x128xf32, #tpu.memory_space<vmem_shared>>) target_semaphore(%run_scoped3A : memref<!tpu.dma_semaphore, #tpu.memory_space<semaphore_mem>>)
        %dma_wait3A_221 = arith.constant 0 : i32
        %dma_wait3A_222 = tpu.memref_slice %arg11[%add3A_216, %dma_wait3A_221] : memref<10000x128xf32, #tpu.memory_space<vmem_shared>> -> memref<16x128xf32, #tpu.memory_space<vmem_shared>>
        %dma_wait3A_223 = arith.constant 0 : i32
        %dma_wait3A_224 = tpu.memref_slice %arg11[%add3A_216, %dma_wait3A_223] : memref<10000x128xf32, #tpu.memory_space<vmem_shared>> -> memref<16x128xf32, #tpu.memory_space<vmem_shared>>
        tpu.wait_dma2 semaphore(%run_scoped3A : memref<!tpu.dma_semaphore, #tpu.memory_space<semaphore_mem>>) src(%arg10 : memref<16x128xf32, #tpu.memory_space<vmem>>) dst(%dma_wait3A_224 : memref<16x128xf32, #tpu.memory_space<vmem_shared>>)
        tpu.yield
      }) : () -> ()
    }
    %scan3A_12 = arith.constant 39 : i32
    %eq3A = arith.constant 15 : i32
    %eq3A_13 = arith.cmpi eq, %arg1, %eq3A : i32
    %convert_element_type3A = arith.extui %eq3A_13 : i1 to i32
    %cond3A = arith.constant 0 : i32
    %cond3A_14 = arith.cmpi ne, %convert_element_type3A, %cond3A : i32
    scf.if %cond3A_14 {
      "tpu.region"() ({
        %run_scoped3A = tpu.sem_alloc : memref<!tpu.dma_semaphore, #tpu.memory_space<semaphore_mem>>
        %dma_start3A_211 = arith.constant 0 : i32
        %dma_start3A_212 = arith.constant 0 : i32
        %dma_start3A_213 = tpu.memref_slice %arg10[%dma_start3A_211, %dma_start3A_212] : memref<16x128xf32, #tpu.memory_space<vmem>> -> memref<16x128xf32, #tpu.memory_space<vmem>>
        %dma_start3A_214 = arith.constant 9984 : i32
        %dma_start3A_215 = arith.constant 0 : i32
        %dma_start3A_216 = tpu.memref_slice %arg11[%dma_start3A_214, %dma_start3A_215] : memref<10000x128xf32, #tpu.memory_space<vmem_shared>> -> memref<16x128xf32, #tpu.memory_space<vmem_shared>>
        %dma_start3A_217 = arith.constant 9984 : i32
        %dma_start3A_218 = arith.constant 0 : i32
        %dma_start3A_219 = tpu.memref_slice %arg11[%dma_start3A_217, %dma_start3A_218] : memref<10000x128xf32, #tpu.memory_space<vmem_shared>> -> memref<16x128xf32, #tpu.memory_space<vmem_shared>>
        %dma_start3A_220 = arith.constant 0 : i32
        %dma_start3A_221 = arith.constant 0 : i32
        %dma_start3A_222 = tpu.memref_slice %arg10[%dma_start3A_220, %dma_start3A_221] : memref<16x128xf32, #tpu.memory_space<vmem>> -> memref<16x128xf32, #tpu.memory_space<vmem>>
        tpu.enqueue_dma source(%dma_start3A_222 : memref<16x128xf32, #tpu.memory_space<vmem>>) target(%dma_start3A_219 : memref<16x128xf32, #tpu.memory_space<vmem_shared>>) target_semaphore(%run_scoped3A : memref<!tpu.dma_semaphore, #tpu.memory_space<semaphore_mem>>)
        %dma_wait3A_223 = arith.constant 0 : i32
        %dma_wait3A_224 = arith.constant 0 : i32
        %dma_wait3A_225 = tpu.memref_slice %arg10[%dma_wait3A_223, %dma_wait3A_224] : memref<16x128xf32, #tpu.memory_space<vmem>> -> memref<16x128xf32, #tpu.memory_space<vmem>>
        %dma_wait3A_226 = arith.constant 9984 : i32
        %dma_wait3A_227 = arith.constant 0 : i32
        %dma_wait3A_228 = tpu.memref_slice %arg11[%dma_wait3A_226, %dma_wait3A_227] : memref<10000x128xf32, #tpu.memory_space<vmem_shared>> -> memref<16x128xf32, #tpu.memory_space<vmem_shared>>
        %dma_wait3A_229 = arith.constant 9984 : i32
        %dma_wait3A_230 = arith.constant 0 : i32
        %dma_wait3A_231 = tpu.memref_slice %arg11[%dma_wait3A_229, %dma_wait3A_230] : memref<10000x128xf32, #tpu.memory_space<vmem_shared>> -> memref<16x128xf32, #tpu.memory_space<vmem_shared>>
        %dma_wait3A_232 = arith.constant 0 : i32
        %dma_wait3A_233 = arith.constant 0 : i32
        %dma_wait3A_234 = tpu.memref_slice %arg10[%dma_wait3A_232, %dma_wait3A_233] : memref<16x128xf32, #tpu.memory_space<vmem>> -> memref<16x128xf32, #tpu.memory_space<vmem>>
        tpu.wait_dma2 semaphore(%run_scoped3A : memref<!tpu.dma_semaphore, #tpu.memory_space<semaphore_mem>>) src(%dma_wait3A_234 : memref<16x128xf32, #tpu.memory_space<vmem>>) dst(%dma_wait3A_231 : memref<16x128xf32, #tpu.memory_space<vmem_shared>>)
        tpu.yield
      }) : () -> ()
    } else {
    }
    %dma_start3A = arith.constant 0 : i32
    %dma_start3A_15 = arith.constant 0 : i32
    %dma_start3A_16 = arith.constant 0 : i32
    %dma_start3A_17 = tpu.memref_slice %arg6[%dma_start3A_15, %dma_start3A_16] : memref<4x125xi32, #tpu.memory_space<vmem>> -> memref<1x125xi32, #tpu.memory_space<vmem>>
    %dma_start3A_18 = tpu.memref_squeeze %dma_start3A_17 : memref<1x125xi32, #tpu.memory_space<vmem>> -> memref<125xi32, #tpu.memory_space<vmem>>
    %dma_start3A_19 = arith.constant 0 : i32
    %dma_start3A_20 = tpu.memref_slice %arg3[%add3A, %dma_start3A, %dma_start3A_19] : memref<32x80x125xi32, #tpu.memory_space<hbm>> -> memref<1x1x125xi32, #tpu.memory_space<hbm>>
    %dma_start3A_21 = tpu.memref_squeeze %dma_start3A_20 : memref<1x1x125xi32, #tpu.memory_space<hbm>> -> memref<125xi32, #tpu.memory_space<hbm>>
    %dma_start3A_22 = arith.constant 0 : i32
    %dma_start3A_23 = tpu.memref_slice %arg6[%dma_start3A_15, %dma_start3A_22] : memref<4x125xi32, #tpu.memory_space<vmem>> -> memref<1x125xi32, #tpu.memory_space<vmem>>
    %dma_start3A_24 = tpu.memref_squeeze %dma_start3A_23 : memref<1x125xi32, #tpu.memory_space<vmem>> -> memref<125xi32, #tpu.memory_space<vmem>>
    %dma_start3A_25 = arith.constant 0 : i32
    %dma_start3A_26 = tpu.memref_slice %arg3[%add3A, %dma_start3A, %dma_start3A_25] : memref<32x80x125xi32, #tpu.memory_space<hbm>> -> memref<1x1x125xi32, #tpu.memory_space<hbm>>
    %dma_start3A_27 = tpu.memref_squeeze %dma_start3A_26 : memref<1x1x125xi32, #tpu.memory_space<hbm>> -> memref<125xi32, #tpu.memory_space<hbm>>
    tpu.enqueue_dma source(%dma_start3A_27 : memref<125xi32, #tpu.memory_space<hbm>>) target(%dma_start3A_24 : memref<125xi32, #tpu.memory_space<vmem>>) target_semaphore(%arg14 : memref<!tpu.dma_semaphore, #tpu.memory_space<semaphore_mem>>)
    %dma_start3A_28 = arith.constant 0 : i32
    %dma_start3A_29 = arith.constant 0 : i32
    %dma_start3A_30 = arith.constant 0 : i32
    %dma_start3A_31 = tpu.memref_slice %arg7[%dma_start3A_29, %dma_start3A_30] : memref<4x125xi32, #tpu.memory_space<vmem>> -> memref<1x125xi32, #tpu.memory_space<vmem>>
    %dma_start3A_32 = tpu.memref_squeeze %dma_start3A_31 : memref<1x125xi32, #tpu.memory_space<vmem>> -> memref<125xi32, #tpu.memory_space<vmem>>
    %dma_start3A_33 = arith.constant 0 : i32
    %dma_start3A_34 = tpu.memref_slice %arg4[%add3A, %dma_start3A_28, %dma_start3A_33] : memref<32x80x125xi32, #tpu.memory_space<hbm>> -> memref<1x1x125xi32, #tpu.memory_space<hbm>>
    %dma_start3A_35 = tpu.memref_squeeze %dma_start3A_34 : memref<1x1x125xi32, #tpu.memory_space<hbm>> -> memref<125xi32, #tpu.memory_space<hbm>>
    %dma_start3A_36 = arith.constant 0 : i32
    %dma_start3A_37 = tpu.memref_slice %arg7[%dma_start3A_29, %dma_start3A_36] : memref<4x125xi32, #tpu.memory_space<vmem>> -> memref<1x125xi32, #tpu.memory_space<vmem>>
    %dma_start3A_38 = tpu.memref_squeeze %dma_start3A_37 : memref<1x125xi32, #tpu.memory_space<vmem>> -> memref<125xi32, #tpu.memory_space<vmem>>
    %dma_start3A_39 = arith.constant 0 : i32
    %dma_start3A_40 = tpu.memref_slice %arg4[%add3A, %dma_start3A_28, %dma_start3A_39] : memref<32x80x125xi32, #tpu.memory_space<hbm>> -> memref<1x1x125xi32, #tpu.memory_space<hbm>>
    %dma_start3A_41 = tpu.memref_squeeze %dma_start3A_40 : memref<1x1x125xi32, #tpu.memory_space<hbm>> -> memref<125xi32, #tpu.memory_space<hbm>>
    tpu.enqueue_dma source(%dma_start3A_41 : memref<125xi32, #tpu.memory_space<hbm>>) target(%dma_start3A_38 : memref<125xi32, #tpu.memory_space<vmem>>) target_semaphore(%arg14 : memref<!tpu.dma_semaphore, #tpu.memory_space<semaphore_mem>>)
    %dma_start3A_42 = arith.constant 1 : i32
    %dma_start3A_43 = arith.constant 1 : i32
    %dma_start3A_44 = arith.constant 0 : i32
    %dma_start3A_45 = tpu.memref_slice %arg6[%dma_start3A_43, %dma_start3A_44] : memref<4x125xi32, #tpu.memory_space<vmem>> -> memref<1x125xi32, #tpu.memory_space<vmem>>
    %dma_start3A_46 = tpu.memref_squeeze %dma_start3A_45 : memref<1x125xi32, #tpu.memory_space<vmem>> -> memref<125xi32, #tpu.memory_space<vmem>>
    %dma_start3A_47 = arith.constant 0 : i32
    %dma_start3A_48 = tpu.memref_slice %arg3[%add3A, %dma_start3A_42, %dma_start3A_47] : memref<32x80x125xi32, #tpu.memory_space<hbm>> -> memref<1x1x125xi32, #tpu.memory_space<hbm>>
    %dma_start3A_49 = tpu.memref_squeeze %dma_start3A_48 : memref<1x1x125xi32, #tpu.memory_space<hbm>> -> memref<125xi32, #tpu.memory_space<hbm>>
    %dma_start3A_50 = arith.constant 0 : i32
    %dma_start3A_51 = tpu.memref_slice %arg6[%dma_start3A_43, %dma_start3A_50] : memref<4x125xi32, #tpu.memory_space<vmem>> -> memref<1x125xi32, #tpu.memory_space<vmem>>
    %dma_start3A_52 = tpu.memref_squeeze %dma_start3A_51 : memref<1x125xi32, #tpu.memory_space<vmem>> -> memref<125xi32, #tpu.memory_space<vmem>>
    %dma_start3A_53 = arith.constant 0 : i32
    %dma_start3A_54 = tpu.memref_slice %arg3[%add3A, %dma_start3A_42, %dma_start3A_53] : memref<32x80x125xi32, #tpu.memory_space<hbm>> -> memref<1x1x125xi32, #tpu.memory_space<hbm>>
    %dma_start3A_55 = tpu.memref_squeeze %dma_start3A_54 : memref<1x1x125xi32, #tpu.memory_space<hbm>> -> memref<125xi32, #tpu.memory_space<hbm>>
    tpu.enqueue_dma source(%dma_start3A_55 : memref<125xi32, #tpu.memory_space<hbm>>) target(%dma_start3A_52 : memref<125xi32, #tpu.memory_space<vmem>>) target_semaphore(%arg15 : memref<!tpu.dma_semaphore, #tpu.memory_space<semaphore_mem>>)
    %dma_start3A_56 = arith.constant 1 : i32
    %dma_start3A_57 = arith.constant 1 : i32
    %dma_start3A_58 = arith.constant 0 : i32
    %dma_start3A_59 = tpu.memref_slice %arg7[%dma_start3A_57, %dma_start3A_58] : memref<4x125xi32, #tpu.memory_space<vmem>> -> memref<1x125xi32, #tpu.memory_space<vmem>>
    %dma_start3A_60 = tpu.memref_squeeze %dma_start3A_59 : memref<1x125xi32, #tpu.memory_space<vmem>> -> memref<125xi32, #tpu.memory_space<vmem>>
    %dma_start3A_61 = arith.constant 0 : i32
    %dma_start3A_62 = tpu.memref_slice %arg4[%add3A, %dma_start3A_56, %dma_start3A_61] : memref<32x80x125xi32, #tpu.memory_space<hbm>> -> memref<1x1x125xi32, #tpu.memory_space<hbm>>
    %dma_start3A_63 = tpu.memref_squeeze %dma_start3A_62 : memref<1x1x125xi32, #tpu.memory_space<hbm>> -> memref<125xi32, #tpu.memory_space<hbm>>
    %dma_start3A_64 = arith.constant 0 : i32
    %dma_start3A_65 = tpu.memref_slice %arg7[%dma_start3A_57, %dma_start3A_64] : memref<4x125xi32, #tpu.memory_space<vmem>> -> memref<1x125xi32, #tpu.memory_space<vmem>>
    %dma_start3A_66 = tpu.memref_squeeze %dma_start3A_65 : memref<1x125xi32, #tpu.memory_space<vmem>> -> memref<125xi32, #tpu.memory_space<vmem>>
    %dma_start3A_67 = arith.constant 0 : i32
    %dma_start3A_68 = tpu.memref_slice %arg4[%add3A, %dma_start3A_56, %dma_start3A_67] : memref<32x80x125xi32, #tpu.memory_space<hbm>> -> memref<1x1x125xi32, #tpu.memory_space<hbm>>
    %dma_start3A_69 = tpu.memref_squeeze %dma_start3A_68 : memref<1x1x125xi32, #tpu.memory_space<hbm>> -> memref<125xi32, #tpu.memory_space<hbm>>
    tpu.enqueue_dma source(%dma_start3A_69 : memref<125xi32, #tpu.memory_space<hbm>>) target(%dma_start3A_66 : memref<125xi32, #tpu.memory_space<vmem>>) target_semaphore(%arg15 : memref<!tpu.dma_semaphore, #tpu.memory_space<semaphore_mem>>)
    %dma_start3A_70 = arith.constant 2 : i32
    %dma_start3A_71 = arith.constant 2 : i32
    %dma_start3A_72 = arith.constant 0 : i32
    %dma_start3A_73 = tpu.memref_slice %arg6[%dma_start3A_71, %dma_start3A_72] : memref<4x125xi32, #tpu.memory_space<vmem>> -> memref<1x125xi32, #tpu.memory_space<vmem>>
    %dma_start3A_74 = tpu.memref_squeeze %dma_start3A_73 : memref<1x125xi32, #tpu.memory_space<vmem>> -> memref<125xi32, #tpu.memory_space<vmem>>
    %dma_start3A_75 = arith.constant 0 : i32
    %dma_start3A_76 = tpu.memref_slice %arg3[%add3A, %dma_start3A_70, %dma_start3A_75] : memref<32x80x125xi32, #tpu.memory_space<hbm>> -> memref<1x1x125xi32, #tpu.memory_space<hbm>>
    %dma_start3A_77 = tpu.memref_squeeze %dma_start3A_76 : memref<1x1x125xi32, #tpu.memory_space<hbm>> -> memref<125xi32, #tpu.memory_space<hbm>>
    %dma_start3A_78 = arith.constant 0 : i32
    %dma_start3A_79 = tpu.memref_slice %arg6[%dma_start3A_71, %dma_start3A_78] : memref<4x125xi32, #tpu.memory_space<vmem>> -> memref<1x125xi32, #tpu.memory_space<vmem>>
    %dma_start3A_80 = tpu.memref_squeeze %dma_start3A_79 : memref<1x125xi32, #tpu.memory_space<vmem>> -> memref<125xi32, #tpu.memory_space<vmem>>
    %dma_start3A_81 = arith.constant 0 : i32
    %dma_start3A_82 = tpu.memref_slice %arg3[%add3A, %dma_start3A_70, %dma_start3A_81] : memref<32x80x125xi32, #tpu.memory_space<hbm>> -> memref<1x1x125xi32, #tpu.memory_space<hbm>>
    %dma_start3A_83 = tpu.memref_squeeze %dma_start3A_82 : memref<1x1x125xi32, #tpu.memory_space<hbm>> -> memref<125xi32, #tpu.memory_space<hbm>>
    tpu.enqueue_dma source(%dma_start3A_83 : memref<125xi32, #tpu.memory_space<hbm>>) target(%dma_start3A_80 : memref<125xi32, #tpu.memory_space<vmem>>) target_semaphore(%arg16 : memref<!tpu.dma_semaphore, #tpu.memory_space<semaphore_mem>>)
    %dma_start3A_84 = arith.constant 2 : i32
    %dma_start3A_85 = arith.constant 2 : i32
    %dma_start3A_86 = arith.constant 0 : i32
    %dma_start3A_87 = tpu.memref_slice %arg7[%dma_start3A_85, %dma_start3A_86] : memref<4x125xi32, #tpu.memory_space<vmem>> -> memref<1x125xi32, #tpu.memory_space<vmem>>
    %dma_start3A_88 = tpu.memref_squeeze %dma_start3A_87 : memref<1x125xi32, #tpu.memory_space<vmem>> -> memref<125xi32, #tpu.memory_space<vmem>>
    %dma_start3A_89 = arith.constant 0 : i32
    %dma_start3A_90 = tpu.memref_slice %arg4[%add3A, %dma_start3A_84, %dma_start3A_89] : memref<32x80x125xi32, #tpu.memory_space<hbm>> -> memref<1x1x125xi32, #tpu.memory_space<hbm>>
    %dma_start3A_91 = tpu.memref_squeeze %dma_start3A_90 : memref<1x1x125xi32, #tpu.memory_space<hbm>> -> memref<125xi32, #tpu.memory_space<hbm>>
    %dma_start3A_92 = arith.constant 0 : i32
    %dma_start3A_93 = tpu.memref_slice %arg7[%dma_start3A_85, %dma_start3A_92] : memref<4x125xi32, #tpu.memory_space<vmem>> -> memref<1x125xi32, #tpu.memory_space<vmem>>
    %dma_start3A_94 = tpu.memref_squeeze %dma_start3A_93 : memref<1x125xi32, #tpu.memory_space<vmem>> -> memref<125xi32, #tpu.memory_space<vmem>>
    %dma_start3A_95 = arith.constant 0 : i32
    %dma_start3A_96 = tpu.memref_slice %arg4[%add3A, %dma_start3A_84, %dma_start3A_95] : memref<32x80x125xi32, #tpu.memory_space<hbm>> -> memref<1x1x125xi32, #tpu.memory_space<hbm>>
    %dma_start3A_97 = tpu.memref_squeeze %dma_start3A_96 : memref<1x1x125xi32, #tpu.memory_space<hbm>> -> memref<125xi32, #tpu.memory_space<hbm>>
    tpu.enqueue_dma source(%dma_start3A_97 : memref<125xi32, #tpu.memory_space<hbm>>) target(%dma_start3A_94 : memref<125xi32, #tpu.memory_space<vmem>>) target_semaphore(%arg16 : memref<!tpu.dma_semaphore, #tpu.memory_space<semaphore_mem>>)
    %dma_start3A_98 = arith.constant 3 : i32
    %dma_start3A_99 = arith.constant 3 : i32
    %dma_start3A_100 = arith.constant 0 : i32
    %dma_start3A_101 = tpu.memref_slice %arg6[%dma_start3A_99, %dma_start3A_100] : memref<4x125xi32, #tpu.memory_space<vmem>> -> memref<1x125xi32, #tpu.memory_space<vmem>>
    %dma_start3A_102 = tpu.memref_squeeze %dma_start3A_101 : memref<1x125xi32, #tpu.memory_space<vmem>> -> memref<125xi32, #tpu.memory_space<vmem>>
    %dma_start3A_103 = arith.constant 0 : i32
    %dma_start3A_104 = tpu.memref_slice %arg3[%add3A, %dma_start3A_98, %dma_start3A_103] : memref<32x80x125xi32, #tpu.memory_space<hbm>> -> memref<1x1x125xi32, #tpu.memory_space<hbm>>
    %dma_start3A_105 = tpu.memref_squeeze %dma_start3A_104 : memref<1x1x125xi32, #tpu.memory_space<hbm>> -> memref<125xi32, #tpu.memory_space<hbm>>
    %dma_start3A_106 = arith.constant 0 : i32
    %dma_start3A_107 = tpu.memref_slice %arg6[%dma_start3A_99, %dma_start3A_106] : memref<4x125xi32, #tpu.memory_space<vmem>> -> memref<1x125xi32, #tpu.memory_space<vmem>>
    %dma_start3A_108 = tpu.memref_squeeze %dma_start3A_107 : memref<1x125xi32, #tpu.memory_space<vmem>> -> memref<125xi32, #tpu.memory_space<vmem>>
    %dma_start3A_109 = arith.constant 0 : i32
    %dma_start3A_110 = tpu.memref_slice %arg3[%add3A, %dma_start3A_98, %dma_start3A_109] : memref<32x80x125xi32, #tpu.memory_space<hbm>> -> memref<1x1x125xi32, #tpu.memory_space<hbm>>
    %dma_start3A_111 = tpu.memref_squeeze %dma_start3A_110 : memref<1x1x125xi32, #tpu.memory_space<hbm>> -> memref<125xi32, #tpu.memory_space<hbm>>
    tpu.enqueue_dma source(%dma_start3A_111 : memref<125xi32, #tpu.memory_space<hbm>>) target(%dma_start3A_108 : memref<125xi32, #tpu.memory_space<vmem>>) target_semaphore(%arg17 : memref<!tpu.dma_semaphore, #tpu.memory_space<semaphore_mem>>)
    %dma_start3A_112 = arith.constant 3 : i32
    %dma_start3A_113 = arith.constant 3 : i32
    %dma_start3A_114 = arith.constant 0 : i32
    %dma_start3A_115 = tpu.memref_slice %arg7[%dma_start3A_113, %dma_start3A_114] : memref<4x125xi32, #tpu.memory_space<vmem>> -> memref<1x125xi32, #tpu.memory_space<vmem>>
    %dma_start3A_116 = tpu.memref_squeeze %dma_start3A_115 : memref<1x125xi32, #tpu.memory_space<vmem>> -> memref<125xi32, #tpu.memory_space<vmem>>
    %dma_start3A_117 = arith.constant 0 : i32
    %dma_start3A_118 = tpu.memref_slice %arg4[%add3A, %dma_start3A_112, %dma_start3A_117] : memref<32x80x125xi32, #tpu.memory_space<hbm>> -> memref<1x1x125xi32, #tpu.memory_space<hbm>>
    %dma_start3A_119 = tpu.memref_squeeze %dma_start3A_118 : memref<1x1x125xi32, #tpu.memory_space<hbm>> -> memref<125xi32, #tpu.memory_space<hbm>>
    %dma_start3A_120 = arith.constant 0 : i32
    %dma_start3A_121 = tpu.memref_slice %arg7[%dma_start3A_113, %dma_start3A_120] : memref<4x125xi32, #tpu.memory_space<vmem>> -> memref<1x125xi32, #tpu.memory_space<vmem>>
    %dma_start3A_122 = tpu.memref_squeeze %dma_start3A_121 : memref<1x125xi32, #tpu.memory_space<vmem>> -> memref<125xi32, #tpu.memory_space<vmem>>
    %dma_start3A_123 = arith.constant 0 : i32
    %dma_start3A_124 = tpu.memref_slice %arg4[%add3A, %dma_start3A_112, %dma_start3A_123] : memref<32x80x125xi32, #tpu.memory_space<hbm>> -> memref<1x1x125xi32, #tpu.memory_space<hbm>>
    %dma_start3A_125 = tpu.memref_squeeze %dma_start3A_124 : memref<1x1x125xi32, #tpu.memory_space<hbm>> -> memref<125xi32, #tpu.memory_space<hbm>>
    tpu.enqueue_dma source(%dma_start3A_125 : memref<125xi32, #tpu.memory_space<hbm>>) target(%dma_start3A_122 : memref<125xi32, #tpu.memory_space<vmem>>) target_semaphore(%arg17 : memref<!tpu.dma_semaphore, #tpu.memory_space<semaphore_mem>>)
    %barrier3A = arith.constant 0 : index
    tpu.barrier barrier_id(%barrier3A)
    %dma_wait3A = arith.constant 0 : i32
    %dma_wait3A_126 = arith.constant 0 : i32
    %dma_wait3A_127 = arith.constant 0 : i32
    %dma_wait3A_128 = tpu.memref_slice %arg6[%dma_wait3A_126, %dma_wait3A_127] : memref<4x125xi32, #tpu.memory_space<vmem>> -> memref<1x125xi32, #tpu.memory_space<vmem>>
    %dma_wait3A_129 = tpu.memref_squeeze %dma_wait3A_128 : memref<1x125xi32, #tpu.memory_space<vmem>> -> memref<125xi32, #tpu.memory_space<vmem>>
    %dma_wait3A_130 = arith.constant 0 : i32
    %dma_wait3A_131 = tpu.memref_slice %arg3[%add3A, %dma_wait3A, %dma_wait3A_130] : memref<32x80x125xi32, #tpu.memory_space<hbm>> -> memref<1x1x125xi32, #tpu.memory_space<hbm>>
    %dma_wait3A_132 = tpu.memref_squeeze %dma_wait3A_131 : memref<1x1x125xi32, #tpu.memory_space<hbm>> -> memref<125xi32, #tpu.memory_space<hbm>>
    %dma_wait3A_133 = arith.constant 0 : i32
    %dma_wait3A_134 = tpu.memref_slice %arg6[%dma_wait3A_126, %dma_wait3A_133] : memref<4x125xi32, #tpu.memory_space<vmem>> -> memref<1x125xi32, #tpu.memory_space<vmem>>
    %dma_wait3A_135 = tpu.memref_squeeze %dma_wait3A_134 : memref<1x125xi32, #tpu.memory_space<vmem>> -> memref<125xi32, #tpu.memory_space<vmem>>
    %dma_wait3A_136 = arith.constant 0 : i32
    %dma_wait3A_137 = tpu.memref_slice %arg3[%add3A, %dma_wait3A, %dma_wait3A_136] : memref<32x80x125xi32, #tpu.memory_space<hbm>> -> memref<1x1x125xi32, #tpu.memory_space<hbm>>
    %dma_wait3A_138 = tpu.memref_squeeze %dma_wait3A_137 : memref<1x1x125xi32, #tpu.memory_space<hbm>> -> memref<125xi32, #tpu.memory_space<hbm>>
    tpu.wait_dma2 semaphore(%arg14 : memref<!tpu.dma_semaphore, #tpu.memory_space<semaphore_mem>>) src(%dma_wait3A_138 : memref<125xi32, #tpu.memory_space<hbm>>) dst(%dma_wait3A_135 : memref<125xi32, #tpu.memory_space<vmem>>)
    %dma_wait3A_139 = arith.constant 0 : i32
    %dma_wait3A_140 = arith.constant 0 : i32
    %dma_wait3A_141 = arith.constant 0 : i32
    %dma_wait3A_142 = tpu.memref_slice %arg7[%dma_wait3A_140, %dma_wait3A_141] : memref<4x125xi32, #tpu.memory_space<vmem>> -> memref<1x125xi32, #tpu.memory_space<vmem>>
    %dma_wait3A_143 = tpu.memref_squeeze %dma_wait3A_142 : memref<1x125xi32, #tpu.memory_space<vmem>> -> memref<125xi32, #tpu.memory_space<vmem>>
    %dma_wait3A_144 = arith.constant 0 : i32
    %dma_wait3A_145 = tpu.memref_slice %arg4[%add3A, %dma_wait3A_139, %dma_wait3A_144] : memref<32x80x125xi32, #tpu.memory_space<hbm>> -> memref<1x1x125xi32, #tpu.memory_space<hbm>>
    %dma_wait3A_146 = tpu.memref_squeeze %dma_wait3A_145 : memref<1x1x125xi32, #tpu.memory_space<hbm>> -> memref<125xi32, #tpu.memory_space<hbm>>
    %dma_wait3A_147 = arith.constant 0 : i32
    %dma_wait3A_148 = tpu.memref_slice %arg7[%dma_wait3A_140, %dma_wait3A_147] : memref<4x125xi32, #tpu.memory_space<vmem>> -> memref<1x125xi32, #tpu.memory_space<vmem>>
    %dma_wait3A_149 = tpu.memref_squeeze %dma_wait3A_148 : memref<1x125xi32, #tpu.memory_space<vmem>> -> memref<125xi32, #tpu.memory_space<vmem>>
    %dma_wait3A_150 = arith.constant 0 : i32
    %dma_wait3A_151 = tpu.memref_slice %arg4[%add3A, %dma_wait3A_139, %dma_wait3A_150] : memref<32x80x125xi32, #tpu.memory_space<hbm>> -> memref<1x1x125xi32, #tpu.memory_space<hbm>>
    %dma_wait3A_152 = tpu.memref_squeeze %dma_wait3A_151 : memref<1x1x125xi32, #tpu.memory_space<hbm>> -> memref<125xi32, #tpu.memory_space<hbm>>
    tpu.wait_dma2 semaphore(%arg14 : memref<!tpu.dma_semaphore, #tpu.memory_space<semaphore_mem>>) src(%dma_wait3A_152 : memref<125xi32, #tpu.memory_space<hbm>>) dst(%dma_wait3A_149 : memref<125xi32, #tpu.memory_space<vmem>>)
    %dma_start3A_153 = arith.constant 0 : i32
    %dma_start3A_154 = arith.constant 0 : i32
    %dma_start3A_155 = tpu.memref_slice %arg6[%dma_start3A_153, %dma_start3A_154] : memref<4x125xi32, #tpu.memory_space<vmem>> -> memref<1x125xi32, #tpu.memory_space<vmem>>
    %dma_start3A_156 = tpu.memref_squeeze %dma_start3A_155 : memref<1x125xi32, #tpu.memory_space<vmem>> -> memref<125xi32, #tpu.memory_space<vmem>>
    %dma_start3A_157 = arith.constant 0 : i32
    %dma_start3A_158 = arith.constant 0 : i32
    %dma_start3A_159 = tpu.memref_slice %arg2[%dma_start3A_157, %dma_start3A_158] : memref<10000x128xf32, #tpu.memory_space<hbm>> -> memref<10000x128xf32, #tpu.memory_space<hbm>>
    tpu.enqueue_indirect_dma source(%dma_start3A_159 : memref<10000x128xf32, #tpu.memory_space<hbm>>) target(%arg8 : memref<125x128xf32, #tpu.memory_space<vmem>>) offsets(%dma_start3A_156 : memref<125xi32, #tpu.memory_space<vmem>>) semaphore(%arg12 : memref<!tpu.dma_semaphore, #tpu.memory_space<semaphore_mem>>)
    %dma_wait3A_160 = arith.constant 1 : i32
    %dma_wait3A_161 = arith.constant 1 : i32
    %dma_wait3A_162 = arith.constant 0 : i32
    %dma_wait3A_163 = tpu.memref_slice %arg6[%dma_wait3A_161, %dma_wait3A_162] : memref<4x125xi32, #tpu.memory_space<vmem>> -> memref<1x125xi32, #tpu.memory_space<vmem>>
    %dma_wait3A_164 = tpu.memref_squeeze %dma_wait3A_163 : memref<1x125xi32, #tpu.memory_space<vmem>> -> memref<125xi32, #tpu.memory_space<vmem>>
    %dma_wait3A_165 = arith.constant 0 : i32
    %dma_wait3A_166 = tpu.memref_slice %arg3[%add3A, %dma_wait3A_160, %dma_wait3A_165] : memref<32x80x125xi32, #tpu.memory_space<hbm>> -> memref<1x1x125xi32, #tpu.memory_space<hbm>>
    %dma_wait3A_167 = tpu.memref_squeeze %dma_wait3A_166 : memref<1x1x125xi32, #tpu.memory_space<hbm>> -> memref<125xi32, #tpu.memory_space<hbm>>
    %dma_wait3A_168 = arith.constant 0 : i32
    %dma_wait3A_169 = tpu.memref_slice %arg6[%dma_wait3A_161, %dma_wait3A_168] : memref<4x125xi32, #tpu.memory_space<vmem>> -> memref<1x125xi32, #tpu.memory_space<vmem>>
    %dma_wait3A_170 = tpu.memref_squeeze %dma_wait3A_169 : memref<1x125xi32, #tpu.memory_space<vmem>> -> memref<125xi32, #tpu.memory_space<vmem>>
    %dma_wait3A_171 = arith.constant 0 : i32
    %dma_wait3A_172 = tpu.memref_slice %arg3[%add3A, %dma_wait3A_160, %dma_wait3A_171] : memref<32x80x125xi32, #tpu.memory_space<hbm>> -> memref<1x1x125xi32, #tpu.memory_space<hbm>>
    %dma_wait3A_173 = tpu.memref_squeeze %dma_wait3A_172 : memref<1x1x125xi32, #tpu.memory_space<hbm>> -> memref<125xi32, #tpu.memory_space<hbm>>
    tpu.wait_dma2 semaphore(%arg15 : memref<!tpu.dma_semaphore, #tpu.memory_space<semaphore_mem>>) src(%dma_wait3A_173 : memref<125xi32, #tpu.memory_space<hbm>>) dst(%dma_wait3A_170 : memref<125xi32, #tpu.memory_space<vmem>>)
    %dma_wait3A_174 = arith.constant 1 : i32
    %dma_wait3A_175 = arith.constant 1 : i32
    %dma_wait3A_176 = arith.constant 0 : i32
    %dma_wait3A_177 = tpu.memref_slice %arg7[%dma_wait3A_175, %dma_wait3A_176] : memref<4x125xi32, #tpu.memory_space<vmem>> -> memref<1x125xi32, #tpu.memory_space<vmem>>
    %dma_wait3A_178 = tpu.memref_squeeze %dma_wait3A_177 : memref<1x125xi32, #tpu.memory_space<vmem>> -> memref<125xi32, #tpu.memory_space<vmem>>
    %dma_wait3A_179 = arith.constant 0 : i32
    %dma_wait3A_180 = tpu.memref_slice %arg4[%add3A, %dma_wait3A_174, %dma_wait3A_179] : memref<32x80x125xi32, #tpu.memory_space<hbm>> -> memref<1x1x125xi32, #tpu.memory_space<hbm>>
    %dma_wait3A_181 = tpu.memref_squeeze %dma_wait3A_180 : memref<1x1x125xi32, #tpu.memory_space<hbm>> -> memref<125xi32, #tpu.memory_space<hbm>>
    %dma_wait3A_182 = arith.constant 0 : i32
    %dma_wait3A_183 = tpu.memref_slice %arg7[%dma_wait3A_175, %dma_wait3A_182] : memref<4x125xi32, #tpu.memory_space<vmem>> -> memref<1x125xi32, #tpu.memory_space<vmem>>
    %dma_wait3A_184 = tpu.memref_squeeze %dma_wait3A_183 : memref<1x125xi32, #tpu.memory_space<vmem>> -> memref<125xi32, #tpu.memory_space<vmem>>
    %dma_wait3A_185 = arith.constant 0 : i32
    %dma_wait3A_186 = tpu.memref_slice %arg4[%add3A, %dma_wait3A_174, %dma_wait3A_185] : memref<32x80x125xi32, #tpu.memory_space<hbm>> -> memref<1x1x125xi32, #tpu.memory_space<hbm>>
    %dma_wait3A_187 = tpu.memref_squeeze %dma_wait3A_186 : memref<1x1x125xi32, #tpu.memory_space<hbm>> -> memref<125xi32, #tpu.memory_space<hbm>>
    tpu.wait_dma2 semaphore(%arg15 : memref<!tpu.dma_semaphore, #tpu.memory_space<semaphore_mem>>) src(%dma_wait3A_187 : memref<125xi32, #tpu.memory_space<hbm>>) dst(%dma_wait3A_184 : memref<125xi32, #tpu.memory_space<vmem>>)
    %dma_start3A_188 = arith.constant 1 : i32
    %dma_start3A_189 = arith.constant 0 : i32
    %dma_start3A_190 = tpu.memref_slice %arg6[%dma_start3A_188, %dma_start3A_189] : memref<4x125xi32, #tpu.memory_space<vmem>> -> memref<1x125xi32, #tpu.memory_space<vmem>>
    %dma_start3A_191 = tpu.memref_squeeze %dma_start3A_190 : memref<1x125xi32, #tpu.memory_space<vmem>> -> memref<125xi32, #tpu.memory_space<vmem>>
    %dma_start3A_192 = arith.constant 0 : i32
    %dma_start3A_193 = arith.constant 0 : i32
    %dma_start3A_194 = tpu.memref_slice %arg2[%dma_start3A_192, %dma_start3A_193] : memref<10000x128xf32, #tpu.memory_space<hbm>> -> memref<10000x128xf32, #tpu.memory_space<hbm>>
    tpu.enqueue_indirect_dma source(%dma_start3A_194 : memref<10000x128xf32, #tpu.memory_space<hbm>>) target(%arg9 : memref<125x128xf32, #tpu.memory_space<vmem>>) offsets(%dma_start3A_191 : memref<125xi32, #tpu.memory_space<vmem>>) semaphore(%arg13 : memref<!tpu.dma_semaphore, #tpu.memory_space<semaphore_mem>>)
    %scan3A_195 = arith.constant 0 : i32
    %scan3A_196 = arith.constant 0 : i32
    %scan3A_197 = arith.constant 20 : i32
    %scan3A_198 = arith.addi %scan3A_196, %scan3A_197 : i32
    %scan3A_199 = arith.constant 1 : i32
    scf.for %scan3A_211 = %scan3A_196 to %scan3A_198 step %scan3A_199  : i32 {
      %mul3A_212 = arith.constant 4 : i32
      %mul3A_213 = arith.muli %mul3A_212, %scan3A_211 : i32
      %add3A_214 = arith.constant 0 : i32
      %add3A_215 = arith.addi %mul3A_213, %add3A_214 : i32
      %dma_wait3A_216 = arith.constant 0 : i32
      %dma_wait3A_217 = arith.constant 0 : i32
      %dma_wait3A_218 = tpu.memref_slice %arg6[%dma_wait3A_216, %dma_wait3A_217] : memref<4x125xi32, #tpu.memory_space<vmem>> -> memref<1x125xi32, #tpu.memory_space<vmem>>
      %dma_wait3A_219 = tpu.memref_squeeze %dma_wait3A_218 : memref<1x125xi32, #tpu.memory_space<vmem>> -> memref<125xi32, #tpu.memory_space<vmem>>
      %dma_wait3A_220 = arith.constant 0 : i32
      %dma_wait3A_221 = arith.constant 0 : i32
      %dma_wait3A_222 = tpu.memref_slice %arg2[%dma_wait3A_220, %dma_wait3A_221] : memref<10000x128xf32, #tpu.memory_space<hbm>> -> memref<10000x128xf32, #tpu.memory_space<hbm>>
      tpu.wait_indirect_dma semaphore(%arg12 : memref<!tpu.dma_semaphore, #tpu.memory_space<semaphore_mem>>) src(%dma_wait3A_222 : memref<10000x128xf32, #tpu.memory_space<hbm>>) dst(%arg8 : memref<125x128xf32, #tpu.memory_space<vmem>>)
      %run_scoped3A = arith.constant 0 : i32
      "tpu.region"() ({
        %run_scoped3A_314 = tpu.sem_alloc : memref<!tpu.dma_semaphore, #tpu.memory_space<semaphore_mem>>
        %dma_start3A_315 = arith.constant 0 : i32
        %dma_start3A_316 = tpu.memref_slice %arg7[%run_scoped3A, %dma_start3A_315] : memref<4x125xi32, #tpu.memory_space<vmem>> -> memref<1x125xi32, #tpu.memory_space<vmem>>
        %dma_start3A_317 = tpu.memref_squeeze %dma_start3A_316 : memref<1x125xi32, #tpu.memory_space<vmem>> -> memref<125xi32, #tpu.memory_space<vmem>>
        %dma_start3A_318 = arith.constant 0 : i32
        %dma_start3A_319 = arith.constant 0 : i32
        %dma_start3A_320 = tpu.memref_slice %arg11[%dma_start3A_318, %dma_start3A_319] : memref<10000x128xf32, #tpu.memory_space<vmem_shared>> -> memref<10000x128xf32, #tpu.memory_space<vmem_shared>>
        tpu.enqueue_indirect_dma source(%arg8 : memref<125x128xf32, #tpu.memory_space<vmem>>) target(%dma_start3A_320 : memref<10000x128xf32, #tpu.memory_space<vmem_shared>>) offsets(%dma_start3A_317 : memref<125xi32, #tpu.memory_space<vmem>>) semaphore(%run_scoped3A_314 : memref<!tpu.dma_semaphore, #tpu.memory_space<semaphore_mem>>) {add = true}
        %dma_wait3A_321 = arith.constant 0 : i32
        %dma_wait3A_322 = tpu.memref_slice %arg7[%run_scoped3A, %dma_wait3A_321] : memref<4x125xi32, #tpu.memory_space<vmem>> -> memref<1x125xi32, #tpu.memory_space<vmem>>
        %dma_wait3A_323 = tpu.memref_squeeze %dma_wait3A_322 : memref<1x125xi32, #tpu.memory_space<vmem>> -> memref<125xi32, #tpu.memory_space<vmem>>
        %dma_wait3A_324 = arith.constant 0 : i32
        %dma_wait3A_325 = arith.constant 0 : i32
        %dma_wait3A_326 = tpu.memref_slice %arg11[%dma_wait3A_324, %dma_wait3A_325] : memref<10000x128xf32, #tpu.memory_space<vmem_shared>> -> memref<10000x128xf32, #tpu.memory_space<vmem_shared>>
        tpu.wait_indirect_dma semaphore(%run_scoped3A_314 : memref<!tpu.dma_semaphore, #tpu.memory_space<semaphore_mem>>) src(%arg8 : memref<125x128xf32, #tpu.memory_space<vmem>>) dst(%dma_wait3A_326 : memref<10000x128xf32, #tpu.memory_space<vmem_shared>>)
        tpu.yield
      }) : () -> ()
      %add3A_223 = arith.constant 4 : i32
      %add3A_224 = arith.addi %add3A_215, %add3A_223 : i32
      %lt3A = arith.constant 80 : i32
      %lt3A_225 = arith.cmpi slt, %add3A_224, %lt3A : i32
      %convert_element_type3A_226 = arith.extui %lt3A_225 : i1 to i32
      %cond3A_227 = arith.constant 0 : i32
      %cond3A_228 = arith.cmpi ne, %convert_element_type3A_226, %cond3A_227 : i32
      scf.if %cond3A_228 {
        %add3A_314 = arith.constant 4 : i32
        %add3A_315 = arith.addi %add3A_215, %add3A_314 : i32
        %dma_start3A_316 = arith.constant 0 : i32
        %dma_start3A_317 = arith.constant 0 : i32
        %dma_start3A_318 = tpu.memref_slice %arg6[%dma_start3A_316, %dma_start3A_317] : memref<4x125xi32, #tpu.memory_space<vmem>> -> memref<1x125xi32, #tpu.memory_space<vmem>>
        %dma_start3A_319 = tpu.memref_squeeze %dma_start3A_318 : memref<1x125xi32, #tpu.memory_space<vmem>> -> memref<125xi32, #tpu.memory_space<vmem>>
        %dma_start3A_320 = arith.constant 0 : i32
        %dma_start3A_321 = tpu.memref_slice %arg3[%add3A, %add3A_315, %dma_start3A_320] : memref<32x80x125xi32, #tpu.memory_space<hbm>> -> memref<1x1x125xi32, #tpu.memory_space<hbm>>
        %dma_start3A_322 = tpu.memref_squeeze %dma_start3A_321 : memref<1x1x125xi32, #tpu.memory_space<hbm>> -> memref<125xi32, #tpu.memory_space<hbm>>
        %dma_start3A_323 = arith.constant 0 : i32
        %dma_start3A_324 = tpu.memref_slice %arg6[%dma_start3A_316, %dma_start3A_323] : memref<4x125xi32, #tpu.memory_space<vmem>> -> memref<1x125xi32, #tpu.memory_space<vmem>>
        %dma_start3A_325 = tpu.memref_squeeze %dma_start3A_324 : memref<1x125xi32, #tpu.memory_space<vmem>> -> memref<125xi32, #tpu.memory_space<vmem>>
        %dma_start3A_326 = arith.constant 0 : i32
        %dma_start3A_327 = tpu.memref_slice %arg3[%add3A, %add3A_315, %dma_start3A_326] : memref<32x80x125xi32, #tpu.memory_space<hbm>> -> memref<1x1x125xi32, #tpu.memory_space<hbm>>
        %dma_start3A_328 = tpu.memref_squeeze %dma_start3A_327 : memref<1x1x125xi32, #tpu.memory_space<hbm>> -> memref<125xi32, #tpu.memory_space<hbm>>
        tpu.enqueue_dma source(%dma_start3A_328 : memref<125xi32, #tpu.memory_space<hbm>>) target(%dma_start3A_325 : memref<125xi32, #tpu.memory_space<vmem>>) target_semaphore(%arg14 : memref<!tpu.dma_semaphore, #tpu.memory_space<semaphore_mem>>)
        %dma_start3A_329 = arith.constant 0 : i32
        %dma_start3A_330 = arith.constant 0 : i32
        %dma_start3A_331 = tpu.memref_slice %arg7[%dma_start3A_329, %dma_start3A_330] : memref<4x125xi32, #tpu.memory_space<vmem>> -> memref<1x125xi32, #tpu.memory_space<vmem>>
        %dma_start3A_332 = tpu.memref_squeeze %dma_start3A_331 : memref<1x125xi32, #tpu.memory_space<vmem>> -> memref<125xi32, #tpu.memory_space<vmem>>
        %dma_start3A_333 = arith.constant 0 : i32
        %dma_start3A_334 = tpu.memref_slice %arg4[%add3A, %add3A_315, %dma_start3A_333] : memref<32x80x125xi32, #tpu.memory_space<hbm>> -> memref<1x1x125xi32, #tpu.memory_space<hbm>>
        %dma_start3A_335 = tpu.memref_squeeze %dma_start3A_334 : memref<1x1x125xi32, #tpu.memory_space<hbm>> -> memref<125xi32, #tpu.memory_space<hbm>>
        %dma_start3A_336 = arith.constant 0 : i32
        %dma_start3A_337 = tpu.memref_slice %arg7[%dma_start3A_329, %dma_start3A_336] : memref<4x125xi32, #tpu.memory_space<vmem>> -> memref<1x125xi32, #tpu.memory_space<vmem>>
        %dma_start3A_338 = tpu.memref_squeeze %dma_start3A_337 : memref<1x125xi32, #tpu.memory_space<vmem>> -> memref<125xi32, #tpu.memory_space<vmem>>
        %dma_start3A_339 = arith.constant 0 : i32
        %dma_start3A_340 = tpu.memref_slice %arg4[%add3A, %add3A_315, %dma_start3A_339] : memref<32x80x125xi32, #tpu.memory_space<hbm>> -> memref<1x1x125xi32, #tpu.memory_space<hbm>>
        %dma_start3A_341 = tpu.memref_squeeze %dma_start3A_340 : memref<1x1x125xi32, #tpu.memory_space<hbm>> -> memref<125xi32, #tpu.memory_space<hbm>>
        tpu.enqueue_dma source(%dma_start3A_341 : memref<125xi32, #tpu.memory_space<hbm>>) target(%dma_start3A_338 : memref<125xi32, #tpu.memory_space<vmem>>) target_semaphore(%arg14 : memref<!tpu.dma_semaphore, #tpu.memory_space<semaphore_mem>>)
      } else {
      }
      %add3A_229 = arith.constant 2 : i32
      %add3A_230 = arith.addi %add3A_215, %add3A_229 : i32
      %lt3A_231 = arith.constant 80 : i32
      %lt3A_232 = arith.cmpi slt, %add3A_230, %lt3A_231 : i32
      %convert_element_type3A_233 = arith.extui %lt3A_232 : i1 to i32
      %cond3A_234 = arith.constant 0 : i32
      %cond3A_235 = arith.cmpi ne, %convert_element_type3A_233, %cond3A_234 : i32
      scf.if %cond3A_235 {
        %add3A_314 = arith.constant 2 : i32
        %add3A_315 = arith.addi %add3A_215, %add3A_314 : i32
        %dma_wait3A_316 = arith.constant 2 : i32
        %dma_wait3A_317 = arith.constant 0 : i32
        %dma_wait3A_318 = tpu.memref_slice %arg6[%dma_wait3A_316, %dma_wait3A_317] : memref<4x125xi32, #tpu.memory_space<vmem>> -> memref<1x125xi32, #tpu.memory_space<vmem>>
        %dma_wait3A_319 = tpu.memref_squeeze %dma_wait3A_318 : memref<1x125xi32, #tpu.memory_space<vmem>> -> memref<125xi32, #tpu.memory_space<vmem>>
        %dma_wait3A_320 = arith.constant 0 : i32
        %dma_wait3A_321 = tpu.memref_slice %arg3[%add3A, %add3A_315, %dma_wait3A_320] : memref<32x80x125xi32, #tpu.memory_space<hbm>> -> memref<1x1x125xi32, #tpu.memory_space<hbm>>
        %dma_wait3A_322 = tpu.memref_squeeze %dma_wait3A_321 : memref<1x1x125xi32, #tpu.memory_space<hbm>> -> memref<125xi32, #tpu.memory_space<hbm>>
        %dma_wait3A_323 = arith.constant 0 : i32
        %dma_wait3A_324 = tpu.memref_slice %arg6[%dma_wait3A_316, %dma_wait3A_323] : memref<4x125xi32, #tpu.memory_space<vmem>> -> memref<1x125xi32, #tpu.memory_space<vmem>>
        %dma_wait3A_325 = tpu.memref_squeeze %dma_wait3A_324 : memref<1x125xi32, #tpu.memory_space<vmem>> -> memref<125xi32, #tpu.memory_space<vmem>>
        %dma_wait3A_326 = arith.constant 0 : i32
        %dma_wait3A_327 = tpu.memref_slice %arg3[%add3A, %add3A_315, %dma_wait3A_326] : memref<32x80x125xi32, #tpu.memory_space<hbm>> -> memref<1x1x125xi32, #tpu.memory_space<hbm>>
        %dma_wait3A_328 = tpu.memref_squeeze %dma_wait3A_327 : memref<1x1x125xi32, #tpu.memory_space<hbm>> -> memref<125xi32, #tpu.memory_space<hbm>>
        tpu.wait_dma2 semaphore(%arg16 : memref<!tpu.dma_semaphore, #tpu.memory_space<semaphore_mem>>) src(%dma_wait3A_328 : memref<125xi32, #tpu.memory_space<hbm>>) dst(%dma_wait3A_325 : memref<125xi32, #tpu.memory_space<vmem>>)
        %dma_wait3A_329 = arith.constant 2 : i32
        %dma_wait3A_330 = arith.constant 0 : i32
        %dma_wait3A_331 = tpu.memref_slice %arg7[%dma_wait3A_329, %dma_wait3A_330] : memref<4x125xi32, #tpu.memory_space<vmem>> -> memref<1x125xi32, #tpu.memory_space<vmem>>
        %dma_wait3A_332 = tpu.memref_squeeze %dma_wait3A_331 : memref<1x125xi32, #tpu.memory_space<vmem>> -> memref<125xi32, #tpu.memory_space<vmem>>
        %dma_wait3A_333 = arith.constant 0 : i32
        %dma_wait3A_334 = tpu.memref_slice %arg4[%add3A, %add3A_315, %dma_wait3A_333] : memref<32x80x125xi32, #tpu.memory_space<hbm>> -> memref<1x1x125xi32, #tpu.memory_space<hbm>>
        %dma_wait3A_335 = tpu.memref_squeeze %dma_wait3A_334 : memref<1x1x125xi32, #tpu.memory_space<hbm>> -> memref<125xi32, #tpu.memory_space<hbm>>
        %dma_wait3A_336 = arith.constant 0 : i32
        %dma_wait3A_337 = tpu.memref_slice %arg7[%dma_wait3A_329, %dma_wait3A_336] : memref<4x125xi32, #tpu.memory_space<vmem>> -> memref<1x125xi32, #tpu.memory_space<vmem>>
        %dma_wait3A_338 = tpu.memref_squeeze %dma_wait3A_337 : memref<1x125xi32, #tpu.memory_space<vmem>> -> memref<125xi32, #tpu.memory_space<vmem>>
        %dma_wait3A_339 = arith.constant 0 : i32
        %dma_wait3A_340 = tpu.memref_slice %arg4[%add3A, %add3A_315, %dma_wait3A_339] : memref<32x80x125xi32, #tpu.memory_space<hbm>> -> memref<1x1x125xi32, #tpu.memory_space<hbm>>
        %dma_wait3A_341 = tpu.memref_squeeze %dma_wait3A_340 : memref<1x1x125xi32, #tpu.memory_space<hbm>> -> memref<125xi32, #tpu.memory_space<hbm>>
        tpu.wait_dma2 semaphore(%arg16 : memref<!tpu.dma_semaphore, #tpu.memory_space<semaphore_mem>>) src(%dma_wait3A_341 : memref<125xi32, #tpu.memory_space<hbm>>) dst(%dma_wait3A_338 : memref<125xi32, #tpu.memory_space<vmem>>)
        %dma_start3A_342 = arith.constant 2 : i32
        %dma_start3A_343 = arith.constant 0 : i32
        %dma_start3A_344 = tpu.memref_slice %arg6[%dma_start3A_342, %dma_start3A_343] : memref<4x125xi32, #tpu.memory_space<vmem>> -> memref<1x125xi32, #tpu.memory_space<vmem>>
        %dma_start3A_345 = tpu.memref_squeeze %dma_start3A_344 : memref<1x125xi32, #tpu.memory_space<vmem>> -> memref<125xi32, #tpu.memory_space<vmem>>
        %dma_start3A_346 = arith.constant 0 : i32
        %dma_start3A_347 = arith.constant 0 : i32
        %dma_start3A_348 = tpu.memref_slice %arg2[%dma_start3A_346, %dma_start3A_347] : memref<10000x128xf32, #tpu.memory_space<hbm>> -> memref<10000x128xf32, #tpu.memory_space<hbm>>
        tpu.enqueue_indirect_dma source(%dma_start3A_348 : memref<10000x128xf32, #tpu.memory_space<hbm>>) target(%arg8 : memref<125x128xf32, #tpu.memory_space<vmem>>) offsets(%dma_start3A_345 : memref<125xi32, #tpu.memory_space<vmem>>) semaphore(%arg12 : memref<!tpu.dma_semaphore, #tpu.memory_space<semaphore_mem>>)
      } else {
      }
      %mul3A_236 = arith.constant 4 : i32
      %mul3A_237 = arith.muli %mul3A_236, %scan3A_211 : i32
      %add3A_238 = arith.constant 1 : i32
      %add3A_239 = arith.addi %mul3A_237, %add3A_238 : i32
      %dma_wait3A_240 = arith.constant 1 : i32
      %dma_wait3A_241 = arith.constant 0 : i32
      %dma_wait3A_242 = tpu.memref_slice %arg6[%dma_wait3A_240, %dma_wait3A_241] : memref<4x125xi32, #tpu.memory_space<vmem>> -> memref<1x125xi32, #tpu.memory_space<vmem>>
      %dma_wait3A_243 = tpu.memref_squeeze %dma_wait3A_242 : memref<1x125xi32, #tpu.memory_space<vmem>> -> memref<125xi32, #tpu.memory_space<vmem>>
      %dma_wait3A_244 = arith.constant 0 : i32
      %dma_wait3A_245 = arith.constant 0 : i32
      %dma_wait3A_246 = tpu.memref_slice %arg2[%dma_wait3A_244, %dma_wait3A_245] : memref<10000x128xf32, #tpu.memory_space<hbm>> -> memref<10000x128xf32, #tpu.memory_space<hbm>>
      tpu.wait_indirect_dma semaphore(%arg13 : memref<!tpu.dma_semaphore, #tpu.memory_space<semaphore_mem>>) src(%dma_wait3A_246 : memref<10000x128xf32, #tpu.memory_space<hbm>>) dst(%arg9 : memref<125x128xf32, #tpu.memory_space<vmem>>)
      %run_scoped3A_247 = arith.constant 1 : i32
      "tpu.region"() ({
        %run_scoped3A_314 = tpu.sem_alloc : memref<!tpu.dma_semaphore, #tpu.memory_space<semaphore_mem>>
        %dma_start3A_315 = arith.constant 0 : i32
        %dma_start3A_316 = tpu.memref_slice %arg7[%run_scoped3A_247, %dma_start3A_315] : memref<4x125xi32, #tpu.memory_space<vmem>> -> memref<1x125xi32, #tpu.memory_space<vmem>>
        %dma_start3A_317 = tpu.memref_squeeze %dma_start3A_316 : memref<1x125xi32, #tpu.memory_space<vmem>> -> memref<125xi32, #tpu.memory_space<vmem>>
        %dma_start3A_318 = arith.constant 0 : i32
        %dma_start3A_319 = arith.constant 0 : i32
        %dma_start3A_320 = tpu.memref_slice %arg11[%dma_start3A_318, %dma_start3A_319] : memref<10000x128xf32, #tpu.memory_space<vmem_shared>> -> memref<10000x128xf32, #tpu.memory_space<vmem_shared>>
        tpu.enqueue_indirect_dma source(%arg9 : memref<125x128xf32, #tpu.memory_space<vmem>>) target(%dma_start3A_320 : memref<10000x128xf32, #tpu.memory_space<vmem_shared>>) offsets(%dma_start3A_317 : memref<125xi32, #tpu.memory_space<vmem>>) semaphore(%run_scoped3A_314 : memref<!tpu.dma_semaphore, #tpu.memory_space<semaphore_mem>>) {add = true}
        %dma_wait3A_321 = arith.constant 0 : i32
        %dma_wait3A_322 = tpu.memref_slice %arg7[%run_scoped3A_247, %dma_wait3A_321] : memref<4x125xi32, #tpu.memory_space<vmem>> -> memref<1x125xi32, #tpu.memory_space<vmem>>
        %dma_wait3A_323 = tpu.memref_squeeze %dma_wait3A_322 : memref<1x125xi32, #tpu.memory_space<vmem>> -> memref<125xi32, #tpu.memory_space<vmem>>
        %dma_wait3A_324 = arith.constant 0 : i32
        %dma_wait3A_325 = arith.constant 0 : i32
        %dma_wait3A_326 = tpu.memref_slice %arg11[%dma_wait3A_324, %dma_wait3A_325] : memref<10000x128xf32, #tpu.memory_space<vmem_shared>> -> memref<10000x128xf32, #tpu.memory_space<vmem_shared>>
        tpu.wait_indirect_dma semaphore(%run_scoped3A_314 : memref<!tpu.dma_semaphore, #tpu.memory_space<semaphore_mem>>) src(%arg9 : memref<125x128xf32, #tpu.memory_space<vmem>>) dst(%dma_wait3A_326 : memref<10000x128xf32, #tpu.memory_space<vmem_shared>>)
        tpu.yield
      }) : () -> ()
      %add3A_248 = arith.constant 4 : i32
      %add3A_249 = arith.addi %add3A_239, %add3A_248 : i32
      %lt3A_250 = arith.constant 80 : i32
      %lt3A_251 = arith.cmpi slt, %add3A_249, %lt3A_250 : i32
      %convert_element_type3A_252 = arith.extui %lt3A_251 : i1 to i32
      %cond3A_253 = arith.constant 0 : i32
      %cond3A_254 = arith.cmpi ne, %convert_element_type3A_252, %cond3A_253 : i32
      scf.if %cond3A_254 {
        %add3A_314 = arith.constant 4 : i32
        %add3A_315 = arith.addi %add3A_239, %add3A_314 : i32
        %dma_start3A_316 = arith.constant 1 : i32
        %dma_start3A_317 = arith.constant 0 : i32
        %dma_start3A_318 = tpu.memref_slice %arg6[%dma_start3A_316, %dma_start3A_317] : memref<4x125xi32, #tpu.memory_space<vmem>> -> memref<1x125xi32, #tpu.memory_space<vmem>>
        %dma_start3A_319 = tpu.memref_squeeze %dma_start3A_318 : memref<1x125xi32, #tpu.memory_space<vmem>> -> memref<125xi32, #tpu.memory_space<vmem>>
        %dma_start3A_320 = arith.constant 0 : i32
        %dma_start3A_321 = tpu.memref_slice %arg3[%add3A, %add3A_315, %dma_start3A_320] : memref<32x80x125xi32, #tpu.memory_space<hbm>> -> memref<1x1x125xi32, #tpu.memory_space<hbm>>
        %dma_start3A_322 = tpu.memref_squeeze %dma_start3A_321 : memref<1x1x125xi32, #tpu.memory_space<hbm>> -> memref<125xi32, #tpu.memory_space<hbm>>
        %dma_start3A_323 = arith.constant 0 : i32
        %dma_start3A_324 = tpu.memref_slice %arg6[%dma_start3A_316, %dma_start3A_323] : memref<4x125xi32, #tpu.memory_space<vmem>> -> memref<1x125xi32, #tpu.memory_space<vmem>>
        %dma_start3A_325 = tpu.memref_squeeze %dma_start3A_324 : memref<1x125xi32, #tpu.memory_space<vmem>> -> memref<125xi32, #tpu.memory_space<vmem>>
        %dma_start3A_326 = arith.constant 0 : i32
        %dma_start3A_327 = tpu.memref_slice %arg3[%add3A, %add3A_315, %dma_start3A_326] : memref<32x80x125xi32, #tpu.memory_space<hbm>> -> memref<1x1x125xi32, #tpu.memory_space<hbm>>
        %dma_start3A_328 = tpu.memref_squeeze %dma_start3A_327 : memref<1x1x125xi32, #tpu.memory_space<hbm>> -> memref<125xi32, #tpu.memory_space<hbm>>
        tpu.enqueue_dma source(%dma_start3A_328 : memref<125xi32, #tpu.memory_space<hbm>>) target(%dma_start3A_325 : memref<125xi32, #tpu.memory_space<vmem>>) target_semaphore(%arg15 : memref<!tpu.dma_semaphore, #tpu.memory_space<semaphore_mem>>)
        %dma_start3A_329 = arith.constant 1 : i32
        %dma_start3A_330 = arith.constant 0 : i32
        %dma_start3A_331 = tpu.memref_slice %arg7[%dma_start3A_329, %dma_start3A_330] : memref<4x125xi32, #tpu.memory_space<vmem>> -> memref<1x125xi32, #tpu.memory_space<vmem>>
        %dma_start3A_332 = tpu.memref_squeeze %dma_start3A_331 : memref<1x125xi32, #tpu.memory_space<vmem>> -> memref<125xi32, #tpu.memory_space<vmem>>
        %dma_start3A_333 = arith.constant 0 : i32
        %dma_start3A_334 = tpu.memref_slice %arg4[%add3A, %add3A_315, %dma_start3A_333] : memref<32x80x125xi32, #tpu.memory_space<hbm>> -> memref<1x1x125xi32, #tpu.memory_space<hbm>>
        %dma_start3A_335 = tpu.memref_squeeze %dma_start3A_334 : memref<1x1x125xi32, #tpu.memory_space<hbm>> -> memref<125xi32, #tpu.memory_space<hbm>>
        %dma_start3A_336 = arith.constant 0 : i32
        %dma_start3A_337 = tpu.memref_slice %arg7[%dma_start3A_329, %dma_start3A_336] : memref<4x125xi32, #tpu.memory_space<vmem>> -> memref<1x125xi32, #tpu.memory_space<vmem>>
        %dma_start3A_338 = tpu.memref_squeeze %dma_start3A_337 : memref<1x125xi32, #tpu.memory_space<vmem>> -> memref<125xi32, #tpu.memory_space<vmem>>
        %dma_start3A_339 = arith.constant 0 : i32
        %dma_start3A_340 = tpu.memref_slice %arg4[%add3A, %add3A_315, %dma_start3A_339] : memref<32x80x125xi32, #tpu.memory_space<hbm>> -> memref<1x1x125xi32, #tpu.memory_space<hbm>>
        %dma_start3A_341 = tpu.memref_squeeze %dma_start3A_340 : memref<1x1x125xi32, #tpu.memory_space<hbm>> -> memref<125xi32, #tpu.memory_space<hbm>>
        tpu.enqueue_dma source(%dma_start3A_341 : memref<125xi32, #tpu.memory_space<hbm>>) target(%dma_start3A_338 : memref<125xi32, #tpu.memory_space<vmem>>) target_semaphore(%arg15 : memref<!tpu.dma_semaphore, #tpu.memory_space<semaphore_mem>>)
      } else {
      }
      %add3A_255 = arith.constant 2 : i32
      %add3A_256 = arith.addi %add3A_239, %add3A_255 : i32
      %lt3A_257 = arith.constant 80 : i32
      %lt3A_258 = arith.cmpi slt, %add3A_256, %lt3A_257 : i32
      %convert_element_type3A_259 = arith.extui %lt3A_258 : i1 to i32
      %cond3A_260 = arith.constant 0 : i32
      %cond3A_261 = arith.cmpi ne, %convert_element_type3A_259, %cond3A_260 : i32
      scf.if %cond3A_261 {
        %add3A_314 = arith.constant 2 : i32
        %add3A_315 = arith.addi %add3A_239, %add3A_314 : i32
        %dma_wait3A_316 = arith.constant 3 : i32
        %dma_wait3A_317 = arith.constant 0 : i32
        %dma_wait3A_318 = tpu.memref_slice %arg6[%dma_wait3A_316, %dma_wait3A_317] : memref<4x125xi32, #tpu.memory_space<vmem>> -> memref<1x125xi32, #tpu.memory_space<vmem>>
        %dma_wait3A_319 = tpu.memref_squeeze %dma_wait3A_318 : memref<1x125xi32, #tpu.memory_space<vmem>> -> memref<125xi32, #tpu.memory_space<vmem>>
        %dma_wait3A_320 = arith.constant 0 : i32
        %dma_wait3A_321 = tpu.memref_slice %arg3[%add3A, %add3A_315, %dma_wait3A_320] : memref<32x80x125xi32, #tpu.memory_space<hbm>> -> memref<1x1x125xi32, #tpu.memory_space<hbm>>
        %dma_wait3A_322 = tpu.memref_squeeze %dma_wait3A_321 : memref<1x1x125xi32, #tpu.memory_space<hbm>> -> memref<125xi32, #tpu.memory_space<hbm>>
        %dma_wait3A_323 = arith.constant 0 : i32
        %dma_wait3A_324 = tpu.memref_slice %arg6[%dma_wait3A_316, %dma_wait3A_323] : memref<4x125xi32, #tpu.memory_space<vmem>> -> memref<1x125xi32, #tpu.memory_space<vmem>>
        %dma_wait3A_325 = tpu.memref_squeeze %dma_wait3A_324 : memref<1x125xi32, #tpu.memory_space<vmem>> -> memref<125xi32, #tpu.memory_space<vmem>>
        %dma_wait3A_326 = arith.constant 0 : i32
        %dma_wait3A_327 = tpu.memref_slice %arg3[%add3A, %add3A_315, %dma_wait3A_326] : memref<32x80x125xi32, #tpu.memory_space<hbm>> -> memref<1x1x125xi32, #tpu.memory_space<hbm>>
        %dma_wait3A_328 = tpu.memref_squeeze %dma_wait3A_327 : memref<1x1x125xi32, #tpu.memory_space<hbm>> -> memref<125xi32, #tpu.memory_space<hbm>>
        tpu.wait_dma2 semaphore(%arg17 : memref<!tpu.dma_semaphore, #tpu.memory_space<semaphore_mem>>) src(%dma_wait3A_328 : memref<125xi32, #tpu.memory_space<hbm>>) dst(%dma_wait3A_325 : memref<125xi32, #tpu.memory_space<vmem>>)
        %dma_wait3A_329 = arith.constant 3 : i32
        %dma_wait3A_330 = arith.constant 0 : i32
        %dma_wait3A_331 = tpu.memref_slice %arg7[%dma_wait3A_329, %dma_wait3A_330] : memref<4x125xi32, #tpu.memory_space<vmem>> -> memref<1x125xi32, #tpu.memory_space<vmem>>
        %dma_wait3A_332 = tpu.memref_squeeze %dma_wait3A_331 : memref<1x125xi32, #tpu.memory_space<vmem>> -> memref<125xi32, #tpu.memory_space<vmem>>
        %dma_wait3A_333 = arith.constant 0 : i32
        %dma_wait3A_334 = tpu.memref_slice %arg4[%add3A, %add3A_315, %dma_wait3A_333] : memref<32x80x125xi32, #tpu.memory_space<hbm>> -> memref<1x1x125xi32, #tpu.memory_space<hbm>>
        %dma_wait3A_335 = tpu.memref_squeeze %dma_wait3A_334 : memref<1x1x125xi32, #tpu.memory_space<hbm>> -> memref<125xi32, #tpu.memory_space<hbm>>
        %dma_wait3A_336 = arith.constant 0 : i32
        %dma_wait3A_337 = tpu.memref_slice %arg7[%dma_wait3A_329, %dma_wait3A_336] : memref<4x125xi32, #tpu.memory_space<vmem>> -> memref<1x125xi32, #tpu.memory_space<vmem>>
        %dma_wait3A_338 = tpu.memref_squeeze %dma_wait3A_337 : memref<1x125xi32, #tpu.memory_space<vmem>> -> memref<125xi32, #tpu.memory_space<vmem>>
        %dma_wait3A_339 = arith.constant 0 : i32
        %dma_wait3A_340 = tpu.memref_slice %arg4[%add3A, %add3A_315, %dma_wait3A_339] : memref<32x80x125xi32, #tpu.memory_space<hbm>> -> memref<1x1x125xi32, #tpu.memory_space<hbm>>
        %dma_wait3A_341 = tpu.memref_squeeze %dma_wait3A_340 : memref<1x1x125xi32, #tpu.memory_space<hbm>> -> memref<125xi32, #tpu.memory_space<hbm>>
        tpu.wait_dma2 semaphore(%arg17 : memref<!tpu.dma_semaphore, #tpu.memory_space<semaphore_mem>>) src(%dma_wait3A_341 : memref<125xi32, #tpu.memory_space<hbm>>) dst(%dma_wait3A_338 : memref<125xi32, #tpu.memory_space<vmem>>)
        %dma_start3A_342 = arith.constant 3 : i32
        %dma_start3A_343 = arith.constant 0 : i32
        %dma_start3A_344 = tpu.memref_slice %arg6[%dma_start3A_342, %dma_start3A_343] : memref<4x125xi32, #tpu.memory_space<vmem>> -> memref<1x125xi32, #tpu.memory_space<vmem>>
        %dma_start3A_345 = tpu.memref_squeeze %dma_start3A_344 : memref<1x125xi32, #tpu.memory_space<vmem>> -> memref<125xi32, #tpu.memory_space<vmem>>
        %dma_start3A_346 = arith.constant 0 : i32
        %dma_start3A_347 = arith.constant 0 : i32
        %dma_start3A_348 = tpu.memref_slice %arg2[%dma_start3A_346, %dma_start3A_347] : memref<10000x128xf32, #tpu.memory_space<hbm>> -> memref<10000x128xf32, #tpu.memory_space<hbm>>
        tpu.enqueue_indirect_dma source(%dma_start3A_348 : memref<10000x128xf32, #tpu.memory_space<hbm>>) target(%arg9 : memref<125x128xf32, #tpu.memory_space<vmem>>) offsets(%dma_start3A_345 : memref<125xi32, #tpu.memory_space<vmem>>) semaphore(%arg13 : memref<!tpu.dma_semaphore, #tpu.memory_space<semaphore_mem>>)
      } else {
      }
      %mul3A_262 = arith.constant 4 : i32
      %mul3A_263 = arith.muli %mul3A_262, %scan3A_211 : i32
      %add3A_264 = arith.constant 2 : i32
      %add3A_265 = arith.addi %mul3A_263, %add3A_264 : i32
      %dma_wait3A_266 = arith.constant 2 : i32
      %dma_wait3A_267 = arith.constant 0 : i32
      %dma_wait3A_268 = tpu.memref_slice %arg6[%dma_wait3A_266, %dma_wait3A_267] : memref<4x125xi32, #tpu.memory_space<vmem>> -> memref<1x125xi32, #tpu.memory_space<vmem>>
      %dma_wait3A_269 = tpu.memref_squeeze %dma_wait3A_268 : memref<1x125xi32, #tpu.memory_space<vmem>> -> memref<125xi32, #tpu.memory_space<vmem>>
      %dma_wait3A_270 = arith.constant 0 : i32
      %dma_wait3A_271 = arith.constant 0 : i32
      %dma_wait3A_272 = tpu.memref_slice %arg2[%dma_wait3A_270, %dma_wait3A_271] : memref<10000x128xf32, #tpu.memory_space<hbm>> -> memref<10000x128xf32, #tpu.memory_space<hbm>>
      tpu.wait_indirect_dma semaphore(%arg12 : memref<!tpu.dma_semaphore, #tpu.memory_space<semaphore_mem>>) src(%dma_wait3A_272 : memref<10000x128xf32, #tpu.memory_space<hbm>>) dst(%arg8 : memref<125x128xf32, #tpu.memory_space<vmem>>)
      %run_scoped3A_273 = arith.constant 2 : i32
      "tpu.region"() ({
        %run_scoped3A_314 = tpu.sem_alloc : memref<!tpu.dma_semaphore, #tpu.memory_space<semaphore_mem>>
        %dma_start3A_315 = arith.constant 0 : i32
        %dma_start3A_316 = tpu.memref_slice %arg7[%run_scoped3A_273, %dma_start3A_315] : memref<4x125xi32, #tpu.memory_space<vmem>> -> memref<1x125xi32, #tpu.memory_space<vmem>>
        %dma_start3A_317 = tpu.memref_squeeze %dma_start3A_316 : memref<1x125xi32, #tpu.memory_space<vmem>> -> memref<125xi32, #tpu.memory_space<vmem>>
        %dma_start3A_318 = arith.constant 0 : i32
        %dma_start3A_319 = arith.constant 0 : i32
        %dma_start3A_320 = tpu.memref_slice %arg11[%dma_start3A_318, %dma_start3A_319] : memref<10000x128xf32, #tpu.memory_space<vmem_shared>> -> memref<10000x128xf32, #tpu.memory_space<vmem_shared>>
        tpu.enqueue_indirect_dma source(%arg8 : memref<125x128xf32, #tpu.memory_space<vmem>>) target(%dma_start3A_320 : memref<10000x128xf32, #tpu.memory_space<vmem_shared>>) offsets(%dma_start3A_317 : memref<125xi32, #tpu.memory_space<vmem>>) semaphore(%run_scoped3A_314 : memref<!tpu.dma_semaphore, #tpu.memory_space<semaphore_mem>>) {add = true}
        %dma_wait3A_321 = arith.constant 0 : i32
        %dma_wait3A_322 = tpu.memref_slice %arg7[%run_scoped3A_273, %dma_wait3A_321] : memref<4x125xi32, #tpu.memory_space<vmem>> -> memref<1x125xi32, #tpu.memory_space<vmem>>
        %dma_wait3A_323 = tpu.memref_squeeze %dma_wait3A_322 : memref<1x125xi32, #tpu.memory_space<vmem>> -> memref<125xi32, #tpu.memory_space<vmem>>
        %dma_wait3A_324 = arith.constant 0 : i32
        %dma_wait3A_325 = arith.constant 0 : i32
        %dma_wait3A_326 = tpu.memref_slice %arg11[%dma_wait3A_324, %dma_wait3A_325] : memref<10000x128xf32, #tpu.memory_space<vmem_shared>> -> memref<10000x128xf32, #tpu.memory_space<vmem_shared>>
        tpu.wait_indirect_dma semaphore(%run_scoped3A_314 : memref<!tpu.dma_semaphore, #tpu.memory_space<semaphore_mem>>) src(%arg8 : memref<125x128xf32, #tpu.memory_space<vmem>>) dst(%dma_wait3A_326 : memref<10000x128xf32, #tpu.memory_space<vmem_shared>>)
        tpu.yield
      }) : () -> ()
      %add3A_274 = arith.constant 4 : i32
      %add3A_275 = arith.addi %add3A_265, %add3A_274 : i32
      %lt3A_276 = arith.constant 80 : i32
      %lt3A_277 = arith.cmpi slt, %add3A_275, %lt3A_276 : i32
      %convert_element_type3A_278 = arith.extui %lt3A_277 : i1 to i32
      %cond3A_279 = arith.constant 0 : i32
      %cond3A_280 = arith.cmpi ne, %convert_element_type3A_278, %cond3A_279 : i32
      scf.if %cond3A_280 {
        %add3A_314 = arith.constant 4 : i32
        %add3A_315 = arith.addi %add3A_265, %add3A_314 : i32
        %dma_start3A_316 = arith.constant 2 : i32
        %dma_start3A_317 = arith.constant 0 : i32
        %dma_start3A_318 = tpu.memref_slice %arg6[%dma_start3A_316, %dma_start3A_317] : memref<4x125xi32, #tpu.memory_space<vmem>> -> memref<1x125xi32, #tpu.memory_space<vmem>>
        %dma_start3A_319 = tpu.memref_squeeze %dma_start3A_318 : memref<1x125xi32, #tpu.memory_space<vmem>> -> memref<125xi32, #tpu.memory_space<vmem>>
        %dma_start3A_320 = arith.constant 0 : i32
        %dma_start3A_321 = tpu.memref_slice %arg3[%add3A, %add3A_315, %dma_start3A_320] : memref<32x80x125xi32, #tpu.memory_space<hbm>> -> memref<1x1x125xi32, #tpu.memory_space<hbm>>
        %dma_start3A_322 = tpu.memref_squeeze %dma_start3A_321 : memref<1x1x125xi32, #tpu.memory_space<hbm>> -> memref<125xi32, #tpu.memory_space<hbm>>
        %dma_start3A_323 = arith.constant 0 : i32
        %dma_start3A_324 = tpu.memref_slice %arg6[%dma_start3A_316, %dma_start3A_323] : memref<4x125xi32, #tpu.memory_space<vmem>> -> memref<1x125xi32, #tpu.memory_space<vmem>>
        %dma_start3A_325 = tpu.memref_squeeze %dma_start3A_324 : memref<1x125xi32, #tpu.memory_space<vmem>> -> memref<125xi32, #tpu.memory_space<vmem>>
        %dma_start3A_326 = arith.constant 0 : i32
        %dma_start3A_327 = tpu.memref_slice %arg3[%add3A, %add3A_315, %dma_start3A_326] : memref<32x80x125xi32, #tpu.memory_space<hbm>> -> memref<1x1x125xi32, #tpu.memory_space<hbm>>
        %dma_start3A_328 = tpu.memref_squeeze %dma_start3A_327 : memref<1x1x125xi32, #tpu.memory_space<hbm>> -> memref<125xi32, #tpu.memory_space<hbm>>
        tpu.enqueue_dma source(%dma_start3A_328 : memref<125xi32, #tpu.memory_space<hbm>>) target(%dma_start3A_325 : memref<125xi32, #tpu.memory_space<vmem>>) target_semaphore(%arg16 : memref<!tpu.dma_semaphore, #tpu.memory_space<semaphore_mem>>)
        %dma_start3A_329 = arith.constant 2 : i32
        %dma_start3A_330 = arith.constant 0 : i32
        %dma_start3A_331 = tpu.memref_slice %arg7[%dma_start3A_329, %dma_start3A_330] : memref<4x125xi32, #tpu.memory_space<vmem>> -> memref<1x125xi32, #tpu.memory_space<vmem>>
        %dma_start3A_332 = tpu.memref_squeeze %dma_start3A_331 : memref<1x125xi32, #tpu.memory_space<vmem>> -> memref<125xi32, #tpu.memory_space<vmem>>
        %dma_start3A_333 = arith.constant 0 : i32
        %dma_start3A_334 = tpu.memref_slice %arg4[%add3A, %add3A_315, %dma_start3A_333] : memref<32x80x125xi32, #tpu.memory_space<hbm>> -> memref<1x1x125xi32, #tpu.memory_space<hbm>>
        %dma_start3A_335 = tpu.memref_squeeze %dma_start3A_334 : memref<1x1x125xi32, #tpu.memory_space<hbm>> -> memref<125xi32, #tpu.memory_space<hbm>>
        %dma_start3A_336 = arith.constant 0 : i32
        %dma_start3A_337 = tpu.memref_slice %arg7[%dma_start3A_329, %dma_start3A_336] : memref<4x125xi32, #tpu.memory_space<vmem>> -> memref<1x125xi32, #tpu.memory_space<vmem>>
        %dma_start3A_338 = tpu.memref_squeeze %dma_start3A_337 : memref<1x125xi32, #tpu.memory_space<vmem>> -> memref<125xi32, #tpu.memory_space<vmem>>
        %dma_start3A_339 = arith.constant 0 : i32
        %dma_start3A_340 = tpu.memref_slice %arg4[%add3A, %add3A_315, %dma_start3A_339] : memref<32x80x125xi32, #tpu.memory_space<hbm>> -> memref<1x1x125xi32, #tpu.memory_space<hbm>>
        %dma_start3A_341 = tpu.memref_squeeze %dma_start3A_340 : memref<1x1x125xi32, #tpu.memory_space<hbm>> -> memref<125xi32, #tpu.memory_space<hbm>>
        tpu.enqueue_dma source(%dma_start3A_341 : memref<125xi32, #tpu.memory_space<hbm>>) target(%dma_start3A_338 : memref<125xi32, #tpu.memory_space<vmem>>) target_semaphore(%arg16 : memref<!tpu.dma_semaphore, #tpu.memory_space<semaphore_mem>>)
      } else {
      }
      %add3A_281 = arith.constant 2 : i32
      %add3A_282 = arith.addi %add3A_265, %add3A_281 : i32
      %lt3A_283 = arith.constant 80 : i32
      %lt3A_284 = arith.cmpi slt, %add3A_282, %lt3A_283 : i32
      %convert_element_type3A_285 = arith.extui %lt3A_284 : i1 to i32
      %cond3A_286 = arith.constant 0 : i32
      %cond3A_287 = arith.cmpi ne, %convert_element_type3A_285, %cond3A_286 : i32
      scf.if %cond3A_287 {
        %add3A_314 = arith.constant 2 : i32
        %add3A_315 = arith.addi %add3A_265, %add3A_314 : i32
        %dma_wait3A_316 = arith.constant 0 : i32
        %dma_wait3A_317 = arith.constant 0 : i32
        %dma_wait3A_318 = tpu.memref_slice %arg6[%dma_wait3A_316, %dma_wait3A_317] : memref<4x125xi32, #tpu.memory_space<vmem>> -> memref<1x125xi32, #tpu.memory_space<vmem>>
        %dma_wait3A_319 = tpu.memref_squeeze %dma_wait3A_318 : memref<1x125xi32, #tpu.memory_space<vmem>> -> memref<125xi32, #tpu.memory_space<vmem>>
        %dma_wait3A_320 = arith.constant 0 : i32
        %dma_wait3A_321 = tpu.memref_slice %arg3[%add3A, %add3A_315, %dma_wait3A_320] : memref<32x80x125xi32, #tpu.memory_space<hbm>> -> memref<1x1x125xi32, #tpu.memory_space<hbm>>
        %dma_wait3A_322 = tpu.memref_squeeze %dma_wait3A_321 : memref<1x1x125xi32, #tpu.memory_space<hbm>> -> memref<125xi32, #tpu.memory_space<hbm>>
        %dma_wait3A_323 = arith.constant 0 : i32
        %dma_wait3A_324 = tpu.memref_slice %arg6[%dma_wait3A_316, %dma_wait3A_323] : memref<4x125xi32, #tpu.memory_space<vmem>> -> memref<1x125xi32, #tpu.memory_space<vmem>>
        %dma_wait3A_325 = tpu.memref_squeeze %dma_wait3A_324 : memref<1x125xi32, #tpu.memory_space<vmem>> -> memref<125xi32, #tpu.memory_space<vmem>>
        %dma_wait3A_326 = arith.constant 0 : i32
        %dma_wait3A_327 = tpu.memref_slice %arg3[%add3A, %add3A_315, %dma_wait3A_326] : memref<32x80x125xi32, #tpu.memory_space<hbm>> -> memref<1x1x125xi32, #tpu.memory_space<hbm>>
        %dma_wait3A_328 = tpu.memref_squeeze %dma_wait3A_327 : memref<1x1x125xi32, #tpu.memory_space<hbm>> -> memref<125xi32, #tpu.memory_space<hbm>>
        tpu.wait_dma2 semaphore(%arg14 : memref<!tpu.dma_semaphore, #tpu.memory_space<semaphore_mem>>) src(%dma_wait3A_328 : memref<125xi32, #tpu.memory_space<hbm>>) dst(%dma_wait3A_325 : memref<125xi32, #tpu.memory_space<vmem>>)
        %dma_wait3A_329 = arith.constant 0 : i32
        %dma_wait3A_330 = arith.constant 0 : i32
        %dma_wait3A_331 = tpu.memref_slice %arg7[%dma_wait3A_329, %dma_wait3A_330] : memref<4x125xi32, #tpu.memory_space<vmem>> -> memref<1x125xi32, #tpu.memory_space<vmem>>
        %dma_wait3A_332 = tpu.memref_squeeze %dma_wait3A_331 : memref<1x125xi32, #tpu.memory_space<vmem>> -> memref<125xi32, #tpu.memory_space<vmem>>
        %dma_wait3A_333 = arith.constant 0 : i32
        %dma_wait3A_334 = tpu.memref_slice %arg4[%add3A, %add3A_315, %dma_wait3A_333] : memref<32x80x125xi32, #tpu.memory_space<hbm>> -> memref<1x1x125xi32, #tpu.memory_space<hbm>>
        %dma_wait3A_335 = tpu.memref_squeeze %dma_wait3A_334 : memref<1x1x125xi32, #tpu.memory_space<hbm>> -> memref<125xi32, #tpu.memory_space<hbm>>
        %dma_wait3A_336 = arith.constant 0 : i32
        %dma_wait3A_337 = tpu.memref_slice %arg7[%dma_wait3A_329, %dma_wait3A_336] : memref<4x125xi32, #tpu.memory_space<vmem>> -> memref<1x125xi32, #tpu.memory_space<vmem>>
        %dma_wait3A_338 = tpu.memref_squeeze %dma_wait3A_337 : memref<1x125xi32, #tpu.memory_space<vmem>> -> memref<125xi32, #tpu.memory_space<vmem>>
        %dma_wait3A_339 = arith.constant 0 : i32
        %dma_wait3A_340 = tpu.memref_slice %arg4[%add3A, %add3A_315, %dma_wait3A_339] : memref<32x80x125xi32, #tpu.memory_space<hbm>> -> memref<1x1x125xi32, #tpu.memory_space<hbm>>
        %dma_wait3A_341 = tpu.memref_squeeze %dma_wait3A_340 : memref<1x1x125xi32, #tpu.memory_space<hbm>> -> memref<125xi32, #tpu.memory_space<hbm>>
        tpu.wait_dma2 semaphore(%arg14 : memref<!tpu.dma_semaphore, #tpu.memory_space<semaphore_mem>>) src(%dma_wait3A_341 : memref<125xi32, #tpu.memory_space<hbm>>) dst(%dma_wait3A_338 : memref<125xi32, #tpu.memory_space<vmem>>)
        %dma_start3A_342 = arith.constant 0 : i32
        %dma_start3A_343 = arith.constant 0 : i32
        %dma_start3A_344 = tpu.memref_slice %arg6[%dma_start3A_342, %dma_start3A_343] : memref<4x125xi32, #tpu.memory_space<vmem>> -> memref<1x125xi32, #tpu.memory_space<vmem>>
        %dma_start3A_345 = tpu.memref_squeeze %dma_start3A_344 : memref<1x125xi32, #tpu.memory_space<vmem>> -> memref<125xi32, #tpu.memory_space<vmem>>
        %dma_start3A_346 = arith.constant 0 : i32
        %dma_start3A_347 = arith.constant 0 : i32
        %dma_start3A_348 = tpu.memref_slice %arg2[%dma_start3A_346, %dma_start3A_347] : memref<10000x128xf32, #tpu.memory_space<hbm>> -> memref<10000x128xf32, #tpu.memory_space<hbm>>
        tpu.enqueue_indirect_dma source(%dma_start3A_348 : memref<10000x128xf32, #tpu.memory_space<hbm>>) target(%arg8 : memref<125x128xf32, #tpu.memory_space<vmem>>) offsets(%dma_start3A_345 : memref<125xi32, #tpu.memory_space<vmem>>) semaphore(%arg12 : memref<!tpu.dma_semaphore, #tpu.memory_space<semaphore_mem>>)
      } else {
      }
      %mul3A_288 = arith.constant 4 : i32
      %mul3A_289 = arith.muli %mul3A_288, %scan3A_211 : i32
      %add3A_290 = arith.constant 3 : i32
      %add3A_291 = arith.addi %mul3A_289, %add3A_290 : i32
      %dma_wait3A_292 = arith.constant 3 : i32
      %dma_wait3A_293 = arith.constant 0 : i32
      %dma_wait3A_294 = tpu.memref_slice %arg6[%dma_wait3A_292, %dma_wait3A_293] : memref<4x125xi32, #tpu.memory_space<vmem>> -> memref<1x125xi32, #tpu.memory_space<vmem>>
      %dma_wait3A_295 = tpu.memref_squeeze %dma_wait3A_294 : memref<1x125xi32, #tpu.memory_space<vmem>> -> memref<125xi32, #tpu.memory_space<vmem>>
      %dma_wait3A_296 = arith.constant 0 : i32
      %dma_wait3A_297 = arith.constant 0 : i32
      %dma_wait3A_298 = tpu.memref_slice %arg2[%dma_wait3A_296, %dma_wait3A_297] : memref<10000x128xf32, #tpu.memory_space<hbm>> -> memref<10000x128xf32, #tpu.memory_space<hbm>>
      tpu.wait_indirect_dma semaphore(%arg13 : memref<!tpu.dma_semaphore, #tpu.memory_space<semaphore_mem>>) src(%dma_wait3A_298 : memref<10000x128xf32, #tpu.memory_space<hbm>>) dst(%arg9 : memref<125x128xf32, #tpu.memory_space<vmem>>)
      %run_scoped3A_299 = arith.constant 3 : i32
      "tpu.region"() ({
        %run_scoped3A_314 = tpu.sem_alloc : memref<!tpu.dma_semaphore, #tpu.memory_space<semaphore_mem>>
        %dma_start3A_315 = arith.constant 0 : i32
        %dma_start3A_316 = tpu.memref_slice %arg7[%run_scoped3A_299, %dma_start3A_315] : memref<4x125xi32, #tpu.memory_space<vmem>> -> memref<1x125xi32, #tpu.memory_space<vmem>>
        %dma_start3A_317 = tpu.memref_squeeze %dma_start3A_316 : memref<1x125xi32, #tpu.memory_space<vmem>> -> memref<125xi32, #tpu.memory_space<vmem>>
        %dma_start3A_318 = arith.constant 0 : i32
        %dma_start3A_319 = arith.constant 0 : i32
        %dma_start3A_320 = tpu.memref_slice %arg11[%dma_start3A_318, %dma_start3A_319] : memref<10000x128xf32, #tpu.memory_space<vmem_shared>> -> memref<10000x128xf32, #tpu.memory_space<vmem_shared>>
        tpu.enqueue_indirect_dma source(%arg9 : memref<125x128xf32, #tpu.memory_space<vmem>>) target(%dma_start3A_320 : memref<10000x128xf32, #tpu.memory_space<vmem_shared>>) offsets(%dma_start3A_317 : memref<125xi32, #tpu.memory_space<vmem>>) semaphore(%run_scoped3A_314 : memref<!tpu.dma_semaphore, #tpu.memory_space<semaphore_mem>>) {add = true}
        %dma_wait3A_321 = arith.constant 0 : i32
        %dma_wait3A_322 = tpu.memref_slice %arg7[%run_scoped3A_299, %dma_wait3A_321] : memref<4x125xi32, #tpu.memory_space<vmem>> -> memref<1x125xi32, #tpu.memory_space<vmem>>
        %dma_wait3A_323 = tpu.memref_squeeze %dma_wait3A_322 : memref<1x125xi32, #tpu.memory_space<vmem>> -> memref<125xi32, #tpu.memory_space<vmem>>
        %dma_wait3A_324 = arith.constant 0 : i32
        %dma_wait3A_325 = arith.constant 0 : i32
        %dma_wait3A_326 = tpu.memref_slice %arg11[%dma_wait3A_324, %dma_wait3A_325] : memref<10000x128xf32, #tpu.memory_space<vmem_shared>> -> memref<10000x128xf32, #tpu.memory_space<vmem_shared>>
        tpu.wait_indirect_dma semaphore(%run_scoped3A_314 : memref<!tpu.dma_semaphore, #tpu.memory_space<semaphore_mem>>) src(%arg9 : memref<125x128xf32, #tpu.memory_space<vmem>>) dst(%dma_wait3A_326 : memref<10000x128xf32, #tpu.memory_space<vmem_shared>>)
        tpu.yield
      }) : () -> ()
      %add3A_300 = arith.constant 4 : i32
      %add3A_301 = arith.addi %add3A_291, %add3A_300 : i32
      %lt3A_302 = arith.constant 80 : i32
      %lt3A_303 = arith.cmpi slt, %add3A_301, %lt3A_302 : i32
      %convert_element_type3A_304 = arith.extui %lt3A_303 : i1 to i32
      %cond3A_305 = arith.constant 0 : i32
      %cond3A_306 = arith.cmpi ne, %convert_element_type3A_304, %cond3A_305 : i32
      scf.if %cond3A_306 {
        %add3A_314 = arith.constant 4 : i32
        %add3A_315 = arith.addi %add3A_291, %add3A_314 : i32
        %dma_start3A_316 = arith.constant 3 : i32
        %dma_start3A_317 = arith.constant 0 : i32
        %dma_start3A_318 = tpu.memref_slice %arg6[%dma_start3A_316, %dma_start3A_317] : memref<4x125xi32, #tpu.memory_space<vmem>> -> memref<1x125xi32, #tpu.memory_space<vmem>>
        %dma_start3A_319 = tpu.memref_squeeze %dma_start3A_318 : memref<1x125xi32, #tpu.memory_space<vmem>> -> memref<125xi32, #tpu.memory_space<vmem>>
        %dma_start3A_320 = arith.constant 0 : i32
        %dma_start3A_321 = tpu.memref_slice %arg3[%add3A, %add3A_315, %dma_start3A_320] : memref<32x80x125xi32, #tpu.memory_space<hbm>> -> memref<1x1x125xi32, #tpu.memory_space<hbm>>
        %dma_start3A_322 = tpu.memref_squeeze %dma_start3A_321 : memref<1x1x125xi32, #tpu.memory_space<hbm>> -> memref<125xi32, #tpu.memory_space<hbm>>
        %dma_start3A_323 = arith.constant 0 : i32
        %dma_start3A_324 = tpu.memref_slice %arg6[%dma_start3A_316, %dma_start3A_323] : memref<4x125xi32, #tpu.memory_space<vmem>> -> memref<1x125xi32, #tpu.memory_space<vmem>>
        %dma_start3A_325 = tpu.memref_squeeze %dma_start3A_324 : memref<1x125xi32, #tpu.memory_space<vmem>> -> memref<125xi32, #tpu.memory_space<vmem>>
        %dma_start3A_326 = arith.constant 0 : i32
        %dma_start3A_327 = tpu.memref_slice %arg3[%add3A, %add3A_315, %dma_start3A_326] : memref<32x80x125xi32, #tpu.memory_space<hbm>> -> memref<1x1x125xi32, #tpu.memory_space<hbm>>
        %dma_start3A_328 = tpu.memref_squeeze %dma_start3A_327 : memref<1x1x125xi32, #tpu.memory_space<hbm>> -> memref<125xi32, #tpu.memory_space<hbm>>
        tpu.enqueue_dma source(%dma_start3A_328 : memref<125xi32, #tpu.memory_space<hbm>>) target(%dma_start3A_325 : memref<125xi32, #tpu.memory_space<vmem>>) target_semaphore(%arg17 : memref<!tpu.dma_semaphore, #tpu.memory_space<semaphore_mem>>)
        %dma_start3A_329 = arith.constant 3 : i32
        %dma_start3A_330 = arith.constant 0 : i32
        %dma_start3A_331 = tpu.memref_slice %arg7[%dma_start3A_329, %dma_start3A_330] : memref<4x125xi32, #tpu.memory_space<vmem>> -> memref<1x125xi32, #tpu.memory_space<vmem>>
        %dma_start3A_332 = tpu.memref_squeeze %dma_start3A_331 : memref<1x125xi32, #tpu.memory_space<vmem>> -> memref<125xi32, #tpu.memory_space<vmem>>
        %dma_start3A_333 = arith.constant 0 : i32
        %dma_start3A_334 = tpu.memref_slice %arg4[%add3A, %add3A_315, %dma_start3A_333] : memref<32x80x125xi32, #tpu.memory_space<hbm>> -> memref<1x1x125xi32, #tpu.memory_space<hbm>>
        %dma_start3A_335 = tpu.memref_squeeze %dma_start3A_334 : memref<1x1x125xi32, #tpu.memory_space<hbm>> -> memref<125xi32, #tpu.memory_space<hbm>>
        %dma_start3A_336 = arith.constant 0 : i32
        %dma_start3A_337 = tpu.memref_slice %arg7[%dma_start3A_329, %dma_start3A_336] : memref<4x125xi32, #tpu.memory_space<vmem>> -> memref<1x125xi32, #tpu.memory_space<vmem>>
        %dma_start3A_338 = tpu.memref_squeeze %dma_start3A_337 : memref<1x125xi32, #tpu.memory_space<vmem>> -> memref<125xi32, #tpu.memory_space<vmem>>
        %dma_start3A_339 = arith.constant 0 : i32
        %dma_start3A_340 = tpu.memref_slice %arg4[%add3A, %add3A_315, %dma_start3A_339] : memref<32x80x125xi32, #tpu.memory_space<hbm>> -> memref<1x1x125xi32, #tpu.memory_space<hbm>>
        %dma_start3A_341 = tpu.memref_squeeze %dma_start3A_340 : memref<1x1x125xi32, #tpu.memory_space<hbm>> -> memref<125xi32, #tpu.memory_space<hbm>>
        tpu.enqueue_dma source(%dma_start3A_341 : memref<125xi32, #tpu.memory_space<hbm>>) target(%dma_start3A_338 : memref<125xi32, #tpu.memory_space<vmem>>) target_semaphore(%arg17 : memref<!tpu.dma_semaphore, #tpu.memory_space<semaphore_mem>>)
      } else {
      }
      %add3A_307 = arith.constant 2 : i32
      %add3A_308 = arith.addi %add3A_291, %add3A_307 : i32
      %lt3A_309 = arith.constant 80 : i32
      %lt3A_310 = arith.cmpi slt, %add3A_308, %lt3A_309 : i32
      %convert_element_type3A_311 = arith.extui %lt3A_310 : i1 to i32
      %cond3A_312 = arith.constant 0 : i32
      %cond3A_313 = arith.cmpi ne, %convert_element_type3A_311, %cond3A_312 : i32
      scf.if %cond3A_313 {
        %add3A_314 = arith.constant 2 : i32
        %add3A_315 = arith.addi %add3A_291, %add3A_314 : i32
        %dma_wait3A_316 = arith.constant 1 : i32
        %dma_wait3A_317 = arith.constant 0 : i32
        %dma_wait3A_318 = tpu.memref_slice %arg6[%dma_wait3A_316, %dma_wait3A_317] : memref<4x125xi32, #tpu.memory_space<vmem>> -> memref<1x125xi32, #tpu.memory_space<vmem>>
        %dma_wait3A_319 = tpu.memref_squeeze %dma_wait3A_318 : memref<1x125xi32, #tpu.memory_space<vmem>> -> memref<125xi32, #tpu.memory_space<vmem>>
        %dma_wait3A_320 = arith.constant 0 : i32
        %dma_wait3A_321 = tpu.memref_slice %arg3[%add3A, %add3A_315, %dma_wait3A_320] : memref<32x80x125xi32, #tpu.memory_space<hbm>> -> memref<1x1x125xi32, #tpu.memory_space<hbm>>
        %dma_wait3A_322 = tpu.memref_squeeze %dma_wait3A_321 : memref<1x1x125xi32, #tpu.memory_space<hbm>> -> memref<125xi32, #tpu.memory_space<hbm>>
        %dma_wait3A_323 = arith.constant 0 : i32
        %dma_wait3A_324 = tpu.memref_slice %arg6[%dma_wait3A_316, %dma_wait3A_323] : memref<4x125xi32, #tpu.memory_space<vmem>> -> memref<1x125xi32, #tpu.memory_space<vmem>>
        %dma_wait3A_325 = tpu.memref_squeeze %dma_wait3A_324 : memref<1x125xi32, #tpu.memory_space<vmem>> -> memref<125xi32, #tpu.memory_space<vmem>>
        %dma_wait3A_326 = arith.constant 0 : i32
        %dma_wait3A_327 = tpu.memref_slice %arg3[%add3A, %add3A_315, %dma_wait3A_326] : memref<32x80x125xi32, #tpu.memory_space<hbm>> -> memref<1x1x125xi32, #tpu.memory_space<hbm>>
        %dma_wait3A_328 = tpu.memref_squeeze %dma_wait3A_327 : memref<1x1x125xi32, #tpu.memory_space<hbm>> -> memref<125xi32, #tpu.memory_space<hbm>>
        tpu.wait_dma2 semaphore(%arg15 : memref<!tpu.dma_semaphore, #tpu.memory_space<semaphore_mem>>) src(%dma_wait3A_328 : memref<125xi32, #tpu.memory_space<hbm>>) dst(%dma_wait3A_325 : memref<125xi32, #tpu.memory_space<vmem>>)
        %dma_wait3A_329 = arith.constant 1 : i32
        %dma_wait3A_330 = arith.constant 0 : i32
        %dma_wait3A_331 = tpu.memref_slice %arg7[%dma_wait3A_329, %dma_wait3A_330] : memref<4x125xi32, #tpu.memory_space<vmem>> -> memref<1x125xi32, #tpu.memory_space<vmem>>
        %dma_wait3A_332 = tpu.memref_squeeze %dma_wait3A_331 : memref<1x125xi32, #tpu.memory_space<vmem>> -> memref<125xi32, #tpu.memory_space<vmem>>
        %dma_wait3A_333 = arith.constant 0 : i32
        %dma_wait3A_334 = tpu.memref_slice %arg4[%add3A, %add3A_315, %dma_wait3A_333] : memref<32x80x125xi32, #tpu.memory_space<hbm>> -> memref<1x1x125xi32, #tpu.memory_space<hbm>>
        %dma_wait3A_335 = tpu.memref_squeeze %dma_wait3A_334 : memref<1x1x125xi32, #tpu.memory_space<hbm>> -> memref<125xi32, #tpu.memory_space<hbm>>
        %dma_wait3A_336 = arith.constant 0 : i32
        %dma_wait3A_337 = tpu.memref_slice %arg7[%dma_wait3A_329, %dma_wait3A_336] : memref<4x125xi32, #tpu.memory_space<vmem>> -> memref<1x125xi32, #tpu.memory_space<vmem>>
        %dma_wait3A_338 = tpu.memref_squeeze %dma_wait3A_337 : memref<1x125xi32, #tpu.memory_space<vmem>> -> memref<125xi32, #tpu.memory_space<vmem>>
        %dma_wait3A_339 = arith.constant 0 : i32
        %dma_wait3A_340 = tpu.memref_slice %arg4[%add3A, %add3A_315, %dma_wait3A_339] : memref<32x80x125xi32, #tpu.memory_space<hbm>> -> memref<1x1x125xi32, #tpu.memory_space<hbm>>
        %dma_wait3A_341 = tpu.memref_squeeze %dma_wait3A_340 : memref<1x1x125xi32, #tpu.memory_space<hbm>> -> memref<125xi32, #tpu.memory_space<hbm>>
        tpu.wait_dma2 semaphore(%arg15 : memref<!tpu.dma_semaphore, #tpu.memory_space<semaphore_mem>>) src(%dma_wait3A_341 : memref<125xi32, #tpu.memory_space<hbm>>) dst(%dma_wait3A_338 : memref<125xi32, #tpu.memory_space<vmem>>)
        %dma_start3A_342 = arith.constant 1 : i32
        %dma_start3A_343 = arith.constant 0 : i32
        %dma_start3A_344 = tpu.memref_slice %arg6[%dma_start3A_342, %dma_start3A_343] : memref<4x125xi32, #tpu.memory_space<vmem>> -> memref<1x125xi32, #tpu.memory_space<vmem>>
        %dma_start3A_345 = tpu.memref_squeeze %dma_start3A_344 : memref<1x125xi32, #tpu.memory_space<vmem>> -> memref<125xi32, #tpu.memory_space<vmem>>
        %dma_start3A_346 = arith.constant 0 : i32
        %dma_start3A_347 = arith.constant 0 : i32
        %dma_start3A_348 = tpu.memref_slice %arg2[%dma_start3A_346, %dma_start3A_347] : memref<10000x128xf32, #tpu.memory_space<hbm>> -> memref<10000x128xf32, #tpu.memory_space<hbm>>
        tpu.enqueue_indirect_dma source(%dma_start3A_348 : memref<10000x128xf32, #tpu.memory_space<hbm>>) target(%arg9 : memref<125x128xf32, #tpu.memory_space<vmem>>) offsets(%dma_start3A_345 : memref<125xi32, #tpu.memory_space<vmem>>) semaphore(%arg13 : memref<!tpu.dma_semaphore, #tpu.memory_space<semaphore_mem>>)
      } else {
      }
    }
    %scan3A_200 = arith.constant 20 : i32
    %barrier3A_201 = arith.constant 0 : index
    tpu.barrier barrier_id(%barrier3A_201)
    %mul3A_202 = arith.constant 624 : i32
    %mul3A_203 = arith.muli %arg1, %mul3A_202 : i32
    %mul3A_204 = arith.constant 624 : i32
    %mul3A_205 = arith.muli %arg1, %mul3A_204 : i32
    "tpu.region"() ({
      %run_scoped3A = tpu.sem_alloc : memref<!tpu.dma_semaphore, #tpu.memory_space<semaphore_mem>>
      %dma_start3A_211 = arith.constant 0 : i32
      %dma_start3A_212 = tpu.memref_slice %arg5[%arg0, %mul3A_205, %dma_start3A_211] : memref<2x10000x128xf32, #tpu.memory_space<hbm>> -> memref<1x624x128xf32, #tpu.memory_space<hbm>>
      %dma_start3A_213 = tpu.memref_squeeze %dma_start3A_212 : memref<1x624x128xf32, #tpu.memory_space<hbm>> -> memref<624x128xf32, #tpu.memory_space<hbm>>
      %dma_start3A_214 = arith.constant 0 : i32
      %dma_start3A_215 = tpu.memref_slice %arg11[%mul3A_203, %dma_start3A_214] : memref<10000x128xf32, #tpu.memory_space<vmem_shared>> -> memref<624x128xf32, #tpu.memory_space<vmem_shared>>
      tpu.enqueue_dma source(%dma_start3A_215 : memref<624x128xf32, #tpu.memory_space<vmem_shared>>) target(%dma_start3A_213 : memref<624x128xf32, #tpu.memory_space<hbm>>) target_semaphore(%run_scoped3A : memref<!tpu.dma_semaphore, #tpu.memory_space<semaphore_mem>>)
      %dma_wait3A_216 = arith.constant 0 : i32
      %dma_wait3A_217 = tpu.memref_slice %arg5[%arg0, %mul3A_205, %dma_wait3A_216] : memref<2x10000x128xf32, #tpu.memory_space<hbm>> -> memref<1x624x128xf32, #tpu.memory_space<hbm>>
      %dma_wait3A_218 = tpu.memref_squeeze %dma_wait3A_217 : memref<1x624x128xf32, #tpu.memory_space<hbm>> -> memref<624x128xf32, #tpu.memory_space<hbm>>
      %dma_wait3A_219 = arith.constant 0 : i32
      %dma_wait3A_220 = tpu.memref_slice %arg11[%mul3A_203, %dma_wait3A_219] : memref<10000x128xf32, #tpu.memory_space<vmem_shared>> -> memref<624x128xf32, #tpu.memory_space<vmem_shared>>
      tpu.wait_dma2 semaphore(%run_scoped3A : memref<!tpu.dma_semaphore, #tpu.memory_space<semaphore_mem>>) src(%dma_wait3A_220 : memref<624x128xf32, #tpu.memory_space<vmem_shared>>) dst(%dma_wait3A_218 : memref<624x128xf32, #tpu.memory_space<hbm>>)
      tpu.yield
    }) : () -> ()
    %eq3A_206 = arith.constant 15 : i32
    %eq3A_207 = arith.cmpi eq, %arg1, %eq3A_206 : i32
    %convert_element_type3A_208 = arith.extui %eq3A_207 : i1 to i32
    %cond3A_209 = arith.constant 0 : i32
    %cond3A_210 = arith.cmpi ne, %convert_element_type3A_208, %cond3A_209 : i32
    scf.if %cond3A_210 {
      "tpu.region"() ({
        %run_scoped3A = tpu.sem_alloc : memref<!tpu.dma_semaphore, #tpu.memory_space<semaphore_mem>>
        %dma_start3A_211 = arith.constant 9984 : i32
        %dma_start3A_212 = arith.constant 0 : i32
        %dma_start3A_213 = tpu.memref_slice %arg5[%arg0, %dma_start3A_211, %dma_start3A_212] : memref<2x10000x128xf32, #tpu.memory_space<hbm>> -> memref<1x16x128xf32, #tpu.memory_space<hbm>>
        %dma_start3A_214 = tpu.memref_squeeze %dma_start3A_213 : memref<1x16x128xf32, #tpu.memory_space<hbm>> -> memref<16x128xf32, #tpu.memory_space<hbm>>
        %dma_start3A_215 = arith.constant 9984 : i32
        %dma_start3A_216 = arith.constant 0 : i32
        %dma_start3A_217 = tpu.memref_slice %arg11[%dma_start3A_215, %dma_start3A_216] : memref<10000x128xf32, #tpu.memory_space<vmem_shared>> -> memref<16x128xf32, #tpu.memory_space<vmem_shared>>
        tpu.enqueue_dma source(%dma_start3A_217 : memref<16x128xf32, #tpu.memory_space<vmem_shared>>) target(%dma_start3A_214 : memref<16x128xf32, #tpu.memory_space<hbm>>) target_semaphore(%run_scoped3A : memref<!tpu.dma_semaphore, #tpu.memory_space<semaphore_mem>>)
        %dma_wait3A_218 = arith.constant 9984 : i32
        %dma_wait3A_219 = arith.constant 0 : i32
        %dma_wait3A_220 = tpu.memref_slice %arg5[%arg0, %dma_wait3A_218, %dma_wait3A_219] : memref<2x10000x128xf32, #tpu.memory_space<hbm>> -> memref<1x16x128xf32, #tpu.memory_space<hbm>>
        %dma_wait3A_221 = tpu.memref_squeeze %dma_wait3A_220 : memref<1x16x128xf32, #tpu.memory_space<hbm>> -> memref<16x128xf32, #tpu.memory_space<hbm>>
        %dma_wait3A_222 = arith.constant 9984 : i32
        %dma_wait3A_223 = arith.constant 0 : i32
        %dma_wait3A_224 = tpu.memref_slice %arg11[%dma_wait3A_222, %dma_wait3A_223] : memref<10000x128xf32, #tpu.memory_space<vmem_shared>> -> memref<16x128xf32, #tpu.memory_space<vmem_shared>>
        tpu.wait_dma2 semaphore(%run_scoped3A : memref<!tpu.dma_semaphore, #tpu.memory_space<semaphore_mem>>) src(%dma_wait3A_224 : memref<16x128xf32, #tpu.memory_space<vmem_shared>>) dst(%dma_wait3A_221 : memref<16x128xf32, #tpu.memory_space<hbm>>)
        tpu.yield
      }) : () -> ()
    } else {
    }
    return
  }
}

#map = affine_map<(d0, d1) -> (0, 0, 0)>
module attributes {stable_mosaic.version = 14 : i64} {
  func.func @_deg_kernel(%arg0: i32, %arg1: i32, %arg2: memref<32x100x100xi32, #tpu.memory_space<hbm>>, %arg3: memref<2x10000x128xf32, #tpu.memory_space<hbm>>, %arg4: memref<100x100xi32, #tpu.memory_space<vmem>>, %arg5: memref<100x128xf32, #tpu.memory_space<vmem>>, %arg6: memref<16x128xf32, #tpu.memory_space<vmem>>, %arg7: memref<10000x128xf32, #tpu.memory_space<vmem_shared>>) attributes {dimension_semantics = [#tpu.dimension_semantics<core_parallel>, #tpu.dimension_semantics<subcore_parallel>], iteration_bounds = array<i64: 2, 16>, scalar_prefetch = 0 : i64, scratch_operands = 4 : i64, tpu.core_type = #tpu.core_type<sc_vector_subcore>, window_params = [{transform_indices = #map}, {transform_indices = #map}]} {
    %mul3A = arith.constant 2 : i32
    %mul3A_0 = arith.muli %arg1, %mul3A : i32
    %add3A = arith.addi %mul3A_0, %arg0 : i32
    %broadcast_in_dim3A = arith.constant 0.000000e+00 : f32
    %broadcast_in_dim3A_1 = vector.broadcast %broadcast_in_dim3A : f32 to vector<16xf32>
    %scan3A = arith.constant 0 : i32
    %scan3A_2 = arith.constant 0 : i32
    %scan3A_3 = arith.constant 128 : i32
    %scan3A_4 = arith.addi %scan3A_2, %scan3A_3 : i32
    %scan3A_5 = arith.constant 1 : i32
    scf.for %scan3A_39 = %scan3A_2 to %scan3A_4 step %scan3A_5  : i32 {
      %jit3A = arith.constant 8 : i32
      %div3A = arith.divsi %scan3A_39, %jit3A : i32
      %sign3A = arith.constant 0 : i32
      %sign3A_40 = arith.cmpi sgt, %scan3A_39, %sign3A : i32
      %sign3A_41 = arith.extui %sign3A_40 : i1 to i32
      %sign3A_42 = arith.constant 0 : i32
      %sign3A_43 = arith.cmpi slt, %scan3A_39, %sign3A_42 : i32
      %sign3A_44 = arith.extui %sign3A_43 : i1 to i32
      %sign3A_45 = arith.subi %sign3A_41, %sign3A_44 : i32
      %sign3A_46 = arith.constant 0 : i32
      %sign3A_47 = arith.cmpi sgt, %jit3A, %sign3A_46 : i32
      %sign3A_48 = arith.extui %sign3A_47 : i1 to i32
      %sign3A_49 = arith.constant 0 : i32
      %sign3A_50 = arith.cmpi slt, %jit3A, %sign3A_49 : i32
      %sign3A_51 = arith.extui %sign3A_50 : i1 to i32
      %sign3A_52 = arith.subi %sign3A_48, %sign3A_51 : i32
      %ne3A = arith.cmpi ne, %sign3A_45, %sign3A_52 : i32
      %rem3A = arith.remsi %scan3A_39, %jit3A : i32
      %ne3A_53 = arith.constant 0 : i32
      %ne3A_54 = arith.cmpi ne, %rem3A, %ne3A_53 : i32
      %and3A = arith.andi %ne3A, %ne3A_54 : i1
      %sub3A = arith.constant 1 : i32
      %sub3A_55 = arith.subi %div3A, %sub3A : i32
      %select_n3A = arith.select %and3A, %sub3A_55, %div3A : i32
      %jit3A_56 = arith.constant 8 : i32
      %eq3A_57 = arith.constant 0 : i32
      %eq3A_58 = arith.cmpi eq, %jit3A_56, %eq3A_57 : i32
      %jit3A_59 = arith.constant 1 : i32
      %select_n3A_60 = arith.select %eq3A_58, %jit3A_59, %jit3A_56 : i32
      %rem3A_61 = arith.remsi %scan3A_39, %select_n3A_60 : i32
      %ne3A_62 = arith.constant 0 : i32
      %ne3A_63 = arith.cmpi ne, %rem3A_61, %ne3A_62 : i32
      %lt3A = arith.constant 0 : i32
      %lt3A_64 = arith.cmpi slt, %rem3A_61, %lt3A : i32
      %lt3A_65 = arith.constant 0 : i32
      %lt3A_66 = arith.cmpi slt, %select_n3A_60, %lt3A_65 : i32
      %ne3A_67 = arith.xori %lt3A_64, %lt3A_66 : i1
      %and3A_68 = arith.andi %ne3A_67, %ne3A_63 : i1
      %add3A_69 = arith.addi %rem3A_61, %select_n3A_60 : i32
      %select_n3A_70 = arith.select %and3A_68, %add3A_69, %rem3A_61 : i32
      %mul3A_71 = arith.constant 16 : i32
      %mul3A_72 = arith.muli %select_n3A_70, %mul3A_71 : i32
      %swap3A = arith.index_cast %select_n3A : i32 to index
      %swap3A_73 = arith.index_cast %mul3A_72 : i32 to index
      %swap3A_74 = tpu.vector_load %arg6[%swap3A, %swap3A_73] {strides = array<i32>} : memref<16x128xf32, #tpu.memory_space<vmem>>, vector<1x16xf32>,
      %swap3A_75 = vector.shape_cast %swap3A_74 : vector<1x16xf32> to vector<16xf32>
      %swap3A_76 = vector.shape_cast %broadcast_in_dim3A_1 : vector<16xf32> to vector<1x16xf32>
      tpu.vector_store %arg6[%swap3A, %swap3A_73], %swap3A_76 {strides = array<i32>} : memref<16x128xf32, #tpu.memory_space<vmem>>, vector<1x16xf32>,
    }
    %scan3A_6 = arith.constant 128 : i32
    %scan3A_7 = arith.constant 0 : i32
    %scan3A_8 = arith.constant 0 : i32
    %scan3A_9 = arith.constant 39 : i32
    %scan3A_10 = arith.addi %scan3A_8, %scan3A_9 : i32
    %scan3A_11 = arith.constant 1 : i32
    scf.for %scan3A_39 = %scan3A_8 to %scan3A_10 step %scan3A_11  : i32 {
      %mul3A_40 = arith.constant 624 : i32
      %mul3A_41 = arith.muli %arg1, %mul3A_40 : i32
      %mul3A_42 = arith.constant 16 : i32
      %mul3A_43 = arith.muli %scan3A_39, %mul3A_42 : i32
      %add3A_44 = arith.addi %mul3A_41, %mul3A_43 : i32
      "tpu.region"() ({
        %run_scoped3A = tpu.sem_alloc : memref<!tpu.dma_semaphore, #tpu.memory_space<semaphore_mem>>
        %dma_start3A = arith.constant 0 : i32
        %dma_start3A_45 = tpu.memref_slice %arg7[%add3A_44, %dma_start3A] : memref<10000x128xf32, #tpu.memory_space<vmem_shared>> -> memref<16x128xf32, #tpu.memory_space<vmem_shared>>
        %dma_start3A_46 = arith.constant 0 : i32
        %dma_start3A_47 = tpu.memref_slice %arg7[%add3A_44, %dma_start3A_46] : memref<10000x128xf32, #tpu.memory_space<vmem_shared>> -> memref<16x128xf32, #tpu.memory_space<vmem_shared>>
        tpu.enqueue_dma source(%arg6 : memref<16x128xf32, #tpu.memory_space<vmem>>) target(%dma_start3A_47 : memref<16x128xf32, #tpu.memory_space<vmem_shared>>) target_semaphore(%run_scoped3A : memref<!tpu.dma_semaphore, #tpu.memory_space<semaphore_mem>>)
        %dma_wait3A = arith.constant 0 : i32
        %dma_wait3A_48 = tpu.memref_slice %arg7[%add3A_44, %dma_wait3A] : memref<10000x128xf32, #tpu.memory_space<vmem_shared>> -> memref<16x128xf32, #tpu.memory_space<vmem_shared>>
        %dma_wait3A_49 = arith.constant 0 : i32
        %dma_wait3A_50 = tpu.memref_slice %arg7[%add3A_44, %dma_wait3A_49] : memref<10000x128xf32, #tpu.memory_space<vmem_shared>> -> memref<16x128xf32, #tpu.memory_space<vmem_shared>>
        tpu.wait_dma2 semaphore(%run_scoped3A : memref<!tpu.dma_semaphore, #tpu.memory_space<semaphore_mem>>) src(%arg6 : memref<16x128xf32, #tpu.memory_space<vmem>>) dst(%dma_wait3A_50 : memref<16x128xf32, #tpu.memory_space<vmem_shared>>)
        tpu.yield
      }) : () -> ()
    }
    %scan3A_12 = arith.constant 39 : i32
    %eq3A = arith.constant 15 : i32
    %eq3A_13 = arith.cmpi eq, %arg1, %eq3A : i32
    %convert_element_type3A = arith.extui %eq3A_13 : i1 to i32
    %cond3A = arith.constant 0 : i32
    %cond3A_14 = arith.cmpi ne, %convert_element_type3A, %cond3A : i32
    scf.if %cond3A_14 {
      "tpu.region"() ({
        %run_scoped3A = tpu.sem_alloc : memref<!tpu.dma_semaphore, #tpu.memory_space<semaphore_mem>>
        %dma_start3A = arith.constant 0 : i32
        %dma_start3A_39 = arith.constant 0 : i32
        %dma_start3A_40 = tpu.memref_slice %arg6[%dma_start3A, %dma_start3A_39] : memref<16x128xf32, #tpu.memory_space<vmem>> -> memref<16x128xf32, #tpu.memory_space<vmem>>
        %dma_start3A_41 = arith.constant 9984 : i32
        %dma_start3A_42 = arith.constant 0 : i32
        %dma_start3A_43 = tpu.memref_slice %arg7[%dma_start3A_41, %dma_start3A_42] : memref<10000x128xf32, #tpu.memory_space<vmem_shared>> -> memref<16x128xf32, #tpu.memory_space<vmem_shared>>
        %dma_start3A_44 = arith.constant 9984 : i32
        %dma_start3A_45 = arith.constant 0 : i32
        %dma_start3A_46 = tpu.memref_slice %arg7[%dma_start3A_44, %dma_start3A_45] : memref<10000x128xf32, #tpu.memory_space<vmem_shared>> -> memref<16x128xf32, #tpu.memory_space<vmem_shared>>
        %dma_start3A_47 = arith.constant 0 : i32
        %dma_start3A_48 = arith.constant 0 : i32
        %dma_start3A_49 = tpu.memref_slice %arg6[%dma_start3A_47, %dma_start3A_48] : memref<16x128xf32, #tpu.memory_space<vmem>> -> memref<16x128xf32, #tpu.memory_space<vmem>>
        tpu.enqueue_dma source(%dma_start3A_49 : memref<16x128xf32, #tpu.memory_space<vmem>>) target(%dma_start3A_46 : memref<16x128xf32, #tpu.memory_space<vmem_shared>>) target_semaphore(%run_scoped3A : memref<!tpu.dma_semaphore, #tpu.memory_space<semaphore_mem>>)
        %dma_wait3A = arith.constant 0 : i32
        %dma_wait3A_50 = arith.constant 0 : i32
        %dma_wait3A_51 = tpu.memref_slice %arg6[%dma_wait3A, %dma_wait3A_50] : memref<16x128xf32, #tpu.memory_space<vmem>> -> memref<16x128xf32, #tpu.memory_space<vmem>>
        %dma_wait3A_52 = arith.constant 9984 : i32
        %dma_wait3A_53 = arith.constant 0 : i32
        %dma_wait3A_54 = tpu.memref_slice %arg7[%dma_wait3A_52, %dma_wait3A_53] : memref<10000x128xf32, #tpu.memory_space<vmem_shared>> -> memref<16x128xf32, #tpu.memory_space<vmem_shared>>
        %dma_wait3A_55 = arith.constant 9984 : i32
        %dma_wait3A_56 = arith.constant 0 : i32
        %dma_wait3A_57 = tpu.memref_slice %arg7[%dma_wait3A_55, %dma_wait3A_56] : memref<10000x128xf32, #tpu.memory_space<vmem_shared>> -> memref<16x128xf32, #tpu.memory_space<vmem_shared>>
        %dma_wait3A_58 = arith.constant 0 : i32
        %dma_wait3A_59 = arith.constant 0 : i32
        %dma_wait3A_60 = tpu.memref_slice %arg6[%dma_wait3A_58, %dma_wait3A_59] : memref<16x128xf32, #tpu.memory_space<vmem>> -> memref<16x128xf32, #tpu.memory_space<vmem>>
        tpu.wait_dma2 semaphore(%run_scoped3A : memref<!tpu.dma_semaphore, #tpu.memory_space<semaphore_mem>>) src(%dma_wait3A_60 : memref<16x128xf32, #tpu.memory_space<vmem>>) dst(%dma_wait3A_57 : memref<16x128xf32, #tpu.memory_space<vmem_shared>>)
        tpu.yield
      }) : () -> ()
    } else {
    }
    %broadcast_in_dim3A_15 = arith.constant 1.000000e+00 : f32
    %broadcast_in_dim3A_16 = vector.broadcast %broadcast_in_dim3A_15 : f32 to vector<16xf32>
    %scan3A_17 = arith.constant 0 : i32
    %scan3A_18 = arith.constant 0 : i32
    %scan3A_19 = arith.constant 800 : i32
    %scan3A_20 = arith.addi %scan3A_18, %scan3A_19 : i32
    %scan3A_21 = arith.constant 1 : i32
    scf.for %scan3A_39 = %scan3A_18 to %scan3A_20 step %scan3A_21  : i32 {
      %jit3A = arith.constant 8 : i32
      %div3A = arith.divsi %scan3A_39, %jit3A : i32
      %sign3A = arith.constant 0 : i32
      %sign3A_40 = arith.cmpi sgt, %scan3A_39, %sign3A : i32
      %sign3A_41 = arith.extui %sign3A_40 : i1 to i32
      %sign3A_42 = arith.constant 0 : i32
      %sign3A_43 = arith.cmpi slt, %scan3A_39, %sign3A_42 : i32
      %sign3A_44 = arith.extui %sign3A_43 : i1 to i32
      %sign3A_45 = arith.subi %sign3A_41, %sign3A_44 : i32
      %sign3A_46 = arith.constant 0 : i32
      %sign3A_47 = arith.cmpi sgt, %jit3A, %sign3A_46 : i32
      %sign3A_48 = arith.extui %sign3A_47 : i1 to i32
      %sign3A_49 = arith.constant 0 : i32
      %sign3A_50 = arith.cmpi slt, %jit3A, %sign3A_49 : i32
      %sign3A_51 = arith.extui %sign3A_50 : i1 to i32
      %sign3A_52 = arith.subi %sign3A_48, %sign3A_51 : i32
      %ne3A = arith.cmpi ne, %sign3A_45, %sign3A_52 : i32
      %rem3A = arith.remsi %scan3A_39, %jit3A : i32
      %ne3A_53 = arith.constant 0 : i32
      %ne3A_54 = arith.cmpi ne, %rem3A, %ne3A_53 : i32
      %and3A = arith.andi %ne3A, %ne3A_54 : i1
      %sub3A = arith.constant 1 : i32
      %sub3A_55 = arith.subi %div3A, %sub3A : i32
      %select_n3A = arith.select %and3A, %sub3A_55, %div3A : i32
      %jit3A_56 = arith.constant 8 : i32
      %eq3A_57 = arith.constant 0 : i32
      %eq3A_58 = arith.cmpi eq, %jit3A_56, %eq3A_57 : i32
      %jit3A_59 = arith.constant 1 : i32
      %select_n3A_60 = arith.select %eq3A_58, %jit3A_59, %jit3A_56 : i32
      %rem3A_61 = arith.remsi %scan3A_39, %select_n3A_60 : i32
      %ne3A_62 = arith.constant 0 : i32
      %ne3A_63 = arith.cmpi ne, %rem3A_61, %ne3A_62 : i32
      %lt3A = arith.constant 0 : i32
      %lt3A_64 = arith.cmpi slt, %rem3A_61, %lt3A : i32
      %lt3A_65 = arith.constant 0 : i32
      %lt3A_66 = arith.cmpi slt, %select_n3A_60, %lt3A_65 : i32
      %ne3A_67 = arith.xori %lt3A_64, %lt3A_66 : i1
      %and3A_68 = arith.andi %ne3A_67, %ne3A_63 : i1
      %add3A_69 = arith.addi %rem3A_61, %select_n3A_60 : i32
      %select_n3A_70 = arith.select %and3A_68, %add3A_69, %rem3A_61 : i32
      %mul3A_71 = arith.constant 16 : i32
      %mul3A_72 = arith.muli %select_n3A_70, %mul3A_71 : i32
      %swap3A = arith.index_cast %select_n3A : i32 to index
      %swap3A_73 = arith.index_cast %mul3A_72 : i32 to index
      %swap3A_74 = tpu.vector_load %arg5[%swap3A, %swap3A_73] {strides = array<i32>} : memref<100x128xf32, #tpu.memory_space<vmem>>, vector<1x16xf32>,
      %swap3A_75 = vector.shape_cast %swap3A_74 : vector<1x16xf32> to vector<16xf32>
      %swap3A_76 = vector.shape_cast %broadcast_in_dim3A_16 : vector<16xf32> to vector<1x16xf32>
      tpu.vector_store %arg5[%swap3A, %swap3A_73], %swap3A_76 {strides = array<i32>} : memref<100x128xf32, #tpu.memory_space<vmem>>, vector<1x16xf32>,
    }
    %scan3A_22 = arith.constant 800 : i32
    "tpu.region"() ({
      %run_scoped3A = tpu.sem_alloc : memref<!tpu.dma_semaphore, #tpu.memory_space<semaphore_mem>>
      %dma_start3A = arith.constant 0 : i32
      %dma_start3A_39 = arith.constant 0 : i32
      %dma_start3A_40 = tpu.memref_slice %arg2[%add3A, %dma_start3A, %dma_start3A_39] : memref<32x100x100xi32, #tpu.memory_space<hbm>> -> memref<1x100x100xi32, #tpu.memory_space<hbm>>
      %dma_start3A_41 = tpu.memref_squeeze %dma_start3A_40 : memref<1x100x100xi32, #tpu.memory_space<hbm>> -> memref<100x100xi32, #tpu.memory_space<hbm>>
      %dma_start3A_42 = arith.constant 0 : i32
      %dma_start3A_43 = arith.constant 0 : i32
      %dma_start3A_44 = tpu.memref_slice %arg2[%add3A, %dma_start3A_42, %dma_start3A_43] : memref<32x100x100xi32, #tpu.memory_space<hbm>> -> memref<1x100x100xi32, #tpu.memory_space<hbm>>
      %dma_start3A_45 = tpu.memref_squeeze %dma_start3A_44 : memref<1x100x100xi32, #tpu.memory_space<hbm>> -> memref<100x100xi32, #tpu.memory_space<hbm>>
      tpu.enqueue_dma source(%dma_start3A_45 : memref<100x100xi32, #tpu.memory_space<hbm>>) target(%arg4 : memref<100x100xi32, #tpu.memory_space<vmem>>) target_semaphore(%run_scoped3A : memref<!tpu.dma_semaphore, #tpu.memory_space<semaphore_mem>>)
      %dma_wait3A = arith.constant 0 : i32
      %dma_wait3A_46 = arith.constant 0 : i32
      %dma_wait3A_47 = tpu.memref_slice %arg2[%add3A, %dma_wait3A, %dma_wait3A_46] : memref<32x100x100xi32, #tpu.memory_space<hbm>> -> memref<1x100x100xi32, #tpu.memory_space<hbm>>
      %dma_wait3A_48 = tpu.memref_squeeze %dma_wait3A_47 : memref<1x100x100xi32, #tpu.memory_space<hbm>> -> memref<100x100xi32, #tpu.memory_space<hbm>>
      %dma_wait3A_49 = arith.constant 0 : i32
      %dma_wait3A_50 = arith.constant 0 : i32
      %dma_wait3A_51 = tpu.memref_slice %arg2[%add3A, %dma_wait3A_49, %dma_wait3A_50] : memref<32x100x100xi32, #tpu.memory_space<hbm>> -> memref<1x100x100xi32, #tpu.memory_space<hbm>>
      %dma_wait3A_52 = tpu.memref_squeeze %dma_wait3A_51 : memref<1x100x100xi32, #tpu.memory_space<hbm>> -> memref<100x100xi32, #tpu.memory_space<hbm>>
      tpu.wait_dma2 semaphore(%run_scoped3A : memref<!tpu.dma_semaphore, #tpu.memory_space<semaphore_mem>>) src(%dma_wait3A_52 : memref<100x100xi32, #tpu.memory_space<hbm>>) dst(%arg4 : memref<100x100xi32, #tpu.memory_space<vmem>>)
      tpu.yield
    }) : () -> ()
    %barrier3A = arith.constant 0 : index
    tpu.barrier barrier_id(%barrier3A)
    %scan3A_23 = arith.constant 0 : i32
    %scan3A_24 = arith.constant 0 : i32
    %scan3A_25 = arith.constant 100 : i32
    %scan3A_26 = arith.addi %scan3A_24, %scan3A_25 : i32
    %scan3A_27 = arith.constant 1 : i32
    scf.for %scan3A_39 = %scan3A_24 to %scan3A_26 step %scan3A_27  : i32 {
      "tpu.region"() ({
        %run_scoped3A = tpu.sem_alloc : memref<!tpu.dma_semaphore, #tpu.memory_space<semaphore_mem>>
        %dma_start3A = arith.constant 0 : i32
        %dma_start3A_40 = tpu.memref_slice %arg4[%scan3A_39, %dma_start3A] : memref<100x100xi32, #tpu.memory_space<vmem>> -> memref<1x100xi32, #tpu.memory_space<vmem>>
        %dma_start3A_41 = tpu.memref_squeeze %dma_start3A_40 : memref<1x100xi32, #tpu.memory_space<vmem>> -> memref<100xi32, #tpu.memory_space<vmem>>
        %dma_start3A_42 = arith.constant 0 : i32
        %dma_start3A_43 = arith.constant 0 : i32
        %dma_start3A_44 = tpu.memref_slice %arg7[%dma_start3A_42, %dma_start3A_43] : memref<10000x128xf32, #tpu.memory_space<vmem_shared>> -> memref<10000x128xf32, #tpu.memory_space<vmem_shared>>
        tpu.enqueue_indirect_dma source(%arg5 : memref<100x128xf32, #tpu.memory_space<vmem>>) target(%dma_start3A_44 : memref<10000x128xf32, #tpu.memory_space<vmem_shared>>) offsets(%dma_start3A_41 : memref<100xi32, #tpu.memory_space<vmem>>) semaphore(%run_scoped3A : memref<!tpu.dma_semaphore, #tpu.memory_space<semaphore_mem>>) {add = true}
        %dma_wait3A = arith.constant 0 : i32
        %dma_wait3A_45 = tpu.memref_slice %arg4[%scan3A_39, %dma_wait3A] : memref<100x100xi32, #tpu.memory_space<vmem>> -> memref<1x100xi32, #tpu.memory_space<vmem>>
        %dma_wait3A_46 = tpu.memref_squeeze %dma_wait3A_45 : memref<1x100xi32, #tpu.memory_space<vmem>> -> memref<100xi32, #tpu.memory_space<vmem>>
        %dma_wait3A_47 = arith.constant 0 : i32
        %dma_wait3A_48 = arith.constant 0 : i32
        %dma_wait3A_49 = tpu.memref_slice %arg7[%dma_wait3A_47, %dma_wait3A_48] : memref<10000x128xf32, #tpu.memory_space<vmem_shared>> -> memref<10000x128xf32, #tpu.memory_space<vmem_shared>>
        tpu.wait_indirect_dma semaphore(%run_scoped3A : memref<!tpu.dma_semaphore, #tpu.memory_space<semaphore_mem>>) src(%arg5 : memref<100x128xf32, #tpu.memory_space<vmem>>) dst(%dma_wait3A_49 : memref<10000x128xf32, #tpu.memory_space<vmem_shared>>)
        tpu.yield
      }) : () -> ()
    }
    %scan3A_28 = arith.constant 100 : i32
    %barrier3A_29 = arith.constant 0 : index
    tpu.barrier barrier_id(%barrier3A_29)
    %mul3A_30 = arith.constant 624 : i32
    %mul3A_31 = arith.muli %arg1, %mul3A_30 : i32
    %mul3A_32 = arith.constant 624 : i32
    %mul3A_33 = arith.muli %arg1, %mul3A_32 : i32
    "tpu.region"() ({
      %run_scoped3A = tpu.sem_alloc : memref<!tpu.dma_semaphore, #tpu.memory_space<semaphore_mem>>
      %dma_start3A = arith.constant 0 : i32
      %dma_start3A_39 = tpu.memref_slice %arg3[%arg0, %mul3A_33, %dma_start3A] : memref<2x10000x128xf32, #tpu.memory_space<hbm>> -> memref<1x624x128xf32, #tpu.memory_space<hbm>>
      %dma_start3A_40 = tpu.memref_squeeze %dma_start3A_39 : memref<1x624x128xf32, #tpu.memory_space<hbm>> -> memref<624x128xf32, #tpu.memory_space<hbm>>
      %dma_start3A_41 = arith.constant 0 : i32
      %dma_start3A_42 = tpu.memref_slice %arg7[%mul3A_31, %dma_start3A_41] : memref<10000x128xf32, #tpu.memory_space<vmem_shared>> -> memref<624x128xf32, #tpu.memory_space<vmem_shared>>
      tpu.enqueue_dma source(%dma_start3A_42 : memref<624x128xf32, #tpu.memory_space<vmem_shared>>) target(%dma_start3A_40 : memref<624x128xf32, #tpu.memory_space<hbm>>) target_semaphore(%run_scoped3A : memref<!tpu.dma_semaphore, #tpu.memory_space<semaphore_mem>>)
      %dma_wait3A = arith.constant 0 : i32
      %dma_wait3A_43 = tpu.memref_slice %arg3[%arg0, %mul3A_33, %dma_wait3A] : memref<2x10000x128xf32, #tpu.memory_space<hbm>> -> memref<1x624x128xf32, #tpu.memory_space<hbm>>
      %dma_wait3A_44 = tpu.memref_squeeze %dma_wait3A_43 : memref<1x624x128xf32, #tpu.memory_space<hbm>> -> memref<624x128xf32, #tpu.memory_space<hbm>>
      %dma_wait3A_45 = arith.constant 0 : i32
      %dma_wait3A_46 = tpu.memref_slice %arg7[%mul3A_31, %dma_wait3A_45] : memref<10000x128xf32, #tpu.memory_space<vmem_shared>> -> memref<624x128xf32, #tpu.memory_space<vmem_shared>>
      tpu.wait_dma2 semaphore(%run_scoped3A : memref<!tpu.dma_semaphore, #tpu.memory_space<semaphore_mem>>) src(%dma_wait3A_46 : memref<624x128xf32, #tpu.memory_space<vmem_shared>>) dst(%dma_wait3A_44 : memref<624x128xf32, #tpu.memory_space<hbm>>)
      tpu.yield
    }) : () -> ()
    %eq3A_34 = arith.constant 15 : i32
    %eq3A_35 = arith.cmpi eq, %arg1, %eq3A_34 : i32
    %convert_element_type3A_36 = arith.extui %eq3A_35 : i1 to i32
    %cond3A_37 = arith.constant 0 : i32
    %cond3A_38 = arith.cmpi ne, %convert_element_type3A_36, %cond3A_37 : i32
    scf.if %cond3A_38 {
      "tpu.region"() ({
        %run_scoped3A = tpu.sem_alloc : memref<!tpu.dma_semaphore, #tpu.memory_space<semaphore_mem>>
        %dma_start3A = arith.constant 9984 : i32
        %dma_start3A_39 = arith.constant 0 : i32
        %dma_start3A_40 = tpu.memref_slice %arg3[%arg0, %dma_start3A, %dma_start3A_39] : memref<2x10000x128xf32, #tpu.memory_space<hbm>> -> memref<1x16x128xf32, #tpu.memory_space<hbm>>
        %dma_start3A_41 = tpu.memref_squeeze %dma_start3A_40 : memref<1x16x128xf32, #tpu.memory_space<hbm>> -> memref<16x128xf32, #tpu.memory_space<hbm>>
        %dma_start3A_42 = arith.constant 9984 : i32
        %dma_start3A_43 = arith.constant 0 : i32
        %dma_start3A_44 = tpu.memref_slice %arg7[%dma_start3A_42, %dma_start3A_43] : memref<10000x128xf32, #tpu.memory_space<vmem_shared>> -> memref<16x128xf32, #tpu.memory_space<vmem_shared>>
        tpu.enqueue_dma source(%dma_start3A_44 : memref<16x128xf32, #tpu.memory_space<vmem_shared>>) target(%dma_start3A_41 : memref<16x128xf32, #tpu.memory_space<hbm>>) target_semaphore(%run_scoped3A : memref<!tpu.dma_semaphore, #tpu.memory_space<semaphore_mem>>)
        %dma_wait3A = arith.constant 9984 : i32
        %dma_wait3A_45 = arith.constant 0 : i32
        %dma_wait3A_46 = tpu.memref_slice %arg3[%arg0, %dma_wait3A, %dma_wait3A_45] : memref<2x10000x128xf32, #tpu.memory_space<hbm>> -> memref<1x16x128xf32, #tpu.memory_space<hbm>>
        %dma_wait3A_47 = tpu.memref_squeeze %dma_wait3A_46 : memref<1x16x128xf32, #tpu.memory_space<hbm>> -> memref<16x128xf32, #tpu.memory_space<hbm>>
        %dma_wait3A_48 = arith.constant 9984 : i32
        %dma_wait3A_49 = arith.constant 0 : i32
        %dma_wait3A_50 = tpu.memref_slice %arg7[%dma_wait3A_48, %dma_wait3A_49] : memref<10000x128xf32, #tpu.memory_space<vmem_shared>> -> memref<16x128xf32, #tpu.memory_space<vmem_shared>>
        tpu.wait_dma2 semaphore(%run_scoped3A : memref<!tpu.dma_semaphore, #tpu.memory_space<semaphore_mem>>) src(%dma_wait3A_50 : memref<16x128xf32, #tpu.memory_space<vmem_shared>>) dst(%dma_wait3A_47 : memref<16x128xf32, #tpu.memory_space<hbm>>)
        tpu.yield
      }) : () -> ()
    } else {
    }
    return
  }
}

#map = affine_map<(d0, d1) -> (0, 0)>
#map1 = affine_map<(d0, d1) -> (0, 0, 0)>
module attributes {stable_mosaic.version = 14 : i64} {
  func.func @_edge_kernel(%arg0: i32, %arg1: i32, %arg2: memref<10000x128xf32, #tpu.memory_space<hbm>>, %arg3: memref<32x80x125xi32, #tpu.memory_space<hbm>>, %arg4: memref<32x80x125xi32, #tpu.memory_space<hbm>>, %arg5: memref<2x10000x128xf32, #tpu.memory_space<hbm>>, %arg6: memref<4x125xi32, #tpu.memory_space<vmem>>, %arg7: memref<4x125xi32, #tpu.memory_space<vmem>>, %arg8: memref<125x128xf32, #tpu.memory_space<vmem>>, %arg9: memref<125x128xf32, #tpu.memory_space<vmem>>, %arg10: memref<16x128xf32, #tpu.memory_space<vmem>>, %arg11: memref<10000x128xf32, #tpu.memory_space<vmem_shared>>, %arg12: memref<!tpu.dma_semaphore, #tpu.memory_space<semaphore_mem>>, %arg13: memref<!tpu.dma_semaphore, #tpu.memory_space<semaphore_mem>>, %arg14: memref<!tpu.dma_semaphore, #tpu.memory_space<semaphore_mem>>, %arg15: memref<!tpu.dma_semaphore, #tpu.memory_space<semaphore_mem>>, %arg16: memref<!tpu.dma_semaphore, #tpu.memory_space<semaphore_mem>>, %arg17: memref<!tpu.dma_semaphore, #tpu.memory_space<semaphore_mem>>) attributes {dimension_semantics = [#tpu.dimension_semantics<core_parallel>, #tpu.dimension_semantics<subcore_parallel>], iteration_bounds = array<i64: 2, 16>, scalar_prefetch = 0 : i64, scratch_operands = 12 : i64, tpu.core_type = #tpu.core_type<sc_vector_subcore>, window_params = [{transform_indices = #map}, {transform_indices = #map1}, {transform_indices = #map1}, {transform_indices = #map1}]} {
    %mul3A = arith.constant 2 : i32
    %mul3A_0 = arith.muli %arg1, %mul3A : i32
    %add3A = arith.addi %mul3A_0, %arg0 : i32
    %broadcast_in_dim3A = arith.constant 0.000000e+00 : f32
    %broadcast_in_dim3A_1 = vector.broadcast %broadcast_in_dim3A : f32 to vector<16xf32>
    %scan3A = arith.constant 0 : i32
    %scan3A_2 = arith.constant 0 : i32
    %scan3A_3 = arith.constant 128 : i32
    %scan3A_4 = arith.addi %scan3A_2, %scan3A_3 : i32
    %scan3A_5 = arith.constant 1 : i32
    scf.for %scan3A_211 = %scan3A_2 to %scan3A_4 step %scan3A_5  : i32 {
      %jit3A = arith.constant 8 : i32
      %div3A = arith.divsi %scan3A_211, %jit3A : i32
      %sign3A = arith.constant 0 : i32
      %sign3A_212 = arith.cmpi sgt, %scan3A_211, %sign3A : i32
      %sign3A_213 = arith.extui %sign3A_212 : i1 to i32
      %sign3A_214 = arith.constant 0 : i32
      %sign3A_215 = arith.cmpi slt, %scan3A_211, %sign3A_214 : i32
      %sign3A_216 = arith.extui %sign3A_215 : i1 to i32
      %sign3A_217 = arith.subi %sign3A_213, %sign3A_216 : i32
      %sign3A_218 = arith.constant 0 : i32
      %sign3A_219 = arith.cmpi sgt, %jit3A, %sign3A_218 : i32
      %sign3A_220 = arith.extui %sign3A_219 : i1 to i32
      %sign3A_221 = arith.constant 0 : i32
      %sign3A_222 = arith.cmpi slt, %jit3A, %sign3A_221 : i32
      %sign3A_223 = arith.extui %sign3A_222 : i1 to i32
      %sign3A_224 = arith.subi %sign3A_220, %sign3A_223 : i32
      %ne3A = arith.cmpi ne, %sign3A_217, %sign3A_224 : i32
      %rem3A = arith.remsi %scan3A_211, %jit3A : i32
      %ne3A_225 = arith.constant 0 : i32
      %ne3A_226 = arith.cmpi ne, %rem3A, %ne3A_225 : i32
      %and3A = arith.andi %ne3A, %ne3A_226 : i1
      %sub3A = arith.constant 1 : i32
      %sub3A_227 = arith.subi %div3A, %sub3A : i32
      %select_n3A = arith.select %and3A, %sub3A_227, %div3A : i32
      %jit3A_228 = arith.constant 8 : i32
      %eq3A_229 = arith.constant 0 : i32
      %eq3A_230 = arith.cmpi eq, %jit3A_228, %eq3A_229 : i32
      %jit3A_231 = arith.constant 1 : i32
      %select_n3A_232 = arith.select %eq3A_230, %jit3A_231, %jit3A_228 : i32
      %rem3A_233 = arith.remsi %scan3A_211, %select_n3A_232 : i32
      %ne3A_234 = arith.constant 0 : i32
      %ne3A_235 = arith.cmpi ne, %rem3A_233, %ne3A_234 : i32
      %lt3A = arith.constant 0 : i32
      %lt3A_236 = arith.cmpi slt, %rem3A_233, %lt3A : i32
      %lt3A_237 = arith.constant 0 : i32
      %lt3A_238 = arith.cmpi slt, %select_n3A_232, %lt3A_237 : i32
      %ne3A_239 = arith.xori %lt3A_236, %lt3A_238 : i1
      %and3A_240 = arith.andi %ne3A_239, %ne3A_235 : i1
      %add3A_241 = arith.addi %rem3A_233, %select_n3A_232 : i32
      %select_n3A_242 = arith.select %and3A_240, %add3A_241, %rem3A_233 : i32
      %mul3A_243 = arith.constant 16 : i32
      %mul3A_244 = arith.muli %select_n3A_242, %mul3A_243 : i32
      %swap3A = arith.index_cast %select_n3A : i32 to index
      %swap3A_245 = arith.index_cast %mul3A_244 : i32 to index
      %swap3A_246 = tpu.vector_load %arg10[%swap3A, %swap3A_245] {strides = array<i32>} : memref<16x128xf32, #tpu.memory_space<vmem>>, vector<1x16xf32>,
      %swap3A_247 = vector.shape_cast %swap3A_246 : vector<1x16xf32> to vector<16xf32>
      %swap3A_248 = vector.shape_cast %broadcast_in_dim3A_1 : vector<16xf32> to vector<1x16xf32>
      tpu.vector_store %arg10[%swap3A, %swap3A_245], %swap3A_248 {strides = array<i32>} : memref<16x128xf32, #tpu.memory_space<vmem>>, vector<1x16xf32>,
    }
    %scan3A_6 = arith.constant 128 : i32
    %scan3A_7 = arith.constant 0 : i32
    %scan3A_8 = arith.constant 0 : i32
    %scan3A_9 = arith.constant 39 : i32
    %scan3A_10 = arith.addi %scan3A_8, %scan3A_9 : i32
    %scan3A_11 = arith.constant 1 : i32
    scf.for %scan3A_211 = %scan3A_8 to %scan3A_10 step %scan3A_11  : i32 {
      %mul3A_212 = arith.constant 624 : i32
      %mul3A_213 = arith.muli %arg1, %mul3A_212 : i32
      %mul3A_214 = arith.constant 16 : i32
      %mul3A_215 = arith.muli %scan3A_211, %mul3A_214 : i32
      %add3A_216 = arith.addi %mul3A_213, %mul3A_215 : i32
      "tpu.region"() ({
        %run_scoped3A = tpu.sem_alloc : memref<!tpu.dma_semaphore, #tpu.memory_space<semaphore_mem>>
        %dma_start3A_217 = arith.constant 0 : i32
        %dma_start3A_218 = tpu.memref_slice %arg11[%add3A_216, %dma_start3A_217] : memref<10000x128xf32, #tpu.memory_space<vmem_shared>> -> memref<16x128xf32, #tpu.memory_space<vmem_shared>>
        %dma_start3A_219 = arith.constant 0 : i32
        %dma_start3A_220 = tpu.memref_slice %arg11[%add3A_216, %dma_start3A_219] : memref<10000x128xf32, #tpu.memory_space<vmem_shared>> -> memref<16x128xf32, #tpu.memory_space<vmem_shared>>
        tpu.enqueue_dma source(%arg10 : memref<16x128xf32, #tpu.memory_space<vmem>>) target(%dma_start3A_220 : memref<16x128xf32, #tpu.memory_space<vmem_shared>>) target_semaphore(%run_scoped3A : memref<!tpu.dma_semaphore, #tpu.memory_space<semaphore_mem>>)
        %dma_wait3A_221 = arith.constant 0 : i32
        %dma_wait3A_222 = tpu.memref_slice %arg11[%add3A_216, %dma_wait3A_221] : memref<10000x128xf32, #tpu.memory_space<vmem_shared>> -> memref<16x128xf32, #tpu.memory_space<vmem_shared>>
        %dma_wait3A_223 = arith.constant 0 : i32
        %dma_wait3A_224 = tpu.memref_slice %arg11[%add3A_216, %dma_wait3A_223] : memref<10000x128xf32, #tpu.memory_space<vmem_shared>> -> memref<16x128xf32, #tpu.memory_space<vmem_shared>>
        tpu.wait_dma2 semaphore(%run_scoped3A : memref<!tpu.dma_semaphore, #tpu.memory_space<semaphore_mem>>) src(%arg10 : memref<16x128xf32, #tpu.memory_space<vmem>>) dst(%dma_wait3A_224 : memref<16x128xf32, #tpu.memory_space<vmem_shared>>)
        tpu.yield
      }) : () -> ()
    }
    %scan3A_12 = arith.constant 39 : i32
    %eq3A = arith.constant 15 : i32
    %eq3A_13 = arith.cmpi eq, %arg1, %eq3A : i32
    %convert_element_type3A = arith.extui %eq3A_13 : i1 to i32
    %cond3A = arith.constant 0 : i32
    %cond3A_14 = arith.cmpi ne, %convert_element_type3A, %cond3A : i32
    scf.if %cond3A_14 {
      "tpu.region"() ({
        %run_scoped3A = tpu.sem_alloc : memref<!tpu.dma_semaphore, #tpu.memory_space<semaphore_mem>>
        %dma_start3A_211 = arith.constant 0 : i32
        %dma_start3A_212 = arith.constant 0 : i32
        %dma_start3A_213 = tpu.memref_slice %arg10[%dma_start3A_211, %dma_start3A_212] : memref<16x128xf32, #tpu.memory_space<vmem>> -> memref<16x128xf32, #tpu.memory_space<vmem>>
        %dma_start3A_214 = arith.constant 9984 : i32
        %dma_start3A_215 = arith.constant 0 : i32
        %dma_start3A_216 = tpu.memref_slice %arg11[%dma_start3A_214, %dma_start3A_215] : memref<10000x128xf32, #tpu.memory_space<vmem_shared>> -> memref<16x128xf32, #tpu.memory_space<vmem_shared>>
        %dma_start3A_217 = arith.constant 9984 : i32
        %dma_start3A_218 = arith.constant 0 : i32
        %dma_start3A_219 = tpu.memref_slice %arg11[%dma_start3A_217, %dma_start3A_218] : memref<10000x128xf32, #tpu.memory_space<vmem_shared>> -> memref<16x128xf32, #tpu.memory_space<vmem_shared>>
        %dma_start3A_220 = arith.constant 0 : i32
        %dma_start3A_221 = arith.constant 0 : i32
        %dma_start3A_222 = tpu.memref_slice %arg10[%dma_start3A_220, %dma_start3A_221] : memref<16x128xf32, #tpu.memory_space<vmem>> -> memref<16x128xf32, #tpu.memory_space<vmem>>
        tpu.enqueue_dma source(%dma_start3A_222 : memref<16x128xf32, #tpu.memory_space<vmem>>) target(%dma_start3A_219 : memref<16x128xf32, #tpu.memory_space<vmem_shared>>) target_semaphore(%run_scoped3A : memref<!tpu.dma_semaphore, #tpu.memory_space<semaphore_mem>>)
        %dma_wait3A_223 = arith.constant 0 : i32
        %dma_wait3A_224 = arith.constant 0 : i32
        %dma_wait3A_225 = tpu.memref_slice %arg10[%dma_wait3A_223, %dma_wait3A_224] : memref<16x128xf32, #tpu.memory_space<vmem>> -> memref<16x128xf32, #tpu.memory_space<vmem>>
        %dma_wait3A_226 = arith.constant 9984 : i32
        %dma_wait3A_227 = arith.constant 0 : i32
        %dma_wait3A_228 = tpu.memref_slice %arg11[%dma_wait3A_226, %dma_wait3A_227] : memref<10000x128xf32, #tpu.memory_space<vmem_shared>> -> memref<16x128xf32, #tpu.memory_space<vmem_shared>>
        %dma_wait3A_229 = arith.constant 9984 : i32
        %dma_wait3A_230 = arith.constant 0 : i32
        %dma_wait3A_231 = tpu.memref_slice %arg11[%dma_wait3A_229, %dma_wait3A_230] : memref<10000x128xf32, #tpu.memory_space<vmem_shared>> -> memref<16x128xf32, #tpu.memory_space<vmem_shared>>
        %dma_wait3A_232 = arith.constant 0 : i32
        %dma_wait3A_233 = arith.constant 0 : i32
        %dma_wait3A_234 = tpu.memref_slice %arg10[%dma_wait3A_232, %dma_wait3A_233] : memref<16x128xf32, #tpu.memory_space<vmem>> -> memref<16x128xf32, #tpu.memory_space<vmem>>
        tpu.wait_dma2 semaphore(%run_scoped3A : memref<!tpu.dma_semaphore, #tpu.memory_space<semaphore_mem>>) src(%dma_wait3A_234 : memref<16x128xf32, #tpu.memory_space<vmem>>) dst(%dma_wait3A_231 : memref<16x128xf32, #tpu.memory_space<vmem_shared>>)
        tpu.yield
      }) : () -> ()
    } else {
    }
    %dma_start3A = arith.constant 0 : i32
    %dma_start3A_15 = arith.constant 0 : i32
    %dma_start3A_16 = arith.constant 0 : i32
    %dma_start3A_17 = tpu.memref_slice %arg6[%dma_start3A_15, %dma_start3A_16] : memref<4x125xi32, #tpu.memory_space<vmem>> -> memref<1x125xi32, #tpu.memory_space<vmem>>
    %dma_start3A_18 = tpu.memref_squeeze %dma_start3A_17 : memref<1x125xi32, #tpu.memory_space<vmem>> -> memref<125xi32, #tpu.memory_space<vmem>>
    %dma_start3A_19 = arith.constant 0 : i32
    %dma_start3A_20 = tpu.memref_slice %arg3[%add3A, %dma_start3A, %dma_start3A_19] : memref<32x80x125xi32, #tpu.memory_space<hbm>> -> memref<1x1x125xi32, #tpu.memory_space<hbm>>
    %dma_start3A_21 = tpu.memref_squeeze %dma_start3A_20 : memref<1x1x125xi32, #tpu.memory_space<hbm>> -> memref<125xi32, #tpu.memory_space<hbm>>
    %dma_start3A_22 = arith.constant 0 : i32
    %dma_start3A_23 = tpu.memref_slice %arg6[%dma_start3A_15, %dma_start3A_22] : memref<4x125xi32, #tpu.memory_space<vmem>> -> memref<1x125xi32, #tpu.memory_space<vmem>>
    %dma_start3A_24 = tpu.memref_squeeze %dma_start3A_23 : memref<1x125xi32, #tpu.memory_space<vmem>> -> memref<125xi32, #tpu.memory_space<vmem>>
    %dma_start3A_25 = arith.constant 0 : i32
    %dma_start3A_26 = tpu.memref_slice %arg3[%add3A, %dma_start3A, %dma_start3A_25] : memref<32x80x125xi32, #tpu.memory_space<hbm>> -> memref<1x1x125xi32, #tpu.memory_space<hbm>>
    %dma_start3A_27 = tpu.memref_squeeze %dma_start3A_26 : memref<1x1x125xi32, #tpu.memory_space<hbm>> -> memref<125xi32, #tpu.memory_space<hbm>>
    tpu.enqueue_dma source(%dma_start3A_27 : memref<125xi32, #tpu.memory_space<hbm>>) target(%dma_start3A_24 : memref<125xi32, #tpu.memory_space<vmem>>) target_semaphore(%arg14 : memref<!tpu.dma_semaphore, #tpu.memory_space<semaphore_mem>>)
    %dma_start3A_28 = arith.constant 0 : i32
    %dma_start3A_29 = arith.constant 0 : i32
    %dma_start3A_30 = arith.constant 0 : i32
    %dma_start3A_31 = tpu.memref_slice %arg7[%dma_start3A_29, %dma_start3A_30] : memref<4x125xi32, #tpu.memory_space<vmem>> -> memref<1x125xi32, #tpu.memory_space<vmem>>
    %dma_start3A_32 = tpu.memref_squeeze %dma_start3A_31 : memref<1x125xi32, #tpu.memory_space<vmem>> -> memref<125xi32, #tpu.memory_space<vmem>>
    %dma_start3A_33 = arith.constant 0 : i32
    %dma_start3A_34 = tpu.memref_slice %arg4[%add3A, %dma_start3A_28, %dma_start3A_33] : memref<32x80x125xi32, #tpu.memory_space<hbm>> -> memref<1x1x125xi32, #tpu.memory_space<hbm>>
    %dma_start3A_35 = tpu.memref_squeeze %dma_start3A_34 : memref<1x1x125xi32, #tpu.memory_space<hbm>> -> memref<125xi32, #tpu.memory_space<hbm>>
    %dma_start3A_36 = arith.constant 0 : i32
    %dma_start3A_37 = tpu.memref_slice %arg7[%dma_start3A_29, %dma_start3A_36] : memref<4x125xi32, #tpu.memory_space<vmem>> -> memref<1x125xi32, #tpu.memory_space<vmem>>
    %dma_start3A_38 = tpu.memref_squeeze %dma_start3A_37 : memref<1x125xi32, #tpu.memory_space<vmem>> -> memref<125xi32, #tpu.memory_space<vmem>>
    %dma_start3A_39 = arith.constant 0 : i32
    %dma_start3A_40 = tpu.memref_slice %arg4[%add3A, %dma_start3A_28, %dma_start3A_39] : memref<32x80x125xi32, #tpu.memory_space<hbm>> -> memref<1x1x125xi32, #tpu.memory_space<hbm>>
    %dma_start3A_41 = tpu.memref_squeeze %dma_start3A_40 : memref<1x1x125xi32, #tpu.memory_space<hbm>> -> memref<125xi32, #tpu.memory_space<hbm>>
    tpu.enqueue_dma source(%dma_start3A_41 : memref<125xi32, #tpu.memory_space<hbm>>) target(%dma_start3A_38 : memref<125xi32, #tpu.memory_space<vmem>>) target_semaphore(%arg14 : memref<!tpu.dma_semaphore, #tpu.memory_space<semaphore_mem>>)
    %dma_start3A_42 = arith.constant 1 : i32
    %dma_start3A_43 = arith.constant 1 : i32
    %dma_start3A_44 = arith.constant 0 : i32
    %dma_start3A_45 = tpu.memref_slice %arg6[%dma_start3A_43, %dma_start3A_44] : memref<4x125xi32, #tpu.memory_space<vmem>> -> memref<1x125xi32, #tpu.memory_space<vmem>>
    %dma_start3A_46 = tpu.memref_squeeze %dma_start3A_45 : memref<1x125xi32, #tpu.memory_space<vmem>> -> memref<125xi32, #tpu.memory_space<vmem>>
    %dma_start3A_47 = arith.constant 0 : i32
    %dma_start3A_48 = tpu.memref_slice %arg3[%add3A, %dma_start3A_42, %dma_start3A_47] : memref<32x80x125xi32, #tpu.memory_space<hbm>> -> memref<1x1x125xi32, #tpu.memory_space<hbm>>
    %dma_start3A_49 = tpu.memref_squeeze %dma_start3A_48 : memref<1x1x125xi32, #tpu.memory_space<hbm>> -> memref<125xi32, #tpu.memory_space<hbm>>
    %dma_start3A_50 = arith.constant 0 : i32
    %dma_start3A_51 = tpu.memref_slice %arg6[%dma_start3A_43, %dma_start3A_50] : memref<4x125xi32, #tpu.memory_space<vmem>> -> memref<1x125xi32, #tpu.memory_space<vmem>>
    %dma_start3A_52 = tpu.memref_squeeze %dma_start3A_51 : memref<1x125xi32, #tpu.memory_space<vmem>> -> memref<125xi32, #tpu.memory_space<vmem>>
    %dma_start3A_53 = arith.constant 0 : i32
    %dma_start3A_54 = tpu.memref_slice %arg3[%add3A, %dma_start3A_42, %dma_start3A_53] : memref<32x80x125xi32, #tpu.memory_space<hbm>> -> memref<1x1x125xi32, #tpu.memory_space<hbm>>
    %dma_start3A_55 = tpu.memref_squeeze %dma_start3A_54 : memref<1x1x125xi32, #tpu.memory_space<hbm>> -> memref<125xi32, #tpu.memory_space<hbm>>
    tpu.enqueue_dma source(%dma_start3A_55 : memref<125xi32, #tpu.memory_space<hbm>>) target(%dma_start3A_52 : memref<125xi32, #tpu.memory_space<vmem>>) target_semaphore(%arg15 : memref<!tpu.dma_semaphore, #tpu.memory_space<semaphore_mem>>)
    %dma_start3A_56 = arith.constant 1 : i32
    %dma_start3A_57 = arith.constant 1 : i32
    %dma_start3A_58 = arith.constant 0 : i32
    %dma_start3A_59 = tpu.memref_slice %arg7[%dma_start3A_57, %dma_start3A_58] : memref<4x125xi32, #tpu.memory_space<vmem>> -> memref<1x125xi32, #tpu.memory_space<vmem>>
    %dma_start3A_60 = tpu.memref_squeeze %dma_start3A_59 : memref<1x125xi32, #tpu.memory_space<vmem>> -> memref<125xi32, #tpu.memory_space<vmem>>
    %dma_start3A_61 = arith.constant 0 : i32
    %dma_start3A_62 = tpu.memref_slice %arg4[%add3A, %dma_start3A_56, %dma_start3A_61] : memref<32x80x125xi32, #tpu.memory_space<hbm>> -> memref<1x1x125xi32, #tpu.memory_space<hbm>>
    %dma_start3A_63 = tpu.memref_squeeze %dma_start3A_62 : memref<1x1x125xi32, #tpu.memory_space<hbm>> -> memref<125xi32, #tpu.memory_space<hbm>>
    %dma_start3A_64 = arith.constant 0 : i32
    %dma_start3A_65 = tpu.memref_slice %arg7[%dma_start3A_57, %dma_start3A_64] : memref<4x125xi32, #tpu.memory_space<vmem>> -> memref<1x125xi32, #tpu.memory_space<vmem>>
    %dma_start3A_66 = tpu.memref_squeeze %dma_start3A_65 : memref<1x125xi32, #tpu.memory_space<vmem>> -> memref<125xi32, #tpu.memory_space<vmem>>
    %dma_start3A_67 = arith.constant 0 : i32
    %dma_start3A_68 = tpu.memref_slice %arg4[%add3A, %dma_start3A_56, %dma_start3A_67] : memref<32x80x125xi32, #tpu.memory_space<hbm>> -> memref<1x1x125xi32, #tpu.memory_space<hbm>>
    %dma_start3A_69 = tpu.memref_squeeze %dma_start3A_68 : memref<1x1x125xi32, #tpu.memory_space<hbm>> -> memref<125xi32, #tpu.memory_space<hbm>>
    tpu.enqueue_dma source(%dma_start3A_69 : memref<125xi32, #tpu.memory_space<hbm>>) target(%dma_start3A_66 : memref<125xi32, #tpu.memory_space<vmem>>) target_semaphore(%arg15 : memref<!tpu.dma_semaphore, #tpu.memory_space<semaphore_mem>>)
    %dma_start3A_70 = arith.constant 2 : i32
    %dma_start3A_71 = arith.constant 2 : i32
    %dma_start3A_72 = arith.constant 0 : i32
    %dma_start3A_73 = tpu.memref_slice %arg6[%dma_start3A_71, %dma_start3A_72] : memref<4x125xi32, #tpu.memory_space<vmem>> -> memref<1x125xi32, #tpu.memory_space<vmem>>
    %dma_start3A_74 = tpu.memref_squeeze %dma_start3A_73 : memref<1x125xi32, #tpu.memory_space<vmem>> -> memref<125xi32, #tpu.memory_space<vmem>>
    %dma_start3A_75 = arith.constant 0 : i32
    %dma_start3A_76 = tpu.memref_slice %arg3[%add3A, %dma_start3A_70, %dma_start3A_75] : memref<32x80x125xi32, #tpu.memory_space<hbm>> -> memref<1x1x125xi32, #tpu.memory_space<hbm>>
    %dma_start3A_77 = tpu.memref_squeeze %dma_start3A_76 : memref<1x1x125xi32, #tpu.memory_space<hbm>> -> memref<125xi32, #tpu.memory_space<hbm>>
    %dma_start3A_78 = arith.constant 0 : i32
    %dma_start3A_79 = tpu.memref_slice %arg6[%dma_start3A_71, %dma_start3A_78] : memref<4x125xi32, #tpu.memory_space<vmem>> -> memref<1x125xi32, #tpu.memory_space<vmem>>
    %dma_start3A_80 = tpu.memref_squeeze %dma_start3A_79 : memref<1x125xi32, #tpu.memory_space<vmem>> -> memref<125xi32, #tpu.memory_space<vmem>>
    %dma_start3A_81 = arith.constant 0 : i32
    %dma_start3A_82 = tpu.memref_slice %arg3[%add3A, %dma_start3A_70, %dma_start3A_81] : memref<32x80x125xi32, #tpu.memory_space<hbm>> -> memref<1x1x125xi32, #tpu.memory_space<hbm>>
    %dma_start3A_83 = tpu.memref_squeeze %dma_start3A_82 : memref<1x1x125xi32, #tpu.memory_space<hbm>> -> memref<125xi32, #tpu.memory_space<hbm>>
    tpu.enqueue_dma source(%dma_start3A_83 : memref<125xi32, #tpu.memory_space<hbm>>) target(%dma_start3A_80 : memref<125xi32, #tpu.memory_space<vmem>>) target_semaphore(%arg16 : memref<!tpu.dma_semaphore, #tpu.memory_space<semaphore_mem>>)
    %dma_start3A_84 = arith.constant 2 : i32
    %dma_start3A_85 = arith.constant 2 : i32
    %dma_start3A_86 = arith.constant 0 : i32
    %dma_start3A_87 = tpu.memref_slice %arg7[%dma_start3A_85, %dma_start3A_86] : memref<4x125xi32, #tpu.memory_space<vmem>> -> memref<1x125xi32, #tpu.memory_space<vmem>>
    %dma_start3A_88 = tpu.memref_squeeze %dma_start3A_87 : memref<1x125xi32, #tpu.memory_space<vmem>> -> memref<125xi32, #tpu.memory_space<vmem>>
    %dma_start3A_89 = arith.constant 0 : i32
    %dma_start3A_90 = tpu.memref_slice %arg4[%add3A, %dma_start3A_84, %dma_start3A_89] : memref<32x80x125xi32, #tpu.memory_space<hbm>> -> memref<1x1x125xi32, #tpu.memory_space<hbm>>
    %dma_start3A_91 = tpu.memref_squeeze %dma_start3A_90 : memref<1x1x125xi32, #tpu.memory_space<hbm>> -> memref<125xi32, #tpu.memory_space<hbm>>
    %dma_start3A_92 = arith.constant 0 : i32
    %dma_start3A_93 = tpu.memref_slice %arg7[%dma_start3A_85, %dma_start3A_92] : memref<4x125xi32, #tpu.memory_space<vmem>> -> memref<1x125xi32, #tpu.memory_space<vmem>>
    %dma_start3A_94 = tpu.memref_squeeze %dma_start3A_93 : memref<1x125xi32, #tpu.memory_space<vmem>> -> memref<125xi32, #tpu.memory_space<vmem>>
    %dma_start3A_95 = arith.constant 0 : i32
    %dma_start3A_96 = tpu.memref_slice %arg4[%add3A, %dma_start3A_84, %dma_start3A_95] : memref<32x80x125xi32, #tpu.memory_space<hbm>> -> memref<1x1x125xi32, #tpu.memory_space<hbm>>
    %dma_start3A_97 = tpu.memref_squeeze %dma_start3A_96 : memref<1x1x125xi32, #tpu.memory_space<hbm>> -> memref<125xi32, #tpu.memory_space<hbm>>
    tpu.enqueue_dma source(%dma_start3A_97 : memref<125xi32, #tpu.memory_space<hbm>>) target(%dma_start3A_94 : memref<125xi32, #tpu.memory_space<vmem>>) target_semaphore(%arg16 : memref<!tpu.dma_semaphore, #tpu.memory_space<semaphore_mem>>)
    %dma_start3A_98 = arith.constant 3 : i32
    %dma_start3A_99 = arith.constant 3 : i32
    %dma_start3A_100 = arith.constant 0 : i32
    %dma_start3A_101 = tpu.memref_slice %arg6[%dma_start3A_99, %dma_start3A_100] : memref<4x125xi32, #tpu.memory_space<vmem>> -> memref<1x125xi32, #tpu.memory_space<vmem>>
    %dma_start3A_102 = tpu.memref_squeeze %dma_start3A_101 : memref<1x125xi32, #tpu.memory_space<vmem>> -> memref<125xi32, #tpu.memory_space<vmem>>
    %dma_start3A_103 = arith.constant 0 : i32
    %dma_start3A_104 = tpu.memref_slice %arg3[%add3A, %dma_start3A_98, %dma_start3A_103] : memref<32x80x125xi32, #tpu.memory_space<hbm>> -> memref<1x1x125xi32, #tpu.memory_space<hbm>>
    %dma_start3A_105 = tpu.memref_squeeze %dma_start3A_104 : memref<1x1x125xi32, #tpu.memory_space<hbm>> -> memref<125xi32, #tpu.memory_space<hbm>>
    %dma_start3A_106 = arith.constant 0 : i32
    %dma_start3A_107 = tpu.memref_slice %arg6[%dma_start3A_99, %dma_start3A_106] : memref<4x125xi32, #tpu.memory_space<vmem>> -> memref<1x125xi32, #tpu.memory_space<vmem>>
    %dma_start3A_108 = tpu.memref_squeeze %dma_start3A_107 : memref<1x125xi32, #tpu.memory_space<vmem>> -> memref<125xi32, #tpu.memory_space<vmem>>
    %dma_start3A_109 = arith.constant 0 : i32
    %dma_start3A_110 = tpu.memref_slice %arg3[%add3A, %dma_start3A_98, %dma_start3A_109] : memref<32x80x125xi32, #tpu.memory_space<hbm>> -> memref<1x1x125xi32, #tpu.memory_space<hbm>>
    %dma_start3A_111 = tpu.memref_squeeze %dma_start3A_110 : memref<1x1x125xi32, #tpu.memory_space<hbm>> -> memref<125xi32, #tpu.memory_space<hbm>>
    tpu.enqueue_dma source(%dma_start3A_111 : memref<125xi32, #tpu.memory_space<hbm>>) target(%dma_start3A_108 : memref<125xi32, #tpu.memory_space<vmem>>) target_semaphore(%arg17 : memref<!tpu.dma_semaphore, #tpu.memory_space<semaphore_mem>>)
    %dma_start3A_112 = arith.constant 3 : i32
    %dma_start3A_113 = arith.constant 3 : i32
    %dma_start3A_114 = arith.constant 0 : i32
    %dma_start3A_115 = tpu.memref_slice %arg7[%dma_start3A_113, %dma_start3A_114] : memref<4x125xi32, #tpu.memory_space<vmem>> -> memref<1x125xi32, #tpu.memory_space<vmem>>
    %dma_start3A_116 = tpu.memref_squeeze %dma_start3A_115 : memref<1x125xi32, #tpu.memory_space<vmem>> -> memref<125xi32, #tpu.memory_space<vmem>>
    %dma_start3A_117 = arith.constant 0 : i32
    %dma_start3A_118 = tpu.memref_slice %arg4[%add3A, %dma_start3A_112, %dma_start3A_117] : memref<32x80x125xi32, #tpu.memory_space<hbm>> -> memref<1x1x125xi32, #tpu.memory_space<hbm>>
    %dma_start3A_119 = tpu.memref_squeeze %dma_start3A_118 : memref<1x1x125xi32, #tpu.memory_space<hbm>> -> memref<125xi32, #tpu.memory_space<hbm>>
    %dma_start3A_120 = arith.constant 0 : i32
    %dma_start3A_121 = tpu.memref_slice %arg7[%dma_start3A_113, %dma_start3A_120] : memref<4x125xi32, #tpu.memory_space<vmem>> -> memref<1x125xi32, #tpu.memory_space<vmem>>
    %dma_start3A_122 = tpu.memref_squeeze %dma_start3A_121 : memref<1x125xi32, #tpu.memory_space<vmem>> -> memref<125xi32, #tpu.memory_space<vmem>>
    %dma_start3A_123 = arith.constant 0 : i32
    %dma_start3A_124 = tpu.memref_slice %arg4[%add3A, %dma_start3A_112, %dma_start3A_123] : memref<32x80x125xi32, #tpu.memory_space<hbm>> -> memref<1x1x125xi32, #tpu.memory_space<hbm>>
    %dma_start3A_125 = tpu.memref_squeeze %dma_start3A_124 : memref<1x1x125xi32, #tpu.memory_space<hbm>> -> memref<125xi32, #tpu.memory_space<hbm>>
    tpu.enqueue_dma source(%dma_start3A_125 : memref<125xi32, #tpu.memory_space<hbm>>) target(%dma_start3A_122 : memref<125xi32, #tpu.memory_space<vmem>>) target_semaphore(%arg17 : memref<!tpu.dma_semaphore, #tpu.memory_space<semaphore_mem>>)
    %barrier3A = arith.constant 0 : index
    tpu.barrier barrier_id(%barrier3A)
    %dma_wait3A = arith.constant 0 : i32
    %dma_wait3A_126 = arith.constant 0 : i32
    %dma_wait3A_127 = arith.constant 0 : i32
    %dma_wait3A_128 = tpu.memref_slice %arg6[%dma_wait3A_126, %dma_wait3A_127] : memref<4x125xi32, #tpu.memory_space<vmem>> -> memref<1x125xi32, #tpu.memory_space<vmem>>
    %dma_wait3A_129 = tpu.memref_squeeze %dma_wait3A_128 : memref<1x125xi32, #tpu.memory_space<vmem>> -> memref<125xi32, #tpu.memory_space<vmem>>
    %dma_wait3A_130 = arith.constant 0 : i32
    %dma_wait3A_131 = tpu.memref_slice %arg3[%add3A, %dma_wait3A, %dma_wait3A_130] : memref<32x80x125xi32, #tpu.memory_space<hbm>> -> memref<1x1x125xi32, #tpu.memory_space<hbm>>
    %dma_wait3A_132 = tpu.memref_squeeze %dma_wait3A_131 : memref<1x1x125xi32, #tpu.memory_space<hbm>> -> memref<125xi32, #tpu.memory_space<hbm>>
    %dma_wait3A_133 = arith.constant 0 : i32
    %dma_wait3A_134 = tpu.memref_slice %arg6[%dma_wait3A_126, %dma_wait3A_133] : memref<4x125xi32, #tpu.memory_space<vmem>> -> memref<1x125xi32, #tpu.memory_space<vmem>>
    %dma_wait3A_135 = tpu.memref_squeeze %dma_wait3A_134 : memref<1x125xi32, #tpu.memory_space<vmem>> -> memref<125xi32, #tpu.memory_space<vmem>>
    %dma_wait3A_136 = arith.constant 0 : i32
    %dma_wait3A_137 = tpu.memref_slice %arg3[%add3A, %dma_wait3A, %dma_wait3A_136] : memref<32x80x125xi32, #tpu.memory_space<hbm>> -> memref<1x1x125xi32, #tpu.memory_space<hbm>>
    %dma_wait3A_138 = tpu.memref_squeeze %dma_wait3A_137 : memref<1x1x125xi32, #tpu.memory_space<hbm>> -> memref<125xi32, #tpu.memory_space<hbm>>
    tpu.wait_dma2 semaphore(%arg14 : memref<!tpu.dma_semaphore, #tpu.memory_space<semaphore_mem>>) src(%dma_wait3A_138 : memref<125xi32, #tpu.memory_space<hbm>>) dst(%dma_wait3A_135 : memref<125xi32, #tpu.memory_space<vmem>>)
    %dma_wait3A_139 = arith.constant 0 : i32
    %dma_wait3A_140 = arith.constant 0 : i32
    %dma_wait3A_141 = arith.constant 0 : i32
    %dma_wait3A_142 = tpu.memref_slice %arg7[%dma_wait3A_140, %dma_wait3A_141] : memref<4x125xi32, #tpu.memory_space<vmem>> -> memref<1x125xi32, #tpu.memory_space<vmem>>
    %dma_wait3A_143 = tpu.memref_squeeze %dma_wait3A_142 : memref<1x125xi32, #tpu.memory_space<vmem>> -> memref<125xi32, #tpu.memory_space<vmem>>
    %dma_wait3A_144 = arith.constant 0 : i32
    %dma_wait3A_145 = tpu.memref_slice %arg4[%add3A, %dma_wait3A_139, %dma_wait3A_144] : memref<32x80x125xi32, #tpu.memory_space<hbm>> -> memref<1x1x125xi32, #tpu.memory_space<hbm>>
    %dma_wait3A_146 = tpu.memref_squeeze %dma_wait3A_145 : memref<1x1x125xi32, #tpu.memory_space<hbm>> -> memref<125xi32, #tpu.memory_space<hbm>>
    %dma_wait3A_147 = arith.constant 0 : i32
    %dma_wait3A_148 = tpu.memref_slice %arg7[%dma_wait3A_140, %dma_wait3A_147] : memref<4x125xi32, #tpu.memory_space<vmem>> -> memref<1x125xi32, #tpu.memory_space<vmem>>
    %dma_wait3A_149 = tpu.memref_squeeze %dma_wait3A_148 : memref<1x125xi32, #tpu.memory_space<vmem>> -> memref<125xi32, #tpu.memory_space<vmem>>
    %dma_wait3A_150 = arith.constant 0 : i32
    %dma_wait3A_151 = tpu.memref_slice %arg4[%add3A, %dma_wait3A_139, %dma_wait3A_150] : memref<32x80x125xi32, #tpu.memory_space<hbm>> -> memref<1x1x125xi32, #tpu.memory_space<hbm>>
    %dma_wait3A_152 = tpu.memref_squeeze %dma_wait3A_151 : memref<1x1x125xi32, #tpu.memory_space<hbm>> -> memref<125xi32, #tpu.memory_space<hbm>>
    tpu.wait_dma2 semaphore(%arg14 : memref<!tpu.dma_semaphore, #tpu.memory_space<semaphore_mem>>) src(%dma_wait3A_152 : memref<125xi32, #tpu.memory_space<hbm>>) dst(%dma_wait3A_149 : memref<125xi32, #tpu.memory_space<vmem>>)
    %dma_start3A_153 = arith.constant 0 : i32
    %dma_start3A_154 = arith.constant 0 : i32
    %dma_start3A_155 = tpu.memref_slice %arg6[%dma_start3A_153, %dma_start3A_154] : memref<4x125xi32, #tpu.memory_space<vmem>> -> memref<1x125xi32, #tpu.memory_space<vmem>>
    %dma_start3A_156 = tpu.memref_squeeze %dma_start3A_155 : memref<1x125xi32, #tpu.memory_space<vmem>> -> memref<125xi32, #tpu.memory_space<vmem>>
    %dma_start3A_157 = arith.constant 0 : i32
    %dma_start3A_158 = arith.constant 0 : i32
    %dma_start3A_159 = tpu.memref_slice %arg2[%dma_start3A_157, %dma_start3A_158] : memref<10000x128xf32, #tpu.memory_space<hbm>> -> memref<10000x128xf32, #tpu.memory_space<hbm>>
    tpu.enqueue_indirect_dma source(%dma_start3A_159 : memref<10000x128xf32, #tpu.memory_space<hbm>>) target(%arg8 : memref<125x128xf32, #tpu.memory_space<vmem>>) offsets(%dma_start3A_156 : memref<125xi32, #tpu.memory_space<vmem>>) semaphore(%arg12 : memref<!tpu.dma_semaphore, #tpu.memory_space<semaphore_mem>>)
    %dma_wait3A_160 = arith.constant 1 : i32
    %dma_wait3A_161 = arith.constant 1 : i32
    %dma_wait3A_162 = arith.constant 0 : i32
    %dma_wait3A_163 = tpu.memref_slice %arg6[%dma_wait3A_161, %dma_wait3A_162] : memref<4x125xi32, #tpu.memory_space<vmem>> -> memref<1x125xi32, #tpu.memory_space<vmem>>
    %dma_wait3A_164 = tpu.memref_squeeze %dma_wait3A_163 : memref<1x125xi32, #tpu.memory_space<vmem>> -> memref<125xi32, #tpu.memory_space<vmem>>
    %dma_wait3A_165 = arith.constant 0 : i32
    %dma_wait3A_166 = tpu.memref_slice %arg3[%add3A, %dma_wait3A_160, %dma_wait3A_165] : memref<32x80x125xi32, #tpu.memory_space<hbm>> -> memref<1x1x125xi32, #tpu.memory_space<hbm>>
    %dma_wait3A_167 = tpu.memref_squeeze %dma_wait3A_166 : memref<1x1x125xi32, #tpu.memory_space<hbm>> -> memref<125xi32, #tpu.memory_space<hbm>>
    %dma_wait3A_168 = arith.constant 0 : i32
    %dma_wait3A_169 = tpu.memref_slice %arg6[%dma_wait3A_161, %dma_wait3A_168] : memref<4x125xi32, #tpu.memory_space<vmem>> -> memref<1x125xi32, #tpu.memory_space<vmem>>
    %dma_wait3A_170 = tpu.memref_squeeze %dma_wait3A_169 : memref<1x125xi32, #tpu.memory_space<vmem>> -> memref<125xi32, #tpu.memory_space<vmem>>
    %dma_wait3A_171 = arith.constant 0 : i32
    %dma_wait3A_172 = tpu.memref_slice %arg3[%add3A, %dma_wait3A_160, %dma_wait3A_171] : memref<32x80x125xi32, #tpu.memory_space<hbm>> -> memref<1x1x125xi32, #tpu.memory_space<hbm>>
    %dma_wait3A_173 = tpu.memref_squeeze %dma_wait3A_172 : memref<1x1x125xi32, #tpu.memory_space<hbm>> -> memref<125xi32, #tpu.memory_space<hbm>>
    tpu.wait_dma2 semaphore(%arg15 : memref<!tpu.dma_semaphore, #tpu.memory_space<semaphore_mem>>) src(%dma_wait3A_173 : memref<125xi32, #tpu.memory_space<hbm>>) dst(%dma_wait3A_170 : memref<125xi32, #tpu.memory_space<vmem>>)
    %dma_wait3A_174 = arith.constant 1 : i32
    %dma_wait3A_175 = arith.constant 1 : i32
    %dma_wait3A_176 = arith.constant 0 : i32
    %dma_wait3A_177 = tpu.memref_slice %arg7[%dma_wait3A_175, %dma_wait3A_176] : memref<4x125xi32, #tpu.memory_space<vmem>> -> memref<1x125xi32, #tpu.memory_space<vmem>>
    %dma_wait3A_178 = tpu.memref_squeeze %dma_wait3A_177 : memref<1x125xi32, #tpu.memory_space<vmem>> -> memref<125xi32, #tpu.memory_space<vmem>>
    %dma_wait3A_179 = arith.constant 0 : i32
    %dma_wait3A_180 = tpu.memref_slice %arg4[%add3A, %dma_wait3A_174, %dma_wait3A_179] : memref<32x80x125xi32, #tpu.memory_space<hbm>> -> memref<1x1x125xi32, #tpu.memory_space<hbm>>
    %dma_wait3A_181 = tpu.memref_squeeze %dma_wait3A_180 : memref<1x1x125xi32, #tpu.memory_space<hbm>> -> memref<125xi32, #tpu.memory_space<hbm>>
    %dma_wait3A_182 = arith.constant 0 : i32
    %dma_wait3A_183 = tpu.memref_slice %arg7[%dma_wait3A_175, %dma_wait3A_182] : memref<4x125xi32, #tpu.memory_space<vmem>> -> memref<1x125xi32, #tpu.memory_space<vmem>>
    %dma_wait3A_184 = tpu.memref_squeeze %dma_wait3A_183 : memref<1x125xi32, #tpu.memory_space<vmem>> -> memref<125xi32, #tpu.memory_space<vmem>>
    %dma_wait3A_185 = arith.constant 0 : i32
    %dma_wait3A_186 = tpu.memref_slice %arg4[%add3A, %dma_wait3A_174, %dma_wait3A_185] : memref<32x80x125xi32, #tpu.memory_space<hbm>> -> memref<1x1x125xi32, #tpu.memory_space<hbm>>
    %dma_wait3A_187 = tpu.memref_squeeze %dma_wait3A_186 : memref<1x1x125xi32, #tpu.memory_space<hbm>> -> memref<125xi32, #tpu.memory_space<hbm>>
    tpu.wait_dma2 semaphore(%arg15 : memref<!tpu.dma_semaphore, #tpu.memory_space<semaphore_mem>>) src(%dma_wait3A_187 : memref<125xi32, #tpu.memory_space<hbm>>) dst(%dma_wait3A_184 : memref<125xi32, #tpu.memory_space<vmem>>)
    %dma_start3A_188 = arith.constant 1 : i32
    %dma_start3A_189 = arith.constant 0 : i32
    %dma_start3A_190 = tpu.memref_slice %arg6[%dma_start3A_188, %dma_start3A_189] : memref<4x125xi32, #tpu.memory_space<vmem>> -> memref<1x125xi32, #tpu.memory_space<vmem>>
    %dma_start3A_191 = tpu.memref_squeeze %dma_start3A_190 : memref<1x125xi32, #tpu.memory_space<vmem>> -> memref<125xi32, #tpu.memory_space<vmem>>
    %dma_start3A_192 = arith.constant 0 : i32
    %dma_start3A_193 = arith.constant 0 : i32
    %dma_start3A_194 = tpu.memref_slice %arg2[%dma_start3A_192, %dma_start3A_193] : memref<10000x128xf32, #tpu.memory_space<hbm>> -> memref<10000x128xf32, #tpu.memory_space<hbm>>
    tpu.enqueue_indirect_dma source(%dma_start3A_194 : memref<10000x128xf32, #tpu.memory_space<hbm>>) target(%arg9 : memref<125x128xf32, #tpu.memory_space<vmem>>) offsets(%dma_start3A_191 : memref<125xi32, #tpu.memory_space<vmem>>) semaphore(%arg13 : memref<!tpu.dma_semaphore, #tpu.memory_space<semaphore_mem>>)
    %scan3A_195 = arith.constant 0 : i32
    %scan3A_196 = arith.constant 0 : i32
    %scan3A_197 = arith.constant 20 : i32
    %scan3A_198 = arith.addi %scan3A_196, %scan3A_197 : i32
    %scan3A_199 = arith.constant 1 : i32
    scf.for %scan3A_211 = %scan3A_196 to %scan3A_198 step %scan3A_199  : i32 {
      %mul3A_212 = arith.constant 4 : i32
      %mul3A_213 = arith.muli %mul3A_212, %scan3A_211 : i32
      %add3A_214 = arith.constant 0 : i32
      %add3A_215 = arith.addi %mul3A_213, %add3A_214 : i32
      %dma_wait3A_216 = arith.constant 0 : i32
      %dma_wait3A_217 = arith.constant 0 : i32
      %dma_wait3A_218 = tpu.memref_slice %arg6[%dma_wait3A_216, %dma_wait3A_217] : memref<4x125xi32, #tpu.memory_space<vmem>> -> memref<1x125xi32, #tpu.memory_space<vmem>>
      %dma_wait3A_219 = tpu.memref_squeeze %dma_wait3A_218 : memref<1x125xi32, #tpu.memory_space<vmem>> -> memref<125xi32, #tpu.memory_space<vmem>>
      %dma_wait3A_220 = arith.constant 0 : i32
      %dma_wait3A_221 = arith.constant 0 : i32
      %dma_wait3A_222 = tpu.memref_slice %arg2[%dma_wait3A_220, %dma_wait3A_221] : memref<10000x128xf32, #tpu.memory_space<hbm>> -> memref<10000x128xf32, #tpu.memory_space<hbm>>
      tpu.wait_indirect_dma semaphore(%arg12 : memref<!tpu.dma_semaphore, #tpu.memory_space<semaphore_mem>>) src(%dma_wait3A_222 : memref<10000x128xf32, #tpu.memory_space<hbm>>) dst(%arg8 : memref<125x128xf32, #tpu.memory_space<vmem>>)
      %run_scoped3A = arith.constant 0 : i32
      "tpu.region"() ({
        %run_scoped3A_314 = tpu.sem_alloc : memref<!tpu.dma_semaphore, #tpu.memory_space<semaphore_mem>>
        %dma_start3A_315 = arith.constant 0 : i32
        %dma_start3A_316 = tpu.memref_slice %arg7[%run_scoped3A, %dma_start3A_315] : memref<4x125xi32, #tpu.memory_space<vmem>> -> memref<1x125xi32, #tpu.memory_space<vmem>>
        %dma_start3A_317 = tpu.memref_squeeze %dma_start3A_316 : memref<1x125xi32, #tpu.memory_space<vmem>> -> memref<125xi32, #tpu.memory_space<vmem>>
        %dma_start3A_318 = arith.constant 0 : i32
        %dma_start3A_319 = arith.constant 0 : i32
        %dma_start3A_320 = tpu.memref_slice %arg11[%dma_start3A_318, %dma_start3A_319] : memref<10000x128xf32, #tpu.memory_space<vmem_shared>> -> memref<10000x128xf32, #tpu.memory_space<vmem_shared>>
        tpu.enqueue_indirect_dma source(%arg8 : memref<125x128xf32, #tpu.memory_space<vmem>>) target(%dma_start3A_320 : memref<10000x128xf32, #tpu.memory_space<vmem_shared>>) offsets(%dma_start3A_317 : memref<125xi32, #tpu.memory_space<vmem>>) semaphore(%run_scoped3A_314 : memref<!tpu.dma_semaphore, #tpu.memory_space<semaphore_mem>>) {add = true}
        %dma_wait3A_321 = arith.constant 0 : i32
        %dma_wait3A_322 = tpu.memref_slice %arg7[%run_scoped3A, %dma_wait3A_321] : memref<4x125xi32, #tpu.memory_space<vmem>> -> memref<1x125xi32, #tpu.memory_space<vmem>>
        %dma_wait3A_323 = tpu.memref_squeeze %dma_wait3A_322 : memref<1x125xi32, #tpu.memory_space<vmem>> -> memref<125xi32, #tpu.memory_space<vmem>>
        %dma_wait3A_324 = arith.constant 0 : i32
        %dma_wait3A_325 = arith.constant 0 : i32
        %dma_wait3A_326 = tpu.memref_slice %arg11[%dma_wait3A_324, %dma_wait3A_325] : memref<10000x128xf32, #tpu.memory_space<vmem_shared>> -> memref<10000x128xf32, #tpu.memory_space<vmem_shared>>
        tpu.wait_indirect_dma semaphore(%run_scoped3A_314 : memref<!tpu.dma_semaphore, #tpu.memory_space<semaphore_mem>>) src(%arg8 : memref<125x128xf32, #tpu.memory_space<vmem>>) dst(%dma_wait3A_326 : memref<10000x128xf32, #tpu.memory_space<vmem_shared>>)
        tpu.yield
      }) : () -> ()
      %add3A_223 = arith.constant 4 : i32
      %add3A_224 = arith.addi %add3A_215, %add3A_223 : i32
      %lt3A = arith.constant 80 : i32
      %lt3A_225 = arith.cmpi slt, %add3A_224, %lt3A : i32
      %convert_element_type3A_226 = arith.extui %lt3A_225 : i1 to i32
      %cond3A_227 = arith.constant 0 : i32
      %cond3A_228 = arith.cmpi ne, %convert_element_type3A_226, %cond3A_227 : i32
      scf.if %cond3A_228 {
        %add3A_314 = arith.constant 4 : i32
        %add3A_315 = arith.addi %add3A_215, %add3A_314 : i32
        %dma_start3A_316 = arith.constant 0 : i32
        %dma_start3A_317 = arith.constant 0 : i32
        %dma_start3A_318 = tpu.memref_slice %arg6[%dma_start3A_316, %dma_start3A_317] : memref<4x125xi32, #tpu.memory_space<vmem>> -> memref<1x125xi32, #tpu.memory_space<vmem>>
        %dma_start3A_319 = tpu.memref_squeeze %dma_start3A_318 : memref<1x125xi32, #tpu.memory_space<vmem>> -> memref<125xi32, #tpu.memory_space<vmem>>
        %dma_start3A_320 = arith.constant 0 : i32
        %dma_start3A_321 = tpu.memref_slice %arg3[%add3A, %add3A_315, %dma_start3A_320] : memref<32x80x125xi32, #tpu.memory_space<hbm>> -> memref<1x1x125xi32, #tpu.memory_space<hbm>>
        %dma_start3A_322 = tpu.memref_squeeze %dma_start3A_321 : memref<1x1x125xi32, #tpu.memory_space<hbm>> -> memref<125xi32, #tpu.memory_space<hbm>>
        %dma_start3A_323 = arith.constant 0 : i32
        %dma_start3A_324 = tpu.memref_slice %arg6[%dma_start3A_316, %dma_start3A_323] : memref<4x125xi32, #tpu.memory_space<vmem>> -> memref<1x125xi32, #tpu.memory_space<vmem>>
        %dma_start3A_325 = tpu.memref_squeeze %dma_start3A_324 : memref<1x125xi32, #tpu.memory_space<vmem>> -> memref<125xi32, #tpu.memory_space<vmem>>
        %dma_start3A_326 = arith.constant 0 : i32
        %dma_start3A_327 = tpu.memref_slice %arg3[%add3A, %add3A_315, %dma_start3A_326] : memref<32x80x125xi32, #tpu.memory_space<hbm>> -> memref<1x1x125xi32, #tpu.memory_space<hbm>>
        %dma_start3A_328 = tpu.memref_squeeze %dma_start3A_327 : memref<1x1x125xi32, #tpu.memory_space<hbm>> -> memref<125xi32, #tpu.memory_space<hbm>>
        tpu.enqueue_dma source(%dma_start3A_328 : memref<125xi32, #tpu.memory_space<hbm>>) target(%dma_start3A_325 : memref<125xi32, #tpu.memory_space<vmem>>) target_semaphore(%arg14 : memref<!tpu.dma_semaphore, #tpu.memory_space<semaphore_mem>>)
        %dma_start3A_329 = arith.constant 0 : i32
        %dma_start3A_330 = arith.constant 0 : i32
        %dma_start3A_331 = tpu.memref_slice %arg7[%dma_start3A_329, %dma_start3A_330] : memref<4x125xi32, #tpu.memory_space<vmem>> -> memref<1x125xi32, #tpu.memory_space<vmem>>
        %dma_start3A_332 = tpu.memref_squeeze %dma_start3A_331 : memref<1x125xi32, #tpu.memory_space<vmem>> -> memref<125xi32, #tpu.memory_space<vmem>>
        %dma_start3A_333 = arith.constant 0 : i32
        %dma_start3A_334 = tpu.memref_slice %arg4[%add3A, %add3A_315, %dma_start3A_333] : memref<32x80x125xi32, #tpu.memory_space<hbm>> -> memref<1x1x125xi32, #tpu.memory_space<hbm>>
        %dma_start3A_335 = tpu.memref_squeeze %dma_start3A_334 : memref<1x1x125xi32, #tpu.memory_space<hbm>> -> memref<125xi32, #tpu.memory_space<hbm>>
        %dma_start3A_336 = arith.constant 0 : i32
        %dma_start3A_337 = tpu.memref_slice %arg7[%dma_start3A_329, %dma_start3A_336] : memref<4x125xi32, #tpu.memory_space<vmem>> -> memref<1x125xi32, #tpu.memory_space<vmem>>
        %dma_start3A_338 = tpu.memref_squeeze %dma_start3A_337 : memref<1x125xi32, #tpu.memory_space<vmem>> -> memref<125xi32, #tpu.memory_space<vmem>>
        %dma_start3A_339 = arith.constant 0 : i32
        %dma_start3A_340 = tpu.memref_slice %arg4[%add3A, %add3A_315, %dma_start3A_339] : memref<32x80x125xi32, #tpu.memory_space<hbm>> -> memref<1x1x125xi32, #tpu.memory_space<hbm>>
        %dma_start3A_341 = tpu.memref_squeeze %dma_start3A_340 : memref<1x1x125xi32, #tpu.memory_space<hbm>> -> memref<125xi32, #tpu.memory_space<hbm>>
        tpu.enqueue_dma source(%dma_start3A_341 : memref<125xi32, #tpu.memory_space<hbm>>) target(%dma_start3A_338 : memref<125xi32, #tpu.memory_space<vmem>>) target_semaphore(%arg14 : memref<!tpu.dma_semaphore, #tpu.memory_space<semaphore_mem>>)
      } else {
      }
      %add3A_229 = arith.constant 2 : i32
      %add3A_230 = arith.addi %add3A_215, %add3A_229 : i32
      %lt3A_231 = arith.constant 80 : i32
      %lt3A_232 = arith.cmpi slt, %add3A_230, %lt3A_231 : i32
      %convert_element_type3A_233 = arith.extui %lt3A_232 : i1 to i32
      %cond3A_234 = arith.constant 0 : i32
      %cond3A_235 = arith.cmpi ne, %convert_element_type3A_233, %cond3A_234 : i32
      scf.if %cond3A_235 {
        %add3A_314 = arith.constant 2 : i32
        %add3A_315 = arith.addi %add3A_215, %add3A_314 : i32
        %dma_wait3A_316 = arith.constant 2 : i32
        %dma_wait3A_317 = arith.constant 0 : i32
        %dma_wait3A_318 = tpu.memref_slice %arg6[%dma_wait3A_316, %dma_wait3A_317] : memref<4x125xi32, #tpu.memory_space<vmem>> -> memref<1x125xi32, #tpu.memory_space<vmem>>
        %dma_wait3A_319 = tpu.memref_squeeze %dma_wait3A_318 : memref<1x125xi32, #tpu.memory_space<vmem>> -> memref<125xi32, #tpu.memory_space<vmem>>
        %dma_wait3A_320 = arith.constant 0 : i32
        %dma_wait3A_321 = tpu.memref_slice %arg3[%add3A, %add3A_315, %dma_wait3A_320] : memref<32x80x125xi32, #tpu.memory_space<hbm>> -> memref<1x1x125xi32, #tpu.memory_space<hbm>>
        %dma_wait3A_322 = tpu.memref_squeeze %dma_wait3A_321 : memref<1x1x125xi32, #tpu.memory_space<hbm>> -> memref<125xi32, #tpu.memory_space<hbm>>
        %dma_wait3A_323 = arith.constant 0 : i32
        %dma_wait3A_324 = tpu.memref_slice %arg6[%dma_wait3A_316, %dma_wait3A_323] : memref<4x125xi32, #tpu.memory_space<vmem>> -> memref<1x125xi32, #tpu.memory_space<vmem>>
        %dma_wait3A_325 = tpu.memref_squeeze %dma_wait3A_324 : memref<1x125xi32, #tpu.memory_space<vmem>> -> memref<125xi32, #tpu.memory_space<vmem>>
        %dma_wait3A_326 = arith.constant 0 : i32
        %dma_wait3A_327 = tpu.memref_slice %arg3[%add3A, %add3A_315, %dma_wait3A_326] : memref<32x80x125xi32, #tpu.memory_space<hbm>> -> memref<1x1x125xi32, #tpu.memory_space<hbm>>
        %dma_wait3A_328 = tpu.memref_squeeze %dma_wait3A_327 : memref<1x1x125xi32, #tpu.memory_space<hbm>> -> memref<125xi32, #tpu.memory_space<hbm>>
        tpu.wait_dma2 semaphore(%arg16 : memref<!tpu.dma_semaphore, #tpu.memory_space<semaphore_mem>>) src(%dma_wait3A_328 : memref<125xi32, #tpu.memory_space<hbm>>) dst(%dma_wait3A_325 : memref<125xi32, #tpu.memory_space<vmem>>)
        %dma_wait3A_329 = arith.constant 2 : i32
        %dma_wait3A_330 = arith.constant 0 : i32
        %dma_wait3A_331 = tpu.memref_slice %arg7[%dma_wait3A_329, %dma_wait3A_330] : memref<4x125xi32, #tpu.memory_space<vmem>> -> memref<1x125xi32, #tpu.memory_space<vmem>>
        %dma_wait3A_332 = tpu.memref_squeeze %dma_wait3A_331 : memref<1x125xi32, #tpu.memory_space<vmem>> -> memref<125xi32, #tpu.memory_space<vmem>>
        %dma_wait3A_333 = arith.constant 0 : i32
        %dma_wait3A_334 = tpu.memref_slice %arg4[%add3A, %add3A_315, %dma_wait3A_333] : memref<32x80x125xi32, #tpu.memory_space<hbm>> -> memref<1x1x125xi32, #tpu.memory_space<hbm>>
        %dma_wait3A_335 = tpu.memref_squeeze %dma_wait3A_334 : memref<1x1x125xi32, #tpu.memory_space<hbm>> -> memref<125xi32, #tpu.memory_space<hbm>>
        %dma_wait3A_336 = arith.constant 0 : i32
        %dma_wait3A_337 = tpu.memref_slice %arg7[%dma_wait3A_329, %dma_wait3A_336] : memref<4x125xi32, #tpu.memory_space<vmem>> -> memref<1x125xi32, #tpu.memory_space<vmem>>
        %dma_wait3A_338 = tpu.memref_squeeze %dma_wait3A_337 : memref<1x125xi32, #tpu.memory_space<vmem>> -> memref<125xi32, #tpu.memory_space<vmem>>
        %dma_wait3A_339 = arith.constant 0 : i32
        %dma_wait3A_340 = tpu.memref_slice %arg4[%add3A, %add3A_315, %dma_wait3A_339] : memref<32x80x125xi32, #tpu.memory_space<hbm>> -> memref<1x1x125xi32, #tpu.memory_space<hbm>>
        %dma_wait3A_341 = tpu.memref_squeeze %dma_wait3A_340 : memref<1x1x125xi32, #tpu.memory_space<hbm>> -> memref<125xi32, #tpu.memory_space<hbm>>
        tpu.wait_dma2 semaphore(%arg16 : memref<!tpu.dma_semaphore, #tpu.memory_space<semaphore_mem>>) src(%dma_wait3A_341 : memref<125xi32, #tpu.memory_space<hbm>>) dst(%dma_wait3A_338 : memref<125xi32, #tpu.memory_space<vmem>>)
        %dma_start3A_342 = arith.constant 2 : i32
        %dma_start3A_343 = arith.constant 0 : i32
        %dma_start3A_344 = tpu.memref_slice %arg6[%dma_start3A_342, %dma_start3A_343] : memref<4x125xi32, #tpu.memory_space<vmem>> -> memref<1x125xi32, #tpu.memory_space<vmem>>
        %dma_start3A_345 = tpu.memref_squeeze %dma_start3A_344 : memref<1x125xi32, #tpu.memory_space<vmem>> -> memref<125xi32, #tpu.memory_space<vmem>>
        %dma_start3A_346 = arith.constant 0 : i32
        %dma_start3A_347 = arith.constant 0 : i32
        %dma_start3A_348 = tpu.memref_slice %arg2[%dma_start3A_346, %dma_start3A_347] : memref<10000x128xf32, #tpu.memory_space<hbm>> -> memref<10000x128xf32, #tpu.memory_space<hbm>>
        tpu.enqueue_indirect_dma source(%dma_start3A_348 : memref<10000x128xf32, #tpu.memory_space<hbm>>) target(%arg8 : memref<125x128xf32, #tpu.memory_space<vmem>>) offsets(%dma_start3A_345 : memref<125xi32, #tpu.memory_space<vmem>>) semaphore(%arg12 : memref<!tpu.dma_semaphore, #tpu.memory_space<semaphore_mem>>)
      } else {
      }
      %mul3A_236 = arith.constant 4 : i32
      %mul3A_237 = arith.muli %mul3A_236, %scan3A_211 : i32
      %add3A_238 = arith.constant 1 : i32
      %add3A_239 = arith.addi %mul3A_237, %add3A_238 : i32
      %dma_wait3A_240 = arith.constant 1 : i32
      %dma_wait3A_241 = arith.constant 0 : i32
      %dma_wait3A_242 = tpu.memref_slice %arg6[%dma_wait3A_240, %dma_wait3A_241] : memref<4x125xi32, #tpu.memory_space<vmem>> -> memref<1x125xi32, #tpu.memory_space<vmem>>
      %dma_wait3A_243 = tpu.memref_squeeze %dma_wait3A_242 : memref<1x125xi32, #tpu.memory_space<vmem>> -> memref<125xi32, #tpu.memory_space<vmem>>
      %dma_wait3A_244 = arith.constant 0 : i32
      %dma_wait3A_245 = arith.constant 0 : i32
      %dma_wait3A_246 = tpu.memref_slice %arg2[%dma_wait3A_244, %dma_wait3A_245] : memref<10000x128xf32, #tpu.memory_space<hbm>> -> memref<10000x128xf32, #tpu.memory_space<hbm>>
      tpu.wait_indirect_dma semaphore(%arg13 : memref<!tpu.dma_semaphore, #tpu.memory_space<semaphore_mem>>) src(%dma_wait3A_246 : memref<10000x128xf32, #tpu.memory_space<hbm>>) dst(%arg9 : memref<125x128xf32, #tpu.memory_space<vmem>>)
      %run_scoped3A_247 = arith.constant 1 : i32
      "tpu.region"() ({
        %run_scoped3A_314 = tpu.sem_alloc : memref<!tpu.dma_semaphore, #tpu.memory_space<semaphore_mem>>
        %dma_start3A_315 = arith.constant 0 : i32
        %dma_start3A_316 = tpu.memref_slice %arg7[%run_scoped3A_247, %dma_start3A_315] : memref<4x125xi32, #tpu.memory_space<vmem>> -> memref<1x125xi32, #tpu.memory_space<vmem>>
        %dma_start3A_317 = tpu.memref_squeeze %dma_start3A_316 : memref<1x125xi32, #tpu.memory_space<vmem>> -> memref<125xi32, #tpu.memory_space<vmem>>
        %dma_start3A_318 = arith.constant 0 : i32
        %dma_start3A_319 = arith.constant 0 : i32
        %dma_start3A_320 = tpu.memref_slice %arg11[%dma_start3A_318, %dma_start3A_319] : memref<10000x128xf32, #tpu.memory_space<vmem_shared>> -> memref<10000x128xf32, #tpu.memory_space<vmem_shared>>
        tpu.enqueue_indirect_dma source(%arg9 : memref<125x128xf32, #tpu.memory_space<vmem>>) target(%dma_start3A_320 : memref<10000x128xf32, #tpu.memory_space<vmem_shared>>) offsets(%dma_start3A_317 : memref<125xi32, #tpu.memory_space<vmem>>) semaphore(%run_scoped3A_314 : memref<!tpu.dma_semaphore, #tpu.memory_space<semaphore_mem>>) {add = true}
        %dma_wait3A_321 = arith.constant 0 : i32
        %dma_wait3A_322 = tpu.memref_slice %arg7[%run_scoped3A_247, %dma_wait3A_321] : memref<4x125xi32, #tpu.memory_space<vmem>> -> memref<1x125xi32, #tpu.memory_space<vmem>>
        %dma_wait3A_323 = tpu.memref_squeeze %dma_wait3A_322 : memref<1x125xi32, #tpu.memory_space<vmem>> -> memref<125xi32, #tpu.memory_space<vmem>>
        %dma_wait3A_324 = arith.constant 0 : i32
        %dma_wait3A_325 = arith.constant 0 : i32
        %dma_wait3A_326 = tpu.memref_slice %arg11[%dma_wait3A_324, %dma_wait3A_325] : memref<10000x128xf32, #tpu.memory_space<vmem_shared>> -> memref<10000x128xf32, #tpu.memory_space<vmem_shared>>
        tpu.wait_indirect_dma semaphore(%run_scoped3A_314 : memref<!tpu.dma_semaphore, #tpu.memory_space<semaphore_mem>>) src(%arg9 : memref<125x128xf32, #tpu.memory_space<vmem>>) dst(%dma_wait3A_326 : memref<10000x128xf32, #tpu.memory_space<vmem_shared>>)
        tpu.yield
      }) : () -> ()
      %add3A_248 = arith.constant 4 : i32
      %add3A_249 = arith.addi %add3A_239, %add3A_248 : i32
      %lt3A_250 = arith.constant 80 : i32
      %lt3A_251 = arith.cmpi slt, %add3A_249, %lt3A_250 : i32
      %convert_element_type3A_252 = arith.extui %lt3A_251 : i1 to i32
      %cond3A_253 = arith.constant 0 : i32
      %cond3A_254 = arith.cmpi ne, %convert_element_type3A_252, %cond3A_253 : i32
      scf.if %cond3A_254 {
        %add3A_314 = arith.constant 4 : i32
        %add3A_315 = arith.addi %add3A_239, %add3A_314 : i32
        %dma_start3A_316 = arith.constant 1 : i32
        %dma_start3A_317 = arith.constant 0 : i32
        %dma_start3A_318 = tpu.memref_slice %arg6[%dma_start3A_316, %dma_start3A_317] : memref<4x125xi32, #tpu.memory_space<vmem>> -> memref<1x125xi32, #tpu.memory_space<vmem>>
        %dma_start3A_319 = tpu.memref_squeeze %dma_start3A_318 : memref<1x125xi32, #tpu.memory_space<vmem>> -> memref<125xi32, #tpu.memory_space<vmem>>
        %dma_start3A_320 = arith.constant 0 : i32
        %dma_start3A_321 = tpu.memref_slice %arg3[%add3A, %add3A_315, %dma_start3A_320] : memref<32x80x125xi32, #tpu.memory_space<hbm>> -> memref<1x1x125xi32, #tpu.memory_space<hbm>>
        %dma_start3A_322 = tpu.memref_squeeze %dma_start3A_321 : memref<1x1x125xi32, #tpu.memory_space<hbm>> -> memref<125xi32, #tpu.memory_space<hbm>>
        %dma_start3A_323 = arith.constant 0 : i32
        %dma_start3A_324 = tpu.memref_slice %arg6[%dma_start3A_316, %dma_start3A_323] : memref<4x125xi32, #tpu.memory_space<vmem>> -> memref<1x125xi32, #tpu.memory_space<vmem>>
        %dma_start3A_325 = tpu.memref_squeeze %dma_start3A_324 : memref<1x125xi32, #tpu.memory_space<vmem>> -> memref<125xi32, #tpu.memory_space<vmem>>
        %dma_start3A_326 = arith.constant 0 : i32
        %dma_start3A_327 = tpu.memref_slice %arg3[%add3A, %add3A_315, %dma_start3A_326] : memref<32x80x125xi32, #tpu.memory_space<hbm>> -> memref<1x1x125xi32, #tpu.memory_space<hbm>>
        %dma_start3A_328 = tpu.memref_squeeze %dma_start3A_327 : memref<1x1x125xi32, #tpu.memory_space<hbm>> -> memref<125xi32, #tpu.memory_space<hbm>>
        tpu.enqueue_dma source(%dma_start3A_328 : memref<125xi32, #tpu.memory_space<hbm>>) target(%dma_start3A_325 : memref<125xi32, #tpu.memory_space<vmem>>) target_semaphore(%arg15 : memref<!tpu.dma_semaphore, #tpu.memory_space<semaphore_mem>>)
        %dma_start3A_329 = arith.constant 1 : i32
        %dma_start3A_330 = arith.constant 0 : i32
        %dma_start3A_331 = tpu.memref_slice %arg7[%dma_start3A_329, %dma_start3A_330] : memref<4x125xi32, #tpu.memory_space<vmem>> -> memref<1x125xi32, #tpu.memory_space<vmem>>
        %dma_start3A_332 = tpu.memref_squeeze %dma_start3A_331 : memref<1x125xi32, #tpu.memory_space<vmem>> -> memref<125xi32, #tpu.memory_space<vmem>>
        %dma_start3A_333 = arith.constant 0 : i32
        %dma_start3A_334 = tpu.memref_slice %arg4[%add3A, %add3A_315, %dma_start3A_333] : memref<32x80x125xi32, #tpu.memory_space<hbm>> -> memref<1x1x125xi32, #tpu.memory_space<hbm>>
        %dma_start3A_335 = tpu.memref_squeeze %dma_start3A_334 : memref<1x1x125xi32, #tpu.memory_space<hbm>> -> memref<125xi32, #tpu.memory_space<hbm>>
        %dma_start3A_336 = arith.constant 0 : i32
        %dma_start3A_337 = tpu.memref_slice %arg7[%dma_start3A_329, %dma_start3A_336] : memref<4x125xi32, #tpu.memory_space<vmem>> -> memref<1x125xi32, #tpu.memory_space<vmem>>
        %dma_start3A_338 = tpu.memref_squeeze %dma_start3A_337 : memref<1x125xi32, #tpu.memory_space<vmem>> -> memref<125xi32, #tpu.memory_space<vmem>>
        %dma_start3A_339 = arith.constant 0 : i32
        %dma_start3A_340 = tpu.memref_slice %arg4[%add3A, %add3A_315, %dma_start3A_339] : memref<32x80x125xi32, #tpu.memory_space<hbm>> -> memref<1x1x125xi32, #tpu.memory_space<hbm>>
        %dma_start3A_341 = tpu.memref_squeeze %dma_start3A_340 : memref<1x1x125xi32, #tpu.memory_space<hbm>> -> memref<125xi32, #tpu.memory_space<hbm>>
        tpu.enqueue_dma source(%dma_start3A_341 : memref<125xi32, #tpu.memory_space<hbm>>) target(%dma_start3A_338 : memref<125xi32, #tpu.memory_space<vmem>>) target_semaphore(%arg15 : memref<!tpu.dma_semaphore, #tpu.memory_space<semaphore_mem>>)
      } else {
      }
      %add3A_255 = arith.constant 2 : i32
      %add3A_256 = arith.addi %add3A_239, %add3A_255 : i32
      %lt3A_257 = arith.constant 80 : i32
      %lt3A_258 = arith.cmpi slt, %add3A_256, %lt3A_257 : i32
      %convert_element_type3A_259 = arith.extui %lt3A_258 : i1 to i32
      %cond3A_260 = arith.constant 0 : i32
      %cond3A_261 = arith.cmpi ne, %convert_element_type3A_259, %cond3A_260 : i32
      scf.if %cond3A_261 {
        %add3A_314 = arith.constant 2 : i32
        %add3A_315 = arith.addi %add3A_239, %add3A_314 : i32
        %dma_wait3A_316 = arith.constant 3 : i32
        %dma_wait3A_317 = arith.constant 0 : i32
        %dma_wait3A_318 = tpu.memref_slice %arg6[%dma_wait3A_316, %dma_wait3A_317] : memref<4x125xi32, #tpu.memory_space<vmem>> -> memref<1x125xi32, #tpu.memory_space<vmem>>
        %dma_wait3A_319 = tpu.memref_squeeze %dma_wait3A_318 : memref<1x125xi32, #tpu.memory_space<vmem>> -> memref<125xi32, #tpu.memory_space<vmem>>
        %dma_wait3A_320 = arith.constant 0 : i32
        %dma_wait3A_321 = tpu.memref_slice %arg3[%add3A, %add3A_315, %dma_wait3A_320] : memref<32x80x125xi32, #tpu.memory_space<hbm>> -> memref<1x1x125xi32, #tpu.memory_space<hbm>>
        %dma_wait3A_322 = tpu.memref_squeeze %dma_wait3A_321 : memref<1x1x125xi32, #tpu.memory_space<hbm>> -> memref<125xi32, #tpu.memory_space<hbm>>
        %dma_wait3A_323 = arith.constant 0 : i32
        %dma_wait3A_324 = tpu.memref_slice %arg6[%dma_wait3A_316, %dma_wait3A_323] : memref<4x125xi32, #tpu.memory_space<vmem>> -> memref<1x125xi32, #tpu.memory_space<vmem>>
        %dma_wait3A_325 = tpu.memref_squeeze %dma_wait3A_324 : memref<1x125xi32, #tpu.memory_space<vmem>> -> memref<125xi32, #tpu.memory_space<vmem>>
        %dma_wait3A_326 = arith.constant 0 : i32
        %dma_wait3A_327 = tpu.memref_slice %arg3[%add3A, %add3A_315, %dma_wait3A_326] : memref<32x80x125xi32, #tpu.memory_space<hbm>> -> memref<1x1x125xi32, #tpu.memory_space<hbm>>
        %dma_wait3A_328 = tpu.memref_squeeze %dma_wait3A_327 : memref<1x1x125xi32, #tpu.memory_space<hbm>> -> memref<125xi32, #tpu.memory_space<hbm>>
        tpu.wait_dma2 semaphore(%arg17 : memref<!tpu.dma_semaphore, #tpu.memory_space<semaphore_mem>>) src(%dma_wait3A_328 : memref<125xi32, #tpu.memory_space<hbm>>) dst(%dma_wait3A_325 : memref<125xi32, #tpu.memory_space<vmem>>)
        %dma_wait3A_329 = arith.constant 3 : i32
        %dma_wait3A_330 = arith.constant 0 : i32
        %dma_wait3A_331 = tpu.memref_slice %arg7[%dma_wait3A_329, %dma_wait3A_330] : memref<4x125xi32, #tpu.memory_space<vmem>> -> memref<1x125xi32, #tpu.memory_space<vmem>>
        %dma_wait3A_332 = tpu.memref_squeeze %dma_wait3A_331 : memref<1x125xi32, #tpu.memory_space<vmem>> -> memref<125xi32, #tpu.memory_space<vmem>>
        %dma_wait3A_333 = arith.constant 0 : i32
        %dma_wait3A_334 = tpu.memref_slice %arg4[%add3A, %add3A_315, %dma_wait3A_333] : memref<32x80x125xi32, #tpu.memory_space<hbm>> -> memref<1x1x125xi32, #tpu.memory_space<hbm>>
        %dma_wait3A_335 = tpu.memref_squeeze %dma_wait3A_334 : memref<1x1x125xi32, #tpu.memory_space<hbm>> -> memref<125xi32, #tpu.memory_space<hbm>>
        %dma_wait3A_336 = arith.constant 0 : i32
        %dma_wait3A_337 = tpu.memref_slice %arg7[%dma_wait3A_329, %dma_wait3A_336] : memref<4x125xi32, #tpu.memory_space<vmem>> -> memref<1x125xi32, #tpu.memory_space<vmem>>
        %dma_wait3A_338 = tpu.memref_squeeze %dma_wait3A_337 : memref<1x125xi32, #tpu.memory_space<vmem>> -> memref<125xi32, #tpu.memory_space<vmem>>
        %dma_wait3A_339 = arith.constant 0 : i32
        %dma_wait3A_340 = tpu.memref_slice %arg4[%add3A, %add3A_315, %dma_wait3A_339] : memref<32x80x125xi32, #tpu.memory_space<hbm>> -> memref<1x1x125xi32, #tpu.memory_space<hbm>>
        %dma_wait3A_341 = tpu.memref_squeeze %dma_wait3A_340 : memref<1x1x125xi32, #tpu.memory_space<hbm>> -> memref<125xi32, #tpu.memory_space<hbm>>
        tpu.wait_dma2 semaphore(%arg17 : memref<!tpu.dma_semaphore, #tpu.memory_space<semaphore_mem>>) src(%dma_wait3A_341 : memref<125xi32, #tpu.memory_space<hbm>>) dst(%dma_wait3A_338 : memref<125xi32, #tpu.memory_space<vmem>>)
        %dma_start3A_342 = arith.constant 3 : i32
        %dma_start3A_343 = arith.constant 0 : i32
        %dma_start3A_344 = tpu.memref_slice %arg6[%dma_start3A_342, %dma_start3A_343] : memref<4x125xi32, #tpu.memory_space<vmem>> -> memref<1x125xi32, #tpu.memory_space<vmem>>
        %dma_start3A_345 = tpu.memref_squeeze %dma_start3A_344 : memref<1x125xi32, #tpu.memory_space<vmem>> -> memref<125xi32, #tpu.memory_space<vmem>>
        %dma_start3A_346 = arith.constant 0 : i32
        %dma_start3A_347 = arith.constant 0 : i32
        %dma_start3A_348 = tpu.memref_slice %arg2[%dma_start3A_346, %dma_start3A_347] : memref<10000x128xf32, #tpu.memory_space<hbm>> -> memref<10000x128xf32, #tpu.memory_space<hbm>>
        tpu.enqueue_indirect_dma source(%dma_start3A_348 : memref<10000x128xf32, #tpu.memory_space<hbm>>) target(%arg9 : memref<125x128xf32, #tpu.memory_space<vmem>>) offsets(%dma_start3A_345 : memref<125xi32, #tpu.memory_space<vmem>>) semaphore(%arg13 : memref<!tpu.dma_semaphore, #tpu.memory_space<semaphore_mem>>)
      } else {
      }
      %mul3A_262 = arith.constant 4 : i32
      %mul3A_263 = arith.muli %mul3A_262, %scan3A_211 : i32
      %add3A_264 = arith.constant 2 : i32
      %add3A_265 = arith.addi %mul3A_263, %add3A_264 : i32
      %dma_wait3A_266 = arith.constant 2 : i32
      %dma_wait3A_267 = arith.constant 0 : i32
      %dma_wait3A_268 = tpu.memref_slice %arg6[%dma_wait3A_266, %dma_wait3A_267] : memref<4x125xi32, #tpu.memory_space<vmem>> -> memref<1x125xi32, #tpu.memory_space<vmem>>
      %dma_wait3A_269 = tpu.memref_squeeze %dma_wait3A_268 : memref<1x125xi32, #tpu.memory_space<vmem>> -> memref<125xi32, #tpu.memory_space<vmem>>
      %dma_wait3A_270 = arith.constant 0 : i32
      %dma_wait3A_271 = arith.constant 0 : i32
      %dma_wait3A_272 = tpu.memref_slice %arg2[%dma_wait3A_270, %dma_wait3A_271] : memref<10000x128xf32, #tpu.memory_space<hbm>> -> memref<10000x128xf32, #tpu.memory_space<hbm>>
      tpu.wait_indirect_dma semaphore(%arg12 : memref<!tpu.dma_semaphore, #tpu.memory_space<semaphore_mem>>) src(%dma_wait3A_272 : memref<10000x128xf32, #tpu.memory_space<hbm>>) dst(%arg8 : memref<125x128xf32, #tpu.memory_space<vmem>>)
      %run_scoped3A_273 = arith.constant 2 : i32
      "tpu.region"() ({
        %run_scoped3A_314 = tpu.sem_alloc : memref<!tpu.dma_semaphore, #tpu.memory_space<semaphore_mem>>
        %dma_start3A_315 = arith.constant 0 : i32
        %dma_start3A_316 = tpu.memref_slice %arg7[%run_scoped3A_273, %dma_start3A_315] : memref<4x125xi32, #tpu.memory_space<vmem>> -> memref<1x125xi32, #tpu.memory_space<vmem>>
        %dma_start3A_317 = tpu.memref_squeeze %dma_start3A_316 : memref<1x125xi32, #tpu.memory_space<vmem>> -> memref<125xi32, #tpu.memory_space<vmem>>
        %dma_start3A_318 = arith.constant 0 : i32
        %dma_start3A_319 = arith.constant 0 : i32
        %dma_start3A_320 = tpu.memref_slice %arg11[%dma_start3A_318, %dma_start3A_319] : memref<10000x128xf32, #tpu.memory_space<vmem_shared>> -> memref<10000x128xf32, #tpu.memory_space<vmem_shared>>
        tpu.enqueue_indirect_dma source(%arg8 : memref<125x128xf32, #tpu.memory_space<vmem>>) target(%dma_start3A_320 : memref<10000x128xf32, #tpu.memory_space<vmem_shared>>) offsets(%dma_start3A_317 : memref<125xi32, #tpu.memory_space<vmem>>) semaphore(%run_scoped3A_314 : memref<!tpu.dma_semaphore, #tpu.memory_space<semaphore_mem>>) {add = true}
        %dma_wait3A_321 = arith.constant 0 : i32
        %dma_wait3A_322 = tpu.memref_slice %arg7[%run_scoped3A_273, %dma_wait3A_321] : memref<4x125xi32, #tpu.memory_space<vmem>> -> memref<1x125xi32, #tpu.memory_space<vmem>>
        %dma_wait3A_323 = tpu.memref_squeeze %dma_wait3A_322 : memref<1x125xi32, #tpu.memory_space<vmem>> -> memref<125xi32, #tpu.memory_space<vmem>>
        %dma_wait3A_324 = arith.constant 0 : i32
        %dma_wait3A_325 = arith.constant 0 : i32
        %dma_wait3A_326 = tpu.memref_slice %arg11[%dma_wait3A_324, %dma_wait3A_325] : memref<10000x128xf32, #tpu.memory_space<vmem_shared>> -> memref<10000x128xf32, #tpu.memory_space<vmem_shared>>
        tpu.wait_indirect_dma semaphore(%run_scoped3A_314 : memref<!tpu.dma_semaphore, #tpu.memory_space<semaphore_mem>>) src(%arg8 : memref<125x128xf32, #tpu.memory_space<vmem>>) dst(%dma_wait3A_326 : memref<10000x128xf32, #tpu.memory_space<vmem_shared>>)
        tpu.yield
      }) : () -> ()
      %add3A_274 = arith.constant 4 : i32
      %add3A_275 = arith.addi %add3A_265, %add3A_274 : i32
      %lt3A_276 = arith.constant 80 : i32
      %lt3A_277 = arith.cmpi slt, %add3A_275, %lt3A_276 : i32
      %convert_element_type3A_278 = arith.extui %lt3A_277 : i1 to i32
      %cond3A_279 = arith.constant 0 : i32
      %cond3A_280 = arith.cmpi ne, %convert_element_type3A_278, %cond3A_279 : i32
      scf.if %cond3A_280 {
        %add3A_314 = arith.constant 4 : i32
        %add3A_315 = arith.addi %add3A_265, %add3A_314 : i32
        %dma_start3A_316 = arith.constant 2 : i32
        %dma_start3A_317 = arith.constant 0 : i32
        %dma_start3A_318 = tpu.memref_slice %arg6[%dma_start3A_316, %dma_start3A_317] : memref<4x125xi32, #tpu.memory_space<vmem>> -> memref<1x125xi32, #tpu.memory_space<vmem>>
        %dma_start3A_319 = tpu.memref_squeeze %dma_start3A_318 : memref<1x125xi32, #tpu.memory_space<vmem>> -> memref<125xi32, #tpu.memory_space<vmem>>
        %dma_start3A_320 = arith.constant 0 : i32
        %dma_start3A_321 = tpu.memref_slice %arg3[%add3A, %add3A_315, %dma_start3A_320] : memref<32x80x125xi32, #tpu.memory_space<hbm>> -> memref<1x1x125xi32, #tpu.memory_space<hbm>>
        %dma_start3A_322 = tpu.memref_squeeze %dma_start3A_321 : memref<1x1x125xi32, #tpu.memory_space<hbm>> -> memref<125xi32, #tpu.memory_space<hbm>>
        %dma_start3A_323 = arith.constant 0 : i32
        %dma_start3A_324 = tpu.memref_slice %arg6[%dma_start3A_316, %dma_start3A_323] : memref<4x125xi32, #tpu.memory_space<vmem>> -> memref<1x125xi32, #tpu.memory_space<vmem>>
        %dma_start3A_325 = tpu.memref_squeeze %dma_start3A_324 : memref<1x125xi32, #tpu.memory_space<vmem>> -> memref<125xi32, #tpu.memory_space<vmem>>
        %dma_start3A_326 = arith.constant 0 : i32
        %dma_start3A_327 = tpu.memref_slice %arg3[%add3A, %add3A_315, %dma_start3A_326] : memref<32x80x125xi32, #tpu.memory_space<hbm>> -> memref<1x1x125xi32, #tpu.memory_space<hbm>>
        %dma_start3A_328 = tpu.memref_squeeze %dma_start3A_327 : memref<1x1x125xi32, #tpu.memory_space<hbm>> -> memref<125xi32, #tpu.memory_space<hbm>>
        tpu.enqueue_dma source(%dma_start3A_328 : memref<125xi32, #tpu.memory_space<hbm>>) target(%dma_start3A_325 : memref<125xi32, #tpu.memory_space<vmem>>) target_semaphore(%arg16 : memref<!tpu.dma_semaphore, #tpu.memory_space<semaphore_mem>>)
        %dma_start3A_329 = arith.constant 2 : i32
        %dma_start3A_330 = arith.constant 0 : i32
        %dma_start3A_331 = tpu.memref_slice %arg7[%dma_start3A_329, %dma_start3A_330] : memref<4x125xi32, #tpu.memory_space<vmem>> -> memref<1x125xi32, #tpu.memory_space<vmem>>
        %dma_start3A_332 = tpu.memref_squeeze %dma_start3A_331 : memref<1x125xi32, #tpu.memory_space<vmem>> -> memref<125xi32, #tpu.memory_space<vmem>>
        %dma_start3A_333 = arith.constant 0 : i32
        %dma_start3A_334 = tpu.memref_slice %arg4[%add3A, %add3A_315, %dma_start3A_333] : memref<32x80x125xi32, #tpu.memory_space<hbm>> -> memref<1x1x125xi32, #tpu.memory_space<hbm>>
        %dma_start3A_335 = tpu.memref_squeeze %dma_start3A_334 : memref<1x1x125xi32, #tpu.memory_space<hbm>> -> memref<125xi32, #tpu.memory_space<hbm>>
        %dma_start3A_336 = arith.constant 0 : i32
        %dma_start3A_337 = tpu.memref_slice %arg7[%dma_start3A_329, %dma_start3A_336] : memref<4x125xi32, #tpu.memory_space<vmem>> -> memref<1x125xi32, #tpu.memory_space<vmem>>
        %dma_start3A_338 = tpu.memref_squeeze %dma_start3A_337 : memref<1x125xi32, #tpu.memory_space<vmem>> -> memref<125xi32, #tpu.memory_space<vmem>>
        %dma_start3A_339 = arith.constant 0 : i32
        %dma_start3A_340 = tpu.memref_slice %arg4[%add3A, %add3A_315, %dma_start3A_339] : memref<32x80x125xi32, #tpu.memory_space<hbm>> -> memref<1x1x125xi32, #tpu.memory_space<hbm>>
        %dma_start3A_341 = tpu.memref_squeeze %dma_start3A_340 : memref<1x1x125xi32, #tpu.memory_space<hbm>> -> memref<125xi32, #tpu.memory_space<hbm>>
        tpu.enqueue_dma source(%dma_start3A_341 : memref<125xi32, #tpu.memory_space<hbm>>) target(%dma_start3A_338 : memref<125xi32, #tpu.memory_space<vmem>>) target_semaphore(%arg16 : memref<!tpu.dma_semaphore, #tpu.memory_space<semaphore_mem>>)
      } else {
      }
      %add3A_281 = arith.constant 2 : i32
      %add3A_282 = arith.addi %add3A_265, %add3A_281 : i32
      %lt3A_283 = arith.constant 80 : i32
      %lt3A_284 = arith.cmpi slt, %add3A_282, %lt3A_283 : i32
      %convert_element_type3A_285 = arith.extui %lt3A_284 : i1 to i32
      %cond3A_286 = arith.constant 0 : i32
      %cond3A_287 = arith.cmpi ne, %convert_element_type3A_285, %cond3A_286 : i32
      scf.if %cond3A_287 {
        %add3A_314 = arith.constant 2 : i32
        %add3A_315 = arith.addi %add3A_265, %add3A_314 : i32
        %dma_wait3A_316 = arith.constant 0 : i32
        %dma_wait3A_317 = arith.constant 0 : i32
        %dma_wait3A_318 = tpu.memref_slice %arg6[%dma_wait3A_316, %dma_wait3A_317] : memref<4x125xi32, #tpu.memory_space<vmem>> -> memref<1x125xi32, #tpu.memory_space<vmem>>
        %dma_wait3A_319 = tpu.memref_squeeze %dma_wait3A_318 : memref<1x125xi32, #tpu.memory_space<vmem>> -> memref<125xi32, #tpu.memory_space<vmem>>
        %dma_wait3A_320 = arith.constant 0 : i32
        %dma_wait3A_321 = tpu.memref_slice %arg3[%add3A, %add3A_315, %dma_wait3A_320] : memref<32x80x125xi32, #tpu.memory_space<hbm>> -> memref<1x1x125xi32, #tpu.memory_space<hbm>>
        %dma_wait3A_322 = tpu.memref_squeeze %dma_wait3A_321 : memref<1x1x125xi32, #tpu.memory_space<hbm>> -> memref<125xi32, #tpu.memory_space<hbm>>
        %dma_wait3A_323 = arith.constant 0 : i32
        %dma_wait3A_324 = tpu.memref_slice %arg6[%dma_wait3A_316, %dma_wait3A_323] : memref<4x125xi32, #tpu.memory_space<vmem>> -> memref<1x125xi32, #tpu.memory_space<vmem>>
        %dma_wait3A_325 = tpu.memref_squeeze %dma_wait3A_324 : memref<1x125xi32, #tpu.memory_space<vmem>> -> memref<125xi32, #tpu.memory_space<vmem>>
        %dma_wait3A_326 = arith.constant 0 : i32
        %dma_wait3A_327 = tpu.memref_slice %arg3[%add3A, %add3A_315, %dma_wait3A_326] : memref<32x80x125xi32, #tpu.memory_space<hbm>> -> memref<1x1x125xi32, #tpu.memory_space<hbm>>
        %dma_wait3A_328 = tpu.memref_squeeze %dma_wait3A_327 : memref<1x1x125xi32, #tpu.memory_space<hbm>> -> memref<125xi32, #tpu.memory_space<hbm>>
        tpu.wait_dma2 semaphore(%arg14 : memref<!tpu.dma_semaphore, #tpu.memory_space<semaphore_mem>>) src(%dma_wait3A_328 : memref<125xi32, #tpu.memory_space<hbm>>) dst(%dma_wait3A_325 : memref<125xi32, #tpu.memory_space<vmem>>)
        %dma_wait3A_329 = arith.constant 0 : i32
        %dma_wait3A_330 = arith.constant 0 : i32
        %dma_wait3A_331 = tpu.memref_slice %arg7[%dma_wait3A_329, %dma_wait3A_330] : memref<4x125xi32, #tpu.memory_space<vmem>> -> memref<1x125xi32, #tpu.memory_space<vmem>>
        %dma_wait3A_332 = tpu.memref_squeeze %dma_wait3A_331 : memref<1x125xi32, #tpu.memory_space<vmem>> -> memref<125xi32, #tpu.memory_space<vmem>>
        %dma_wait3A_333 = arith.constant 0 : i32
        %dma_wait3A_334 = tpu.memref_slice %arg4[%add3A, %add3A_315, %dma_wait3A_333] : memref<32x80x125xi32, #tpu.memory_space<hbm>> -> memref<1x1x125xi32, #tpu.memory_space<hbm>>
        %dma_wait3A_335 = tpu.memref_squeeze %dma_wait3A_334 : memref<1x1x125xi32, #tpu.memory_space<hbm>> -> memref<125xi32, #tpu.memory_space<hbm>>
        %dma_wait3A_336 = arith.constant 0 : i32
        %dma_wait3A_337 = tpu.memref_slice %arg7[%dma_wait3A_329, %dma_wait3A_336] : memref<4x125xi32, #tpu.memory_space<vmem>> -> memref<1x125xi32, #tpu.memory_space<vmem>>
        %dma_wait3A_338 = tpu.memref_squeeze %dma_wait3A_337 : memref<1x125xi32, #tpu.memory_space<vmem>> -> memref<125xi32, #tpu.memory_space<vmem>>
        %dma_wait3A_339 = arith.constant 0 : i32
        %dma_wait3A_340 = tpu.memref_slice %arg4[%add3A, %add3A_315, %dma_wait3A_339] : memref<32x80x125xi32, #tpu.memory_space<hbm>> -> memref<1x1x125xi32, #tpu.memory_space<hbm>>
        %dma_wait3A_341 = tpu.memref_squeeze %dma_wait3A_340 : memref<1x1x125xi32, #tpu.memory_space<hbm>> -> memref<125xi32, #tpu.memory_space<hbm>>
        tpu.wait_dma2 semaphore(%arg14 : memref<!tpu.dma_semaphore, #tpu.memory_space<semaphore_mem>>) src(%dma_wait3A_341 : memref<125xi32, #tpu.memory_space<hbm>>) dst(%dma_wait3A_338 : memref<125xi32, #tpu.memory_space<vmem>>)
        %dma_start3A_342 = arith.constant 0 : i32
        %dma_start3A_343 = arith.constant 0 : i32
        %dma_start3A_344 = tpu.memref_slice %arg6[%dma_start3A_342, %dma_start3A_343] : memref<4x125xi32, #tpu.memory_space<vmem>> -> memref<1x125xi32, #tpu.memory_space<vmem>>
        %dma_start3A_345 = tpu.memref_squeeze %dma_start3A_344 : memref<1x125xi32, #tpu.memory_space<vmem>> -> memref<125xi32, #tpu.memory_space<vmem>>
        %dma_start3A_346 = arith.constant 0 : i32
        %dma_start3A_347 = arith.constant 0 : i32
        %dma_start3A_348 = tpu.memref_slice %arg2[%dma_start3A_346, %dma_start3A_347] : memref<10000x128xf32, #tpu.memory_space<hbm>> -> memref<10000x128xf32, #tpu.memory_space<hbm>>
        tpu.enqueue_indirect_dma source(%dma_start3A_348 : memref<10000x128xf32, #tpu.memory_space<hbm>>) target(%arg8 : memref<125x128xf32, #tpu.memory_space<vmem>>) offsets(%dma_start3A_345 : memref<125xi32, #tpu.memory_space<vmem>>) semaphore(%arg12 : memref<!tpu.dma_semaphore, #tpu.memory_space<semaphore_mem>>)
      } else {
      }
      %mul3A_288 = arith.constant 4 : i32
      %mul3A_289 = arith.muli %mul3A_288, %scan3A_211 : i32
      %add3A_290 = arith.constant 3 : i32
      %add3A_291 = arith.addi %mul3A_289, %add3A_290 : i32
      %dma_wait3A_292 = arith.constant 3 : i32
      %dma_wait3A_293 = arith.constant 0 : i32
      %dma_wait3A_294 = tpu.memref_slice %arg6[%dma_wait3A_292, %dma_wait3A_293] : memref<4x125xi32, #tpu.memory_space<vmem>> -> memref<1x125xi32, #tpu.memory_space<vmem>>
      %dma_wait3A_295 = tpu.memref_squeeze %dma_wait3A_294 : memref<1x125xi32, #tpu.memory_space<vmem>> -> memref<125xi32, #tpu.memory_space<vmem>>
      %dma_wait3A_296 = arith.constant 0 : i32
      %dma_wait3A_297 = arith.constant 0 : i32
      %dma_wait3A_298 = tpu.memref_slice %arg2[%dma_wait3A_296, %dma_wait3A_297] : memref<10000x128xf32, #tpu.memory_space<hbm>> -> memref<10000x128xf32, #tpu.memory_space<hbm>>
      tpu.wait_indirect_dma semaphore(%arg13 : memref<!tpu.dma_semaphore, #tpu.memory_space<semaphore_mem>>) src(%dma_wait3A_298 : memref<10000x128xf32, #tpu.memory_space<hbm>>) dst(%arg9 : memref<125x128xf32, #tpu.memory_space<vmem>>)
      %run_scoped3A_299 = arith.constant 3 : i32
      "tpu.region"() ({
        %run_scoped3A_314 = tpu.sem_alloc : memref<!tpu.dma_semaphore, #tpu.memory_space<semaphore_mem>>
        %dma_start3A_315 = arith.constant 0 : i32
        %dma_start3A_316 = tpu.memref_slice %arg7[%run_scoped3A_299, %dma_start3A_315] : memref<4x125xi32, #tpu.memory_space<vmem>> -> memref<1x125xi32, #tpu.memory_space<vmem>>
        %dma_start3A_317 = tpu.memref_squeeze %dma_start3A_316 : memref<1x125xi32, #tpu.memory_space<vmem>> -> memref<125xi32, #tpu.memory_space<vmem>>
        %dma_start3A_318 = arith.constant 0 : i32
        %dma_start3A_319 = arith.constant 0 : i32
        %dma_start3A_320 = tpu.memref_slice %arg11[%dma_start3A_318, %dma_start3A_319] : memref<10000x128xf32, #tpu.memory_space<vmem_shared>> -> memref<10000x128xf32, #tpu.memory_space<vmem_shared>>
        tpu.enqueue_indirect_dma source(%arg9 : memref<125x128xf32, #tpu.memory_space<vmem>>) target(%dma_start3A_320 : memref<10000x128xf32, #tpu.memory_space<vmem_shared>>) offsets(%dma_start3A_317 : memref<125xi32, #tpu.memory_space<vmem>>) semaphore(%run_scoped3A_314 : memref<!tpu.dma_semaphore, #tpu.memory_space<semaphore_mem>>) {add = true}
        %dma_wait3A_321 = arith.constant 0 : i32
        %dma_wait3A_322 = tpu.memref_slice %arg7[%run_scoped3A_299, %dma_wait3A_321] : memref<4x125xi32, #tpu.memory_space<vmem>> -> memref<1x125xi32, #tpu.memory_space<vmem>>
        %dma_wait3A_323 = tpu.memref_squeeze %dma_wait3A_322 : memref<1x125xi32, #tpu.memory_space<vmem>> -> memref<125xi32, #tpu.memory_space<vmem>>
        %dma_wait3A_324 = arith.constant 0 : i32
        %dma_wait3A_325 = arith.constant 0 : i32
        %dma_wait3A_326 = tpu.memref_slice %arg11[%dma_wait3A_324, %dma_wait3A_325] : memref<10000x128xf32, #tpu.memory_space<vmem_shared>> -> memref<10000x128xf32, #tpu.memory_space<vmem_shared>>
        tpu.wait_indirect_dma semaphore(%run_scoped3A_314 : memref<!tpu.dma_semaphore, #tpu.memory_space<semaphore_mem>>) src(%arg9 : memref<125x128xf32, #tpu.memory_space<vmem>>) dst(%dma_wait3A_326 : memref<10000x128xf32, #tpu.memory_space<vmem_shared>>)
        tpu.yield
      }) : () -> ()
      %add3A_300 = arith.constant 4 : i32
      %add3A_301 = arith.addi %add3A_291, %add3A_300 : i32
      %lt3A_302 = arith.constant 80 : i32
      %lt3A_303 = arith.cmpi slt, %add3A_301, %lt3A_302 : i32
      %convert_element_type3A_304 = arith.extui %lt3A_303 : i1 to i32
      %cond3A_305 = arith.constant 0 : i32
      %cond3A_306 = arith.cmpi ne, %convert_element_type3A_304, %cond3A_305 : i32
      scf.if %cond3A_306 {
        %add3A_314 = arith.constant 4 : i32
        %add3A_315 = arith.addi %add3A_291, %add3A_314 : i32
        %dma_start3A_316 = arith.constant 3 : i32
        %dma_start3A_317 = arith.constant 0 : i32
        %dma_start3A_318 = tpu.memref_slice %arg6[%dma_start3A_316, %dma_start3A_317] : memref<4x125xi32, #tpu.memory_space<vmem>> -> memref<1x125xi32, #tpu.memory_space<vmem>>
        %dma_start3A_319 = tpu.memref_squeeze %dma_start3A_318 : memref<1x125xi32, #tpu.memory_space<vmem>> -> memref<125xi32, #tpu.memory_space<vmem>>
        %dma_start3A_320 = arith.constant 0 : i32
        %dma_start3A_321 = tpu.memref_slice %arg3[%add3A, %add3A_315, %dma_start3A_320] : memref<32x80x125xi32, #tpu.memory_space<hbm>> -> memref<1x1x125xi32, #tpu.memory_space<hbm>>
        %dma_start3A_322 = tpu.memref_squeeze %dma_start3A_321 : memref<1x1x125xi32, #tpu.memory_space<hbm>> -> memref<125xi32, #tpu.memory_space<hbm>>
        %dma_start3A_323 = arith.constant 0 : i32
        %dma_start3A_324 = tpu.memref_slice %arg6[%dma_start3A_316, %dma_start3A_323] : memref<4x125xi32, #tpu.memory_space<vmem>> -> memref<1x125xi32, #tpu.memory_space<vmem>>
        %dma_start3A_325 = tpu.memref_squeeze %dma_start3A_324 : memref<1x125xi32, #tpu.memory_space<vmem>> -> memref<125xi32, #tpu.memory_space<vmem>>
        %dma_start3A_326 = arith.constant 0 : i32
        %dma_start3A_327 = tpu.memref_slice %arg3[%add3A, %add3A_315, %dma_start3A_326] : memref<32x80x125xi32, #tpu.memory_space<hbm>> -> memref<1x1x125xi32, #tpu.memory_space<hbm>>
        %dma_start3A_328 = tpu.memref_squeeze %dma_start3A_327 : memref<1x1x125xi32, #tpu.memory_space<hbm>> -> memref<125xi32, #tpu.memory_space<hbm>>
        tpu.enqueue_dma source(%dma_start3A_328 : memref<125xi32, #tpu.memory_space<hbm>>) target(%dma_start3A_325 : memref<125xi32, #tpu.memory_space<vmem>>) target_semaphore(%arg17 : memref<!tpu.dma_semaphore, #tpu.memory_space<semaphore_mem>>)
        %dma_start3A_329 = arith.constant 3 : i32
        %dma_start3A_330 = arith.constant 0 : i32
        %dma_start3A_331 = tpu.memref_slice %arg7[%dma_start3A_329, %dma_start3A_330] : memref<4x125xi32, #tpu.memory_space<vmem>> -> memref<1x125xi32, #tpu.memory_space<vmem>>
        %dma_start3A_332 = tpu.memref_squeeze %dma_start3A_331 : memref<1x125xi32, #tpu.memory_space<vmem>> -> memref<125xi32, #tpu.memory_space<vmem>>
        %dma_start3A_333 = arith.constant 0 : i32
        %dma_start3A_334 = tpu.memref_slice %arg4[%add3A, %add3A_315, %dma_start3A_333] : memref<32x80x125xi32, #tpu.memory_space<hbm>> -> memref<1x1x125xi32, #tpu.memory_space<hbm>>
        %dma_start3A_335 = tpu.memref_squeeze %dma_start3A_334 : memref<1x1x125xi32, #tpu.memory_space<hbm>> -> memref<125xi32, #tpu.memory_space<hbm>>
        %dma_start3A_336 = arith.constant 0 : i32
        %dma_start3A_337 = tpu.memref_slice %arg7[%dma_start3A_329, %dma_start3A_336] : memref<4x125xi32, #tpu.memory_space<vmem>> -> memref<1x125xi32, #tpu.memory_space<vmem>>
        %dma_start3A_338 = tpu.memref_squeeze %dma_start3A_337 : memref<1x125xi32, #tpu.memory_space<vmem>> -> memref<125xi32, #tpu.memory_space<vmem>>
        %dma_start3A_339 = arith.constant 0 : i32
        %dma_start3A_340 = tpu.memref_slice %arg4[%add3A, %add3A_315, %dma_start3A_339] : memref<32x80x125xi32, #tpu.memory_space<hbm>> -> memref<1x1x125xi32, #tpu.memory_space<hbm>>
        %dma_start3A_341 = tpu.memref_squeeze %dma_start3A_340 : memref<1x1x125xi32, #tpu.memory_space<hbm>> -> memref<125xi32, #tpu.memory_space<hbm>>
        tpu.enqueue_dma source(%dma_start3A_341 : memref<125xi32, #tpu.memory_space<hbm>>) target(%dma_start3A_338 : memref<125xi32, #tpu.memory_space<vmem>>) target_semaphore(%arg17 : memref<!tpu.dma_semaphore, #tpu.memory_space<semaphore_mem>>)
      } else {
      }
      %add3A_307 = arith.constant 2 : i32
      %add3A_308 = arith.addi %add3A_291, %add3A_307 : i32
      %lt3A_309 = arith.constant 80 : i32
      %lt3A_310 = arith.cmpi slt, %add3A_308, %lt3A_309 : i32
      %convert_element_type3A_311 = arith.extui %lt3A_310 : i1 to i32
      %cond3A_312 = arith.constant 0 : i32
      %cond3A_313 = arith.cmpi ne, %convert_element_type3A_311, %cond3A_312 : i32
      scf.if %cond3A_313 {
        %add3A_314 = arith.constant 2 : i32
        %add3A_315 = arith.addi %add3A_291, %add3A_314 : i32
        %dma_wait3A_316 = arith.constant 1 : i32
        %dma_wait3A_317 = arith.constant 0 : i32
        %dma_wait3A_318 = tpu.memref_slice %arg6[%dma_wait3A_316, %dma_wait3A_317] : memref<4x125xi32, #tpu.memory_space<vmem>> -> memref<1x125xi32, #tpu.memory_space<vmem>>
        %dma_wait3A_319 = tpu.memref_squeeze %dma_wait3A_318 : memref<1x125xi32, #tpu.memory_space<vmem>> -> memref<125xi32, #tpu.memory_space<vmem>>
        %dma_wait3A_320 = arith.constant 0 : i32
        %dma_wait3A_321 = tpu.memref_slice %arg3[%add3A, %add3A_315, %dma_wait3A_320] : memref<32x80x125xi32, #tpu.memory_space<hbm>> -> memref<1x1x125xi32, #tpu.memory_space<hbm>>
        %dma_wait3A_322 = tpu.memref_squeeze %dma_wait3A_321 : memref<1x1x125xi32, #tpu.memory_space<hbm>> -> memref<125xi32, #tpu.memory_space<hbm>>
        %dma_wait3A_323 = arith.constant 0 : i32
        %dma_wait3A_324 = tpu.memref_slice %arg6[%dma_wait3A_316, %dma_wait3A_323] : memref<4x125xi32, #tpu.memory_space<vmem>> -> memref<1x125xi32, #tpu.memory_space<vmem>>
        %dma_wait3A_325 = tpu.memref_squeeze %dma_wait3A_324 : memref<1x125xi32, #tpu.memory_space<vmem>> -> memref<125xi32, #tpu.memory_space<vmem>>
        %dma_wait3A_326 = arith.constant 0 : i32
        %dma_wait3A_327 = tpu.memref_slice %arg3[%add3A, %add3A_315, %dma_wait3A_326] : memref<32x80x125xi32, #tpu.memory_space<hbm>> -> memref<1x1x125xi32, #tpu.memory_space<hbm>>
        %dma_wait3A_328 = tpu.memref_squeeze %dma_wait3A_327 : memref<1x1x125xi32, #tpu.memory_space<hbm>> -> memref<125xi32, #tpu.memory_space<hbm>>
        tpu.wait_dma2 semaphore(%arg15 : memref<!tpu.dma_semaphore, #tpu.memory_space<semaphore_mem>>) src(%dma_wait3A_328 : memref<125xi32, #tpu.memory_space<hbm>>) dst(%dma_wait3A_325 : memref<125xi32, #tpu.memory_space<vmem>>)
        %dma_wait3A_329 = arith.constant 1 : i32
        %dma_wait3A_330 = arith.constant 0 : i32
        %dma_wait3A_331 = tpu.memref_slice %arg7[%dma_wait3A_329, %dma_wait3A_330] : memref<4x125xi32, #tpu.memory_space<vmem>> -> memref<1x125xi32, #tpu.memory_space<vmem>>
        %dma_wait3A_332 = tpu.memref_squeeze %dma_wait3A_331 : memref<1x125xi32, #tpu.memory_space<vmem>> -> memref<125xi32, #tpu.memory_space<vmem>>
        %dma_wait3A_333 = arith.constant 0 : i32
        %dma_wait3A_334 = tpu.memref_slice %arg4[%add3A, %add3A_315, %dma_wait3A_333] : memref<32x80x125xi32, #tpu.memory_space<hbm>> -> memref<1x1x125xi32, #tpu.memory_space<hbm>>
        %dma_wait3A_335 = tpu.memref_squeeze %dma_wait3A_334 : memref<1x1x125xi32, #tpu.memory_space<hbm>> -> memref<125xi32, #tpu.memory_space<hbm>>
        %dma_wait3A_336 = arith.constant 0 : i32
        %dma_wait3A_337 = tpu.memref_slice %arg7[%dma_wait3A_329, %dma_wait3A_336] : memref<4x125xi32, #tpu.memory_space<vmem>> -> memref<1x125xi32, #tpu.memory_space<vmem>>
        %dma_wait3A_338 = tpu.memref_squeeze %dma_wait3A_337 : memref<1x125xi32, #tpu.memory_space<vmem>> -> memref<125xi32, #tpu.memory_space<vmem>>
        %dma_wait3A_339 = arith.constant 0 : i32
        %dma_wait3A_340 = tpu.memref_slice %arg4[%add3A, %add3A_315, %dma_wait3A_339] : memref<32x80x125xi32, #tpu.memory_space<hbm>> -> memref<1x1x125xi32, #tpu.memory_space<hbm>>
        %dma_wait3A_341 = tpu.memref_squeeze %dma_wait3A_340 : memref<1x1x125xi32, #tpu.memory_space<hbm>> -> memref<125xi32, #tpu.memory_space<hbm>>
        tpu.wait_dma2 semaphore(%arg15 : memref<!tpu.dma_semaphore, #tpu.memory_space<semaphore_mem>>) src(%dma_wait3A_341 : memref<125xi32, #tpu.memory_space<hbm>>) dst(%dma_wait3A_338 : memref<125xi32, #tpu.memory_space<vmem>>)
        %dma_start3A_342 = arith.constant 1 : i32
        %dma_start3A_343 = arith.constant 0 : i32
        %dma_start3A_344 = tpu.memref_slice %arg6[%dma_start3A_342, %dma_start3A_343] : memref<4x125xi32, #tpu.memory_space<vmem>> -> memref<1x125xi32, #tpu.memory_space<vmem>>
        %dma_start3A_345 = tpu.memref_squeeze %dma_start3A_344 : memref<1x125xi32, #tpu.memory_space<vmem>> -> memref<125xi32, #tpu.memory_space<vmem>>
        %dma_start3A_346 = arith.constant 0 : i32
        %dma_start3A_347 = arith.constant 0 : i32
        %dma_start3A_348 = tpu.memref_slice %arg2[%dma_start3A_346, %dma_start3A_347] : memref<10000x128xf32, #tpu.memory_space<hbm>> -> memref<10000x128xf32, #tpu.memory_space<hbm>>
        tpu.enqueue_indirect_dma source(%dma_start3A_348 : memref<10000x128xf32, #tpu.memory_space<hbm>>) target(%arg9 : memref<125x128xf32, #tpu.memory_space<vmem>>) offsets(%dma_start3A_345 : memref<125xi32, #tpu.memory_space<vmem>>) semaphore(%arg13 : memref<!tpu.dma_semaphore, #tpu.memory_space<semaphore_mem>>)
      } else {
      }
    }
    %scan3A_200 = arith.constant 20 : i32
    %barrier3A_201 = arith.constant 0 : index
    tpu.barrier barrier_id(%barrier3A_201)
    %mul3A_202 = arith.constant 624 : i32
    %mul3A_203 = arith.muli %arg1, %mul3A_202 : i32
    %mul3A_204 = arith.constant 624 : i32
    %mul3A_205 = arith.muli %arg1, %mul3A_204 : i32
    "tpu.region"() ({
      %run_scoped3A = tpu.sem_alloc : memref<!tpu.dma_semaphore, #tpu.memory_space<semaphore_mem>>
      %dma_start3A_211 = arith.constant 0 : i32
      %dma_start3A_212 = tpu.memref_slice %arg5[%arg0, %mul3A_205, %dma_start3A_211] : memref<2x10000x128xf32, #tpu.memory_space<hbm>> -> memref<1x624x128xf32, #tpu.memory_space<hbm>>
      %dma_start3A_213 = tpu.memref_squeeze %dma_start3A_212 : memref<1x624x128xf32, #tpu.memory_space<hbm>> -> memref<624x128xf32, #tpu.memory_space<hbm>>
      %dma_start3A_214 = arith.constant 0 : i32
      %dma_start3A_215 = tpu.memref_slice %arg11[%mul3A_203, %dma_start3A_214] : memref<10000x128xf32, #tpu.memory_space<vmem_shared>> -> memref<624x128xf32, #tpu.memory_space<vmem_shared>>
      tpu.enqueue_dma source(%dma_start3A_215 : memref<624x128xf32, #tpu.memory_space<vmem_shared>>) target(%dma_start3A_213 : memref<624x128xf32, #tpu.memory_space<hbm>>) target_semaphore(%run_scoped3A : memref<!tpu.dma_semaphore, #tpu.memory_space<semaphore_mem>>)
      %dma_wait3A_216 = arith.constant 0 : i32
      %dma_wait3A_217 = tpu.memref_slice %arg5[%arg0, %mul3A_205, %dma_wait3A_216] : memref<2x10000x128xf32, #tpu.memory_space<hbm>> -> memref<1x624x128xf32, #tpu.memory_space<hbm>>
      %dma_wait3A_218 = tpu.memref_squeeze %dma_wait3A_217 : memref<1x624x128xf32, #tpu.memory_space<hbm>> -> memref<624x128xf32, #tpu.memory_space<hbm>>
      %dma_wait3A_219 = arith.constant 0 : i32
      %dma_wait3A_220 = tpu.memref_slice %arg11[%mul3A_203, %dma_wait3A_219] : memref<10000x128xf32, #tpu.memory_space<vmem_shared>> -> memref<624x128xf32, #tpu.memory_space<vmem_shared>>
      tpu.wait_dma2 semaphore(%run_scoped3A : memref<!tpu.dma_semaphore, #tpu.memory_space<semaphore_mem>>) src(%dma_wait3A_220 : memref<624x128xf32, #tpu.memory_space<vmem_shared>>) dst(%dma_wait3A_218 : memref<624x128xf32, #tpu.memory_space<hbm>>)
      tpu.yield
    }) : () -> ()
    %eq3A_206 = arith.constant 15 : i32
    %eq3A_207 = arith.cmpi eq, %arg1, %eq3A_206 : i32
    %convert_element_type3A_208 = arith.extui %eq3A_207 : i1 to i32
    %cond3A_209 = arith.constant 0 : i32
    %cond3A_210 = arith.cmpi ne, %convert_element_type3A_208, %cond3A_209 : i32
    scf.if %cond3A_210 {
      "tpu.region"() ({
        %run_scoped3A = tpu.sem_alloc : memref<!tpu.dma_semaphore, #tpu.memory_space<semaphore_mem>>
        %dma_start3A_211 = arith.constant 9984 : i32
        %dma_start3A_212 = arith.constant 0 : i32
        %dma_start3A_213 = tpu.memref_slice %arg5[%arg0, %dma_start3A_211, %dma_start3A_212] : memref<2x10000x128xf32, #tpu.memory_space<hbm>> -> memref<1x16x128xf32, #tpu.memory_space<hbm>>
        %dma_start3A_214 = tpu.memref_squeeze %dma_start3A_213 : memref<1x16x128xf32, #tpu.memory_space<hbm>> -> memref<16x128xf32, #tpu.memory_space<hbm>>
        %dma_start3A_215 = arith.constant 9984 : i32
        %dma_start3A_216 = arith.constant 0 : i32
        %dma_start3A_217 = tpu.memref_slice %arg11[%dma_start3A_215, %dma_start3A_216] : memref<10000x128xf32, #tpu.memory_space<vmem_shared>> -> memref<16x128xf32, #tpu.memory_space<vmem_shared>>
        tpu.enqueue_dma source(%dma_start3A_217 : memref<16x128xf32, #tpu.memory_space<vmem_shared>>) target(%dma_start3A_214 : memref<16x128xf32, #tpu.memory_space<hbm>>) target_semaphore(%run_scoped3A : memref<!tpu.dma_semaphore, #tpu.memory_space<semaphore_mem>>)
        %dma_wait3A_218 = arith.constant 9984 : i32
        %dma_wait3A_219 = arith.constant 0 : i32
        %dma_wait3A_220 = tpu.memref_slice %arg5[%arg0, %dma_wait3A_218, %dma_wait3A_219] : memref<2x10000x128xf32, #tpu.memory_space<hbm>> -> memref<1x16x128xf32, #tpu.memory_space<hbm>>
        %dma_wait3A_221 = tpu.memref_squeeze %dma_wait3A_220 : memref<1x16x128xf32, #tpu.memory_space<hbm>> -> memref<16x128xf32, #tpu.memory_space<hbm>>
        %dma_wait3A_222 = arith.constant 9984 : i32
        %dma_wait3A_223 = arith.constant 0 : i32
        %dma_wait3A_224 = tpu.memref_slice %arg11[%dma_wait3A_222, %dma_wait3A_223] : memref<10000x128xf32, #tpu.memory_space<vmem_shared>> -> memref<16x128xf32, #tpu.memory_space<vmem_shared>>
        tpu.wait_dma2 semaphore(%run_scoped3A : memref<!tpu.dma_semaphore, #tpu.memory_space<semaphore_mem>>) src(%dma_wait3A_224 : memref<16x128xf32, #tpu.memory_space<vmem_shared>>) dst(%dma_wait3A_221 : memref<16x128xf32, #tpu.memory_space<hbm>>)
        tpu.yield
      }) : () -> ()
    } else {
    }
    return
  }
}

module attributes {stable_mosaic.version = 14 : i64} {
  func.func @_tcmm_body(%arg0: i32, %arg1: memref<2000x128xf32, #tpu.memory_space<vmem>>, %arg2: memref<128x128xf32, #tpu.memory_space<vmem>>, %arg3: memref<2000x128xf32, #tpu.memory_space<vmem>>) attributes {dimension_semantics = [#tpu.dimension_semantics<arbitrary>], iteration_bounds = array<i64: 5>, scalar_prefetch = 0 : i64, scratch_operands = 0 : i64, tpu.core_type = #tpu.core_type<tc>, window_params = [{transform_indices = @transform_0, window_bounds = array<i64: 2000, 128>}, {pipeline_mode = #tpu.pipeline_mode<synchronous>, transform_indices = @transform_1, window_bounds = array<i64: 128, 128>}, {transform_indices = @transform_2, window_bounds = array<i64: 2000, 128>}]} {
    %get3A = arith.constant 0 : index
    %get3A_0 = arith.constant 0 : index
    %get3A_1 = vector.load %arg1[%get3A, %get3A_0] : memref<2000x128xf32, #tpu.memory_space<vmem>>, vector<2000x128xf32>
    %get3A_2 = arith.constant 0 : index
    %get3A_3 = arith.constant 0 : index
    %get3A_4 = vector.load %arg2[%get3A_2, %get3A_3] : memref<128x128xf32, #tpu.memory_space<vmem>>, vector<128x128xf32>
    %dot_general3A = arith.constant dense<0.000000e+00> : vector<2000x128xf32>
    %dot_general3A_5 = tpu.matmul %get3A_1, %get3A_4, %dot_general3A {dimension_numbers = #tpu.dot_dimension_numbers<[1], [0], [0], [1], [0, 0, 1, 1], [], []>, transpose_lhs_hint = false} : vector<2000x128xf32>, vector<128x128xf32>, vector<2000x128xf32> -> vector<2000x128xf32>
    %swap3A = arith.constant 0 : index
    %swap3A_6 = arith.constant 0 : index
    %swap3A_7 = vector.load %arg3[%swap3A, %swap3A_6] : memref<2000x128xf32, #tpu.memory_space<vmem>>, vector<2000x128xf32>
    tpu.vector_store %arg3[%swap3A, %swap3A_6], %dot_general3A_5 {strides = array<i32>} : memref<2000x128xf32, #tpu.memory_space<vmem>>, vector<2000x128xf32>,
    return
  }
  func.func @transform_0(%arg0: i32) -> (i32, i32) {
    %c0_i32 = arith.constant 0 : i32
    %c0_i32_0 = arith.constant 0 : i32
    return %arg0, %c0_i32 : i32, i32
  }
  func.func @transform_1(%arg0: i32) -> (i32, i32) {
    %c0_i32 = arith.constant 0 : i32
    %c0_i32_0 = arith.constant 0 : i32
    %c0_i32_1 = arith.constant 0 : i32
    return %c0_i32, %c0_i32_0 : i32, i32
  }
  func.func @transform_2(%arg0: i32) -> (i32, i32) {
    %c0_i32 = arith.constant 0 : i32
    %c0_i32_0 = arith.constant 0 : i32
    return %arg0, %c0_i32 : i32, i32
  }
}

module attributes {stable_mosaic.version = 14 : i64} {
  func.func @_tc1_body(%arg0: i32, %arg1: memref<2x2000x128xf32, #tpu.memory_space<vmem>>, %arg2: memref<2000x128xf32, #tpu.memory_space<vmem>>, %arg3: memref<2000x128xf32, #tpu.memory_space<vmem>>) attributes {dimension_semantics = [#tpu.dimension_semantics<arbitrary>], iteration_bounds = array<i64: 5>, scalar_prefetch = 0 : i64, scratch_operands = 0 : i64, tpu.core_type = #tpu.core_type<tc>, window_params = [{transform_indices = @transform_0, window_bounds = array<i64: 2, 2000, 128>}, {transform_indices = @transform_1, window_bounds = array<i64: 2000, 128>}, {transform_indices = @transform_2, window_bounds = array<i64: 2000, 128>}]} {
    %get3A = arith.constant 0 : index
    %get3A_0 = arith.constant 0 : index
    %get3A_1 = arith.constant 0 : index
    %get3A_2 = vector.load %arg1[%get3A, %get3A_0, %get3A_1] : memref<2x2000x128xf32, #tpu.memory_space<vmem>>, vector<1x2000x1xf32>
    %get3A_3 = vector.shape_cast %get3A_2 : vector<1x2000x1xf32> to vector<2000x1xf32>
    %get3A_4 = arith.constant 1 : index
    %get3A_5 = arith.constant 0 : index
    %get3A_6 = arith.constant 0 : index
    %get3A_7 = vector.load %arg1[%get3A_4, %get3A_5, %get3A_6] : memref<2x2000x128xf32, #tpu.memory_space<vmem>>, vector<1x2000x1xf32>
    %get3A_8 = vector.shape_cast %get3A_7 : vector<1x2000x1xf32> to vector<2000x1xf32>
    %add3A = arith.addf %get3A_3, %get3A_8 : vector<2000x1xf32>
    %add3A_9 = arith.constant 1.000000e+00 : f32
    %add3A_10 = vector.broadcast %add3A_9 : f32 to vector<2000x1xf32>
    %add3A_11 = arith.addf %add3A, %add3A_10 : vector<2000x1xf32>
    %rsqrt3A = math.rsqrt %add3A_11 : vector<2000x1xf32>
    %get3A_12 = arith.constant 0 : index
    %get3A_13 = arith.constant 0 : index
    %get3A_14 = vector.load %arg2[%get3A_12, %get3A_13] : memref<2000x128xf32, #tpu.memory_space<vmem>>, vector<2000x128xf32>
    %mul3A = vector.broadcast %rsqrt3A : vector<2000x1xf32> to vector<2000x128xf32>
    %mul3A_15 = arith.mulf %mul3A, %get3A_14 : vector<2000x128xf32>
    %swap3A = arith.constant 0 : index
    %swap3A_16 = arith.constant 0 : index
    %swap3A_17 = vector.load %arg3[%swap3A, %swap3A_16] : memref<2000x128xf32, #tpu.memory_space<vmem>>, vector<2000x128xf32>
    tpu.vector_store %arg3[%swap3A, %swap3A_16], %mul3A_15 {strides = array<i32>} : memref<2000x128xf32, #tpu.memory_space<vmem>>, vector<2000x128xf32>,
    return
  }
  func.func @transform_0(%arg0: i32) -> (i32, i32, i32) {
    %c0_i32 = arith.constant 0 : i32
    %c0_i32_0 = arith.constant 0 : i32
    %c0_i32_1 = arith.constant 0 : i32
    return %c0_i32, %arg0, %c0_i32_0 : i32, i32, i32
  }
  func.func @transform_1(%arg0: i32) -> (i32, i32) {
    %c0_i32 = arith.constant 0 : i32
    %c0_i32_0 = arith.constant 0 : i32
    return %arg0, %c0_i32 : i32, i32
  }
  func.func @transform_2(%arg0: i32) -> (i32, i32) {
    %c0_i32 = arith.constant 0 : i32
    %c0_i32_0 = arith.constant 0 : i32
    return %arg0, %c0_i32 : i32, i32
  }
}

module attributes {stable_mosaic.version = 14 : i64} {
  func.func @_tc2_body(%arg0: i32, %arg1: memref<2x2000x128xf32, #tpu.memory_space<vmem>>, %arg2: memref<2x2000x128xf32, #tpu.memory_space<vmem>>, %arg3: memref<2000x128xf32, #tpu.memory_space<vmem>>, %arg4: memref<1x128xf32, #tpu.memory_space<vmem>>, %arg5: memref<128x128xf32, #tpu.memory_space<vmem>>, %arg6: memref<2000x128xf32, #tpu.memory_space<vmem>>) attributes {dimension_semantics = [#tpu.dimension_semantics<arbitrary>], iteration_bounds = array<i64: 5>, scalar_prefetch = 0 : i64, scratch_operands = 0 : i64, tpu.core_type = #tpu.core_type<tc>, window_params = [{transform_indices = @transform_0, window_bounds = array<i64: 2, 2000, 128>}, {transform_indices = @transform_1, window_bounds = array<i64: 2, 2000, 128>}, {transform_indices = @transform_2, window_bounds = array<i64: 2000, 128>}, {pipeline_mode = #tpu.pipeline_mode<synchronous>, transform_indices = @transform_3, window_bounds = array<i64: 1, 128>}, {pipeline_mode = #tpu.pipeline_mode<synchronous>, transform_indices = @transform_4, window_bounds = array<i64: 128, 128>}, {transform_indices = @transform_5, window_bounds = array<i64: 2000, 128>}]} {
    %get3A = arith.constant 0 : index
    %get3A_0 = arith.constant 0 : index
    %get3A_1 = arith.constant 0 : index
    %get3A_2 = vector.load %arg1[%get3A, %get3A_0, %get3A_1] : memref<2x2000x128xf32, #tpu.memory_space<vmem>>, vector<1x2000x1xf32>
    %get3A_3 = vector.shape_cast %get3A_2 : vector<1x2000x1xf32> to vector<2000x1xf32>
    %get3A_4 = arith.constant 1 : index
    %get3A_5 = arith.constant 0 : index
    %get3A_6 = arith.constant 0 : index
    %get3A_7 = vector.load %arg1[%get3A_4, %get3A_5, %get3A_6] : memref<2x2000x128xf32, #tpu.memory_space<vmem>>, vector<1x2000x1xf32>
    %get3A_8 = vector.shape_cast %get3A_7 : vector<1x2000x1xf32> to vector<2000x1xf32>
    %add3A = arith.addf %get3A_3, %get3A_8 : vector<2000x1xf32>
    %add3A_9 = arith.constant 1.000000e+00 : f32
    %add3A_10 = vector.broadcast %add3A_9 : f32 to vector<2000x1xf32>
    %add3A_11 = arith.addf %add3A, %add3A_10 : vector<2000x1xf32>
    %rsqrt3A = math.rsqrt %add3A_11 : vector<2000x1xf32>
    %get3A_12 = arith.constant 0 : index
    %get3A_13 = arith.constant 0 : index
    %get3A_14 = arith.constant 0 : index
    %get3A_15 = vector.load %arg2[%get3A_12, %get3A_13, %get3A_14] : memref<2x2000x128xf32, #tpu.memory_space<vmem>>, vector<1x2000x128xf32>
    %get3A_16 = vector.shape_cast %get3A_15 : vector<1x2000x128xf32> to vector<2000x128xf32>
    %get3A_17 = arith.constant 1 : index
    %get3A_18 = arith.constant 0 : index
    %get3A_19 = arith.constant 0 : index
    %get3A_20 = vector.load %arg2[%get3A_17, %get3A_18, %get3A_19] : memref<2x2000x128xf32, #tpu.memory_space<vmem>>, vector<1x2000x128xf32>
    %get3A_21 = vector.shape_cast %get3A_20 : vector<1x2000x128xf32> to vector<2000x128xf32>
    %add3A_22 = arith.addf %get3A_16, %get3A_21 : vector<2000x128xf32>
    %get3A_23 = arith.constant 0 : index
    %get3A_24 = arith.constant 0 : index
    %get3A_25 = vector.load %arg3[%get3A_23, %get3A_24] : memref<2000x128xf32, #tpu.memory_space<vmem>>, vector<2000x128xf32>
    %add3A_26 = arith.addf %add3A_22, %get3A_25 : vector<2000x128xf32>
    %mul3A = vector.broadcast %rsqrt3A : vector<2000x1xf32> to vector<2000x128xf32>
    %mul3A_27 = arith.mulf %mul3A, %add3A_26 : vector<2000x128xf32>
    %get3A_28 = arith.constant 0 : index
    %get3A_29 = arith.constant 0 : index
    %get3A_30 = vector.load %arg4[%get3A_28, %get3A_29] : memref<1x128xf32, #tpu.memory_space<vmem>>, vector<1x128xf32>
    %add3A_31 = vector.broadcast %get3A_30 : vector<1x128xf32> to vector<2000x128xf32>
    %add3A_32 = arith.addf %mul3A_27, %add3A_31 : vector<2000x128xf32>
    %max3A = arith.constant 0.000000e+00 : f32
    %max3A_33 = vector.broadcast %max3A : f32 to vector<2000x128xf32>
    %max3A_34 = arith.maximumf %add3A_32, %max3A_33 : vector<2000x128xf32>
    %get3A_35 = arith.constant 0 : index
    %get3A_36 = arith.constant 0 : index
    %get3A_37 = vector.load %arg5[%get3A_35, %get3A_36] : memref<128x128xf32, #tpu.memory_space<vmem>>, vector<128x128xf32>
    %dot_general3A = arith.constant dense<0.000000e+00> : vector<2000x128xf32>
    %dot_general3A_38 = tpu.matmul %max3A_34, %get3A_37, %dot_general3A {dimension_numbers = #tpu.dot_dimension_numbers<[1], [0], [0], [1], [0, 0, 1, 1], [], []>, transpose_lhs_hint = false} : vector<2000x128xf32>, vector<128x128xf32>, vector<2000x128xf32> -> vector<2000x128xf32>
    %mul3A_39 = vector.broadcast %rsqrt3A : vector<2000x1xf32> to vector<2000x128xf32>
    %mul3A_40 = arith.mulf %mul3A_39, %dot_general3A_38 : vector<2000x128xf32>
    %swap3A = arith.constant 0 : index
    %swap3A_41 = arith.constant 0 : index
    %swap3A_42 = vector.load %arg6[%swap3A, %swap3A_41] : memref<2000x128xf32, #tpu.memory_space<vmem>>, vector<2000x128xf32>
    tpu.vector_store %arg6[%swap3A, %swap3A_41], %mul3A_40 {strides = array<i32>} : memref<2000x128xf32, #tpu.memory_space<vmem>>, vector<2000x128xf32>,
    return
  }
  func.func @transform_0(%arg0: i32) -> (i32, i32, i32) {
    %c0_i32 = arith.constant 0 : i32
    %c0_i32_0 = arith.constant 0 : i32
    %c0_i32_1 = arith.constant 0 : i32
    return %c0_i32, %arg0, %c0_i32_0 : i32, i32, i32
  }
  func.func @transform_1(%arg0: i32) -> (i32, i32, i32) {
    %c0_i32 = arith.constant 0 : i32
    %c0_i32_0 = arith.constant 0 : i32
    %c0_i32_1 = arith.constant 0 : i32
    return %c0_i32, %arg0, %c0_i32_0 : i32, i32, i32
  }
  func.func @transform_2(%arg0: i32) -> (i32, i32) {
    %c0_i32 = arith.constant 0 : i32
    %c0_i32_0 = arith.constant 0 : i32
    return %arg0, %c0_i32 : i32, i32
  }
  func.func @transform_3(%arg0: i32) -> (i32, i32) {
    %c0_i32 = arith.constant 0 : i32
    %c0_i32_0 = arith.constant 0 : i32
    %c0_i32_1 = arith.constant 0 : i32
    return %c0_i32, %c0_i32_0 : i32, i32
  }
  func.func @transform_4(%arg0: i32) -> (i32, i32) {
    %c0_i32 = arith.constant 0 : i32
    %c0_i32_0 = arith.constant 0 : i32
    %c0_i32_1 = arith.constant 0 : i32
    return %c0_i32, %c0_i32_0 : i32, i32
  }
  func.func @transform_5(%arg0: i32) -> (i32, i32) {
    %c0_i32 = arith.constant 0 : i32
    %c0_i32_0 = arith.constant 0 : i32
    return %arg0, %c0_i32 : i32, i32
  }
}

module attributes {stable_mosaic.version = 14 : i64} {
  func.func @_tc3_body(%arg0: i32, %arg1: memref<2x2000x128xf32, #tpu.memory_space<vmem>>, %arg2: memref<2x2000x128xf32, #tpu.memory_space<vmem>>, %arg3: memref<2000x128xf32, #tpu.memory_space<vmem>>, %arg4: memref<1x128xf32, #tpu.memory_space<vmem>>, %arg5: memref<2000x128xf32, #tpu.memory_space<vmem>>) attributes {dimension_semantics = [#tpu.dimension_semantics<arbitrary>], iteration_bounds = array<i64: 5>, scalar_prefetch = 0 : i64, scratch_operands = 0 : i64, tpu.core_type = #tpu.core_type<tc>, window_params = [{transform_indices = @transform_0, window_bounds = array<i64: 2, 2000, 128>}, {transform_indices = @transform_1, window_bounds = array<i64: 2, 2000, 128>}, {transform_indices = @transform_2, window_bounds = array<i64: 2000, 128>}, {pipeline_mode = #tpu.pipeline_mode<synchronous>, transform_indices = @transform_3, window_bounds = array<i64: 1, 128>}, {transform_indices = @transform_4, window_bounds = array<i64: 2000, 128>}]} {
    %get3A = arith.constant 0 : index
    %get3A_0 = arith.constant 0 : index
    %get3A_1 = arith.constant 0 : index
    %get3A_2 = vector.load %arg2[%get3A, %get3A_0, %get3A_1] : memref<2x2000x128xf32, #tpu.memory_space<vmem>>, vector<1x2000x128xf32>
    %get3A_3 = vector.shape_cast %get3A_2 : vector<1x2000x128xf32> to vector<2000x128xf32>
    %get3A_4 = arith.constant 1 : index
    %get3A_5 = arith.constant 0 : index
    %get3A_6 = arith.constant 0 : index
    %get3A_7 = vector.load %arg2[%get3A_4, %get3A_5, %get3A_6] : memref<2x2000x128xf32, #tpu.memory_space<vmem>>, vector<1x2000x128xf32>
    %get3A_8 = vector.shape_cast %get3A_7 : vector<1x2000x128xf32> to vector<2000x128xf32>
    %add3A = arith.addf %get3A_3, %get3A_8 : vector<2000x128xf32>
    %get3A_9 = arith.constant 0 : index
    %get3A_10 = arith.constant 0 : index
    %get3A_11 = vector.load %arg3[%get3A_9, %get3A_10] : memref<2000x128xf32, #tpu.memory_space<vmem>>, vector<2000x128xf32>
    %add3A_12 = arith.addf %add3A, %get3A_11 : vector<2000x128xf32>
    %get3A_13 = arith.constant 0 : index
    %get3A_14 = arith.constant 0 : index
    %get3A_15 = arith.constant 0 : index
    %get3A_16 = vector.load %arg1[%get3A_13, %get3A_14, %get3A_15] : memref<2x2000x128xf32, #tpu.memory_space<vmem>>, vector<1x2000x1xf32>
    %get3A_17 = vector.shape_cast %get3A_16 : vector<1x2000x1xf32> to vector<2000x1xf32>
    %get3A_18 = arith.constant 1 : index
    %get3A_19 = arith.constant 0 : index
    %get3A_20 = arith.constant 0 : index
    %get3A_21 = vector.load %arg1[%get3A_18, %get3A_19, %get3A_20] : memref<2x2000x128xf32, #tpu.memory_space<vmem>>, vector<1x2000x1xf32>
    %get3A_22 = vector.shape_cast %get3A_21 : vector<1x2000x1xf32> to vector<2000x1xf32>
    %add3A_23 = arith.addf %get3A_17, %get3A_22 : vector<2000x1xf32>
    %add3A_24 = arith.constant 1.000000e+00 : f32
    %add3A_25 = vector.broadcast %add3A_24 : f32 to vector<2000x1xf32>
    %add3A_26 = arith.addf %add3A_23, %add3A_25 : vector<2000x1xf32>
    %rsqrt3A = math.rsqrt %add3A_26 : vector<2000x1xf32>
    %mul3A = vector.broadcast %rsqrt3A : vector<2000x1xf32> to vector<2000x128xf32>
    %mul3A_27 = arith.mulf %mul3A, %add3A_12 : vector<2000x128xf32>
    %get3A_28 = arith.constant 0 : index
    %get3A_29 = arith.constant 0 : index
    %get3A_30 = vector.load %arg4[%get3A_28, %get3A_29] : memref<1x128xf32, #tpu.memory_space<vmem>>, vector<1x128xf32>
    %add3A_31 = vector.broadcast %get3A_30 : vector<1x128xf32> to vector<2000x128xf32>
    %add3A_32 = arith.addf %mul3A_27, %add3A_31 : vector<2000x128xf32>
    %swap3A = arith.constant 0 : index
    %swap3A_33 = arith.constant 0 : index
    %swap3A_34 = vector.load %arg5[%swap3A, %swap3A_33] : memref<2000x128xf32, #tpu.memory_space<vmem>>, vector<2000x128xf32>
    tpu.vector_store %arg5[%swap3A, %swap3A_33], %add3A_32 {strides = array<i32>} : memref<2000x128xf32, #tpu.memory_space<vmem>>, vector<2000x128xf32>,
    return
  }
  func.func @transform_0(%arg0: i32) -> (i32, i32, i32) {
    %c0_i32 = arith.constant 0 : i32
    %c0_i32_0 = arith.constant 0 : i32
    %c0_i32_1 = arith.constant 0 : i32
    return %c0_i32, %arg0, %c0_i32_0 : i32, i32, i32
  }
  func.func @transform_1(%arg0: i32) -> (i32, i32, i32) {
    %c0_i32 = arith.constant 0 : i32
    %c0_i32_0 = arith.constant 0 : i32
    %c0_i32_1 = arith.constant 0 : i32
    return %c0_i32, %arg0, %c0_i32_0 : i32, i32, i32
  }
  func.func @transform_2(%arg0: i32) -> (i32, i32) {
    %c0_i32 = arith.constant 0 : i32
    %c0_i32_0 = arith.constant 0 : i32
    return %arg0, %c0_i32 : i32, i32
  }
  func.func @transform_3(%arg0: i32) -> (i32, i32) {
    %c0_i32 = arith.constant 0 : i32
    %c0_i32_0 = arith.constant 0 : i32
    %c0_i32_1 = arith.constant 0 : i32
    return %c0_i32, %c0_i32_0 : i32, i32
  }
  func.func @transform_4(%arg0: i32) -> (i32, i32) {
    %c0_i32 = arith.constant 0 : i32
    %c0_i32_0 = arith.constant 0 : i32
    return %arg0, %c0_i32 : i32, i32
  }
}

</mosaic_0001>

<sc_bundles>
// kernel: kernel.12.cloned.1.call-start
scs
__scs_entry_jumppad:
0x0: {  	(pc) =	sbr.rel $0x88, $3  }
0x1: {  	(tag) =	ssettag $0x0;
	lr =	simm.s32 $0x1  }
0x2: {  	[smem:$0x3F9B] =	sst lr;
	_ =	strace $0xD0000000  }
0x3: {  	_ = 	snop  }
0x4: {  	_ = 	snop  }
0x5: {  	_ = 	snop  }
0x6: {  	_ = 	snop  }
0x7: {  	_ = 	snop  }
__scs_overlays_trampoline_lowered:
0x8: {  	[smem:$0x3FAA] =	sst s0  }
0x9: {  	[smem:$0x3FAB] =	sst s1  }
0xa: {  	[smem:$0x3FAC] =	sst s2  }
0xb: {  	[smem:$0x3FAD] =	sst s3  }
0xc: {  	[smem:$0x3FAE] =	sst s4  }
0xd: {  	[smem:$0x3FAF] =	sst s5  }
0xe: {  	[smem:$0x3FB0] =	sst s6  }
0xf: {  	[smem:$0x3FB1] =	sst s7  }
0x10: {  	[smem:$0x3FB2] =	sst s8  }
0x11: {  	[smem:$0x3FB3] =	sst s9;
	s0 =	simm.s32 @!p0 $0x0  }
0x12: {  	s1 =	sld [smem:$0x3F99];
	s0 =	simm.s32 @p0 $0x1  }
0x13: {  	[smem:$0x3FB4] =	sst s0;
	s0 =	simm.s32 @!p1 $0x0  }
0x14: {  	s2 =	sld [smem:$0x3F98];
	s0 =	simm.s32 @p1 $0x1  }
0x15: {  	[smem:$0x3FB5] =	sst s0;
	s0 =	simm.s32 @!p2 $0x0  }
0x16: {  	s3 =	sld [smem:$0x3FDB];
	s0 =	simm.s32 @p2 $0x1  }
0x17: {  	s4 =	simm.s32 $0x1BF5;
	[smem:$0x3FB7] =	sst s0  }
0x18: {  	s0 =	sld [smem:$0x3F9A];
	_ =	swait.ge [sflag:s4], $0x0  }
0x19: {  	s7 =	sld [smem:$0x3F9B]  }
0x1a: {  	s8 =	sadd.s32 $0xFFFFE003, lr  }
0x1b: {  	s9 =	sadd.s32 $0xFFFFFEF7, lr;
	s5 =	simm.s32 $0xFFFFFFFF;
	p2 =	slt.u32 s8, $0xFFFFF086  }
0x1c: {  	p1 =	slt.u32 s9, $0xF7A;
	s5 =	simm.s32 @!p2 $0x0  }
0x1d: {  	s5 =	simm.s32 @p1 $0x1;
	p0 =	seq.s32 s7, s2  }
0x1e: {  	s7 =	smul.u32 @!p0 $0xF7A, s2;
	p2 =	seq.s32 @!p0 s5, $0x0  }
0x1f: {  	s9 =	smul.u32 $0xF7A, s1;
	s8 =	simm.s32 @!p0 $0x1BF5;
	p2 =	por !p2, p0  }
0x20: {  	[sflag:s8] =	ssyncset.s32 @!p0 $0xFFFFF086;
	s6 =	sadd.s32 @!p0 s3, s7;
	s7 =	simm.s32 @!p0 $0x108  }
0x21: {  	s3 =	sadd.s32 s3, s9;
	s6 =	sadd.s32 @!p0 $0x88, s6;
	s7 =	simm.s32 @p2 $0x1082  }
0x22: {  	[simem:s7], [sflag:s8] =	dma.local @!p0 [hbm:s6], $0xF7A  }
0x23: {  	s9 =	sor.u32 $0xD0000000, s2;
	s6 =	simm.s32 $0x108;
	_ =	swait.ge @!p0 [sflag:s8], $0x0  }
0x24: {  	s3 =	sadd.s32 $0x88, s3;
	s6 =	simm.s32 @!p1 $0x1082;
	[sflag:s4] =	ssyncset.s32 $0xFFFFF086  }
0x25: {  	[simem:s6], [sflag:s4] =	dma.local [hbm:s3], $0xF7A  }
0x26: {  	[smem:$0x3F9B] =	sst s1;
	(tag) =	ssettag s2;
	_ =	strace s9  }
0x27: {  	s1 =	sld [smem:$0x3FAB]  }
0x28: {  	s2 =	sld [smem:$0x3FAC]  }
0x29: {  	s4 =	sld [smem:$0x3FAE]  }
0x2a: {  	p0 =	seq.s32 s5, $0x0;
	s5 =	sld [smem:$0x3FAF]  }
0x2b: {  	s6 =	sld [smem:$0x3FB0]  }
0x2c: {  	s7 =	sld [smem:$0x3FB1]  }
0x2d: {  	s3 =	simm.s32 $0x108;
	s8 =	sld [smem:$0x3FB2]  }
0x2e: {  	s3 =	simm.s32 @!p0 $0x1082;
	s9 =	sld [smem:$0x3FB3]  }
0x2f: {  	lr =	sadd.s32 s0, s3;
	s0 =	sld [smem:$0x3FAA]  }
0x30: {  	s3 =	sld [smem:$0x3FAD]  }
0x31: {  	[smem:$0x3FB6] =	sst s10  }
0x32: {  	s10 =	sld [smem:$0x3FB4];
	_ =	sdelay $0x3  }
0x33: {  	p0 =	seq.s32 s10, $0x1;
	s10 =	sld [smem:$0x3FB6];
	_ =	sdelay $0x3  }
0x34: {  	[smem:$0x3FB6] =	sst s10  }
0x35: {  	s10 =	sld [smem:$0x3FB5];
	_ =	sdelay $0x3  }
0x36: {  	p1 =	seq.s32 s10, $0x1;
	s10 =	sld [smem:$0x3FB6];
	_ =	sdelay $0x3  }
0x37: {  	[smem:$0x3FB6] =	sst s10  }
0x38: {  	s10 =	sld [smem:$0x3FB7]  }
0x39: {  	_ = 	snop;
	(pc) =	sbr.ind lr, $3  }
0x3a: {  	_ = 	snop  }
0x3b: {  	_ = 	snop  }
0x3c: {  	p2 =	seq.s32 s10, $0x1;
	s10 =	sld [smem:$0x3FB6]  }
0x3d: {  	_ =	shalt  }
0x3e: {  	_ =	shalt  }
0x3f: {  	_ =	shalt  }
0x40: {  	_ =	shalt  }
0x41: {  	_ =	shalt  }
0x42: {  	_ =	shalt  }
0x43: {  	_ =	shalt  }
0x44: {  	_ =	shalt  }
0x45: {  	_ =	shalt  }
0x46: {  	_ =	shalt  }
0x47: {  	_ =	shalt  }
0x48: {  	_ =	shalt  }
0x49: {  	_ =	shalt  }
0x4a: {  	_ =	shalt  }
0x4b: {  	_ =	shalt  }
0x4c: {  	_ =	shalt  }
0x4d: {  	_ =	shalt  }
0x4e: {  	_ =	shalt  }
0x4f: {  	_ =	shalt  }
0x50: {  	_ =	shalt  }
0x51: {  	_ =	shalt  }
0x52: {  	_ =	shalt  }
0x53: {  	_ =	shalt  }
0x54: {  	_ =	shalt  }
0x55: {  	_ =	shalt  }
0x56: {  	_ =	shalt  }
0x57: {  	_ =	shalt  }
0x58: {  	_ =	shalt  }
0x59: {  	_ =	shalt  }
0x5a: {  	_ =	shalt  }
0x5b: {  	_ =	shalt  }
0x5c: {  	_ =	shalt  }
0x5d: {  	_ =	shalt  }
0x5e: {  	_ =	shalt  }
0x5f: {  	_ =	shalt  }
0x60: {  	_ =	shalt  }
0x61: {  	_ =	shalt  }
0x62: {  	_ =	shalt  }
0x63: {  	_ =	shalt  }
0x64: {  	_ =	shalt  }
0x65: {  	_ =	shalt  }
0x66: {  	_ =	shalt  }
0x67: {  	_ =	shalt  }
0x68: {  	_ =	shalt  }
0x69: {  	_ =	shalt  }
0x6a: {  	_ =	shalt  }
0x6b: {  	_ =	shalt  }
0x6c: {  	_ =	shalt  }
0x6d: {  	_ =	shalt  }
0x6e: {  	_ =	shalt  }
0x6f: {  	_ =	shalt  }
0x70: {  	_ =	shalt  }
0x71: {  	_ =	shalt  }
0x72: {  	_ =	shalt  }
0x73: {  	_ =	shalt  }
0x74: {  	_ =	shalt  }
0x75: {  	_ =	shalt  }
0x76: {  	_ =	shalt  }
0x77: {  	_ =	shalt  }
0x78: {  	_ =	shalt  }
0x79: {  	_ =	shalt  }
0x7a: {  	_ =	shalt  }
0x7b: {  	_ =	shalt  }
0x7c: {  	_ =	shalt  }
0x7d: {  	_ =	shalt  }
0x7e: {  	_ =	shalt  }
0x7f: {  	_ =	shalt  }
0x80: {  	_ =	shalt  }
0x81: {  	_ =	shalt  }
0x82: {  	_ =	shalt  }
0x83: {  	_ =	shalt  }
0x84: {  	_ =	shalt  }
0x85: {  	_ =	shalt  }
0x86: {  	_ =	shalt  }
0x87: {  	_ =	shalt  }
.Lfunc_end0:
.L_simem_size_0:
called_computation.1_lowered:
.L_overlay_start_0:
0x88: {  	s2 =	sld [smem:$0x3FD9]  }
0x89: {  	s3 =	sld [smem:$0x3FFE];
	_ =	sdelay $0x1  }
0x8a: {  	s1 =	srdreg.scid  }
0x8b: {  	s0 =	sand.u32 $0x1, s1  }
0x8c: {  	s17 =	sshll.u32 s0, $0xA;
	s2 =	sadd.s32 s3, s2  }
0x8d: {  	s2 =	sadd.s32 s2, s17  }
0x8e: {  	[smem:$0x3FC2] =	sst s2  }
0x8f: {  	_ = 	snop  }
0x90: {  	s2 =	sld [smem:$0x3FD0];
	(tm) =	ssettm $0x1  }
0x91: {  	s18 =	sld [smem:$0x3FFB];
	_ =	sdelay $0x3  }
0x92: {  	_ =	strace s18  }
0x93: {  	s3 =	sld [smem:$0x3FFC];
	_ =	sdelay $0x3  }
0x94: {  	_ =	strace s3  }
0x95: {  	s3 =	sld [smem:$0x3FFD];
	_ =	sdelay $0x3  }
0x96: {  	_ =	strace s3  }
0x97: {  	_ =	strace $0x8FFFFFFF  }
0x98: {  	s19 =	sld [smem:$0x3FDB];
	_ =	sdelay $0x1  }
0x99: {  	s4 =	simm.s32 $_scs_section_size  }
0x9a: {  	s5 =	simm.s32 $_size__tile_overlayer_lowered;
	s6 =	simm.s32 $_tile_overlayer_lowered  }
0x9b: {  	s22 =	simm.s32 $0x1BFF;
	s21 =	sshll.u32 s6, $0x1;
	s3 =	sadd.s32 s4, s19  }
0x9c: {  	s7 =	simm.s32 $0x0;
	s20 =	sshll.u32 s5, $0x1;
	s5 =	sadd.s32 s21, s3  }
0x9d: {  	[timem:s7], [sflag:s22] =	dma.local [hbm:s5], s20  }
0x9e: {  	_ =	swait.ge [sflag:s22], s20  }
0x9f: {  	s4 =	ssub.s32 $0x0, s20;
	[sflag:s22] =	ssyncset.done $0x0  }
0xa0: {  	[sflag:s22] =	ssyncadd.s32 s4;
	_ =	sdelay $0x1  }
0xa1: {  	s23 =	simm.s32 $0x1B8B  }
0xa2: {  	_ =	swait.ge [sflag:s23], $0x1  }
0xa3: {  	[sflag:s23] =	ssyncset.done $0x0  }
0xa4: {  	s25 =	simm.s32 $0x1B8E;
	s24 =	sld [smem:$0x3FFE];
	[sflag:s23] =	ssyncadd.s32 $0xFFFFFFFF  }
0xa5: {  	s26 =	simm.s32 $execute0_lowered;
	[smem:$0x3FD2] =	sst s25  }
0xa6: {  	s5 =	sshll.u32 s26, $0x1;
	_ =	strace $0x80000049;
	[dreg:$0x1] =	wrdreg $0xFFFFFFFF  }
0xa7: {  	s28 =	simm.s32 $_size_execute0_lowered;
	s3 =	sadd.s32 s3, s5;
	[dreg:$0x0] =	wrdreg $0x0  }
0xa8: {  	s5 =	sshll.u32 s28, $0x1;
	[dreg:$0x2] =	wrdreg s3  }
0xa9: {  	[dreg:$0x3] =	wrdreg s5  }
0xaa: {  	[dreg:$0x4] =	wrdreg $0xC0  }
0xab: {  	_ =	task [dreg:s7], $0x5FFFF  }
0xac: {  	[dreg:$0x1] =	wrdreg $0xFFFFFFFF  }
0xad: {  	[dreg:$0x0] =	wrdreg $0x60  }
0xae: {  	[dreg:$0x2] =	wrdreg s2  }
0xaf: {  	[dreg:$0x3] =	wrdreg s24  }
0xb0: {  	[dreg:$0x4] =	wrdreg $0x8C000  }
0xb1: {  	[dreg:$0x5] =	wrdreg $0x9  }
0xb2: {  	_ =	task.clear_ibuf [dreg:s7], $0x6FFFF;
	_ =	strace $0x90000049  }
0xb3: {  	s29 =	simm.s32 $0x9;
	_ =	strace $0x8000004B  }
0xb4: {  	_ =	swait.ge [sflag:s29], $0x1  }
0xb5: {  	[sflag:s29] =	ssyncadd.s32 $0xFFFFFFFF  }
0xb6: {  	_ =	strace $0x9000004B  }
0xb7: {  	_ =	sfence  }
0xb8: {  	s30 =	sld [smem:$0x0];
	_ =	sdelay $0x2  }
0xb9: {  	s31 =	sshll.u32 s1, $0xD;
	s1 =	sshrl.u32 s1, $0x2  }
0xba: {  	s3 =	sand.u32 $0x4000, s31;
	s1 =	sadd.s32 s1, s30  }
0xbb: {  	s0 =	sor.u32 s3, s0;
	s1 =	sshll.u32 s1, $0x11  }
0xbc: {  	s0 =	sor.u32 s1, s0  }
0xbd: {  	s0 =	sadd.s32 $0x8F2B, s0  }
0xbe: {  	[sflag:s0] =	ssyncadd.remote.s32 $0x1  }
0xbf: {  	_ =	sfence.sel $0xFFFF  }
0xc0: {  	[dreg:$0x0] =	wrdreg $0xFFFFFFFF;
	(pc) =	sbr.abs _section_cstart, $3  }
0xc1: {  	[dreg:$0x1] =	wrdreg $0xFFFFFFFF  }
0xc2: {  	_ =	task.clear_ibuf [dreg:s7], $0x2FFFF;
	_ =	strace $0x9FFFFFFF  }
0xc3: {  	(tm) =	ssettm $0x7FFFFFFF  }
tec
execute0_lowered:
.L_overlay_start_1:
0x0: {  	(tag) =	ssettag $0x1  }
0x1: {  	s1 =	rddreg [dreg:$0x0]  }
0x2: {  	s0 =	rddreg [dreg:$0x1]  }
0x3: {  	s3 =	rddreg [dreg:$0x2];
	s4 =	simm.s32 $0x0  }
0x4: {  	s2 =	srdreg.scid;
	s15 =	stileid.u32;
	s28 =	simm.s32 $0x300  }
0x5: {  	s29 =	simm.s32 $0x180;
	s30 =	simm.s32 $0x3;
	s31 =	simm.s32 $0x7D  }
0x6: {  	[smem:$0x7FF] =	sst s4;
	s2 =	sand.u32 $0x1, s2;
	s5 =	sshll.u32 s15, $0x1  }
0x7: {  	s8 =	smul.u32 $0x4E000, s15;
	s7 =	sadd.s32 $0x50000, s0;
	s14 =	sadd.s32 $0x138000, s3  }
0x8: {  	p0 =	sne.s32 s15, $0xF;
	_ =	strace $0x8000004A;
	s6 =	sor.u32 s2, s5  }
0x9: {  	s5 =	sadd.s32 $0x5A000, s0;
	s9 =	ssub.s32 $0x2, s2;
	s2 =	smul.u32 $0x138800, s2  }
0xa: {  	s0 =	sadd.s32 $0x1E00, s0;
	[dreg:$0x4] =	wrdreg s14;
	s14 =	smul.u32 $0x13800, s15  }
0xb: {  	s15 =	simm.s32 $0x380;
	s10 =	sshrl.u32 s9, $0x1;
	s8 =	sshrl.u32 s8, $0x2  }
0xc: {  	s6 =	smul.u32 $0x2800, s6;
	s10 =	ssub.s32 s9, s10;
	s8 =	sadd.s32 s8, s3  }
0xd: {  	s22 =	sadd.s32 s14, s2;
	s2 =	sshrl.u32 s2, $0x3;
	s14 =	simm.s32 $0x6  }
0xe: {  	s11 =	sshrl.u32 s6, $0x3;
	s2 =	sadd.s32 s0, s2;
	s26 =	smax.u32 s10, $0x1  }
0xf: {  	s10 =	simm.s32 $0x4400;
	s16 =	sadd.s32 s5, s11;
	s17 =	sadd.s32 s7, s11  }
0x10: {  	s12 =	sor.u32 $0x10, s11;
	s13 =	sor.u32 $0x20, s11;
	[dreg:$0xf] =	wrdreg s26  }
0x11: {  	s11 =	sor.u32 $0x30, s11;
	s25 =	sadd.s32 $0x27000, s2;
	[dreg:$0x5] =	wrdreg s16  }
0x12: {  	s26 =	simm.s32 $0x100;
	s2 =	simm.s32 $0x4;
	[dreg:$0x6] =	wrdreg s17  }
0x13: {  	s18 =	sadd.s32 s5, s12;
	s19 =	sadd.s32 s7, s12;
	[dreg:$0xe] =	wrdreg s25  }
0x14: {  	s20 =	sadd.s32 s5, s13;
	s21 =	sadd.s32 s7, s13;
	[dreg:$0x7] =	wrdreg s18  }
0x15: {  	s23 =	sadd.s32 s5, s11;
	s12 =	sshrl.u32 s22, $0x3;
	[dreg:$0x8] =	wrdreg s19  }
0x16: {  	s24 =	sadd.s32 s7, s11;
	s22 =	simm.s32 $0x7;
	[dreg:$0x9] =	wrdreg s20  }
.Ltmp0:
0x17: {  	s25 =	simm.s32 $0x280;
	[dreg:$0xa] =	wrdreg s21;
	(pc) =	sbr.rel .LBB2_1-.Ltmp0, $4  }
0x18: {  	s11 =	simm.s32 $0x1;
	s13 =	simm.s32 $0x2;
	[dreg:$0xb] =	wrdreg s23  }
0x19: {  	s16 =	simm.s32 $0x0;
	[dreg:$0xc] =	wrdreg s24;
	s0 =	sadd.s32 s0, s12  }
0x1a: {  	s21 =	simm.s32 $0x8400;
	s23 =	simm.s32 $0x200;
	s24 =	simm.s32 $0x80  }
0x1b: {  	v0 =	vimm.f32 $0.0e+00;
	s12 =	simm.s32 $0x5;
	[dreg:$0xd] =	wrdreg s0;
	s0 =	simm.s32 $0x400  }
.LBB2_8:
0x1c: {  	_ =	swait.ge [sflag:s13], $0x3E80  }
0x1d: {  	[sflag:s13] =	ssyncset.done $0x0  }
0x1e: {  	[sflag:s13] =	ssyncadd.s32 $0xFFFFC180  }
0x1f: {  	[spmem:s3] =	stream.indirect.scatter.add.f32 [tilespmem:s10], [sflag:$0x7], $0x80, s15, s31, $0xb8;
	[tilespmem:$0x1C480] =	vst v63  }
0x20: {  	_ =	swait.ge [sflag:s22], $0x3E80  }
0x21: {  	[sflag:s22] =	ssyncset.done $0x0  }
0x22: {  	s9 =	stileid.u32;
	[sflag:s22] =	ssyncadd.s32 $0xFFFFC180  }
0x23: {  	s9 =	sshll.u32 s9, $0x6;
	[bflag:$0x0] =	sbarrier.arrive $0xFFFF  }
0x24: {  	s17 =	sshrl.u32 s8, $0x3;
	s9 =	sor.u32 $0x1C07, s9;
	s18 =	rddreg [dreg:$0xd]  }
0x25: {  	[hbm:s18], [sflag:s9] =	dma.local [spmem:s17], $0x2700  }
0x26: {  	_ =	swait.ge [sflag:s22], $0x2700  }
0x27: {  	[sflag:s22] =	ssyncset.done $0x0;
	s17 =	rddreg [dreg:$0x4]  }
0x28: {  	s18 =	rddreg [dreg:$0xe];
	[sflag:s22] =	ssyncadd.s32 $0xFFFFD900;
	s17 =	sshrl.u32 @!p0 s17, $0x3  }
0x29: {  	[hbm:s18], [sflag:s9] =	dma.local @!p0 [spmem:s17], $0x100  }
0x2a: {  	s9 =	simm.s32 @!p0 $0x7  }
0x2b: {  	_ =	swait.ge @!p0 [sflag:s9], $0x100  }
0x2c: {  	s16 =	sadd.s32 $0x1, s16;
	s20 =	rddreg [dreg:$0xf]  }
0x2d: {  	p1 =	sne.s32 s16, s20  }
.Ltmp1:
0x2e: {  	_ = 	snop;
	(pc) =	sbr.rel @!p1 .LBB2_9-.Ltmp1, $3  }
0x2f: {  	_ =	sdelay $0x1  }
0x30: {  	[sflag:s9] =	ssyncset.done @!p0 $0x0  }
0x31: {  	[sflag:s9] =	ssyncadd.s32 @!p0 $0xFFFFFF00  }
.LBB2_1:
0x32: {  	s17 =	simm.s32 $0x0;
	s18 =	simm.s32 $0x0  }
.LBB2_2:
0x33: {  	p1 =	sne.s32 s18, $0x1FC0  }
.Ltmp2:
0x34: {  	_ = 	snop;
	(pc) =	sbr.rel @p1 .LBB2_2-.Ltmp2, $4  }
0x35: {  	s19 =	sand.u32 $0x1E00, s18  }
0x36: {  	s20 =	sand.u32 $0x70, s17;
	s19 =	sshrl.u32 s19, $0x2  }
0x37: {  	s19 =	sor.u32 s20, s19  }
0x38: {  	s17 =	sadd.s32 $0x10, s17;
	s18 =	sadd.s32 $0x40, s18;
	[tilespmem:s19+$0x8400] =	vst v0  }
0x39: {  	s17 =	sadd.s32 $0x0, s8  }
0x3a: {  	[spmem:s17] =	stream.linear.scatter [tilespmem:s21], [sflag:$0x7], $0x800, $0x38;
	[tilespmem:$0x1C480] =	vst v63  }
0x3b: {  	s17 =	simm.s32 $0x2000;
	_ =	swait.ge [sflag:s22], $0x800  }
.LBB2_4:
0x3c: {  	s18 =	sshra.s32 s17, $0x2;
	[sflag:s22] =	ssyncset.done $0x0;
	p1 =	sne.s32 s17, $0x4C000  }
.Ltmp3:
0x3d: {  	s18 =	sadd.s32 s18, s8;
	[sflag:s22] =	ssyncadd.s32 $0xFFFFF800;
	(pc) =	sbr.rel @p1 .LBB2_4-.Ltmp3, $3  }
0x3e: {  	[spmem:s18] =	stream.linear.scatter [tilespmem:s21], [sflag:$0x7], $0x800, $0x38;
	[tilespmem:$0x1C480] =	vst v63  }
0x3f: {  	s17 =	sadd.s32 $0x2000, s17;
	_ =	sdelay $0x1  }
0x40: {  	_ =	swait.ge [sflag:s22], $0x800  }
0x41: {  	[sflag:s22] =	ssyncset.done $0x0  }
0x42: {  	s17 =	simm.s32 @!p0 $0x8400;
	s9 =	rddreg [dreg:$0x4];
	[sflag:s22] =	ssyncadd.s32 $0xFFFFF800  }
0x43: {  	[spmem:s9] =	stream.linear.scatter @!p0 [tilespmem:s17], [sflag:$0x7], $0x800, $0x38;
	[tilespmem:$0x1C480] =	vst v63  }
0x44: {  	s17 =	simm.s32 @!p0 $0x7  }
0x45: {  	_ =	swait.ge @!p0 [sflag:s17], $0x800  }
0x46: {  	[sflag:s17] =	ssyncset.done @!p0 $0x0  }
0x47: {  	[sflag:s17] =	ssyncadd.s32 @!p0 $0xFFFFF800;
	s17 =	rddreg [dreg:$0x5]  }
0x48: {  	[tilespmem:s4], [sflag:$0x3] =	stream.linear.gather [hbm4b:s17+s4], $0x80, $0x38;
	[tilespmem:$0x1C480] =	vst v63  }
0x49: {  	s18 =	rddreg [dreg:$0x6]  }
0x4a: {  	[tilespmem:s23], [sflag:$0x3] =	stream.linear.gather [hbm4b:s18+s4], $0x80, $0x38;
	[tilespmem:$0x1C480] =	vst v63  }
0x4b: {  	s19 =	rddreg [dreg:$0x7]  }
0x4c: {  	[tilespmem:s24], [sflag:$0x4] =	stream.linear.gather [hbm4b:s19+s4], $0x80, $0x38;
	[tilespmem:$0x1C480] =	vst v63  }
0x4d: {  	s20 =	rddreg [dreg:$0x8]  }
0x4e: {  	[tilespmem:s25], [sflag:$0x4] =	stream.linear.gather [hbm4b:s20+s4], $0x80, $0x38;
	[tilespmem:$0x1C480] =	vst v63  }
0x4f: {  	s17 =	rddreg [dreg:$0x9]  }
0x50: {  	[tilespmem:s26], [sflag:$0x5] =	stream.linear.gather [hbm4b:s17+s4], $0x80, $0x38;
	[tilespmem:$0x1C480] =	vst v63  }
0x51: {  	s18 =	rddreg [dreg:$0xa]  }
0x52: {  	[tilespmem:s28], [sflag:$0x5] =	stream.linear.gather [hbm4b:s18+s4], $0x80, $0x38;
	[tilespmem:$0x1C480] =	vst v63  }
0x53: {  	s19 =	rddreg [dreg:$0xb]  }
0x54: {  	[tilespmem:s29], [sflag:$0x6] =	stream.linear.gather [hbm4b:s19+s4], $0x80, $0x38;
	[tilespmem:$0x1C480] =	vst v63  }
0x55: {  	s20 =	rddreg [dreg:$0xc];
	s17 =	simm.s32 $0x380  }
0x56: {  	[tilespmem:s17], [sflag:$0x6] =	stream.linear.gather [hbm4b:s20+s4], $0x80, $0x38;
	[tilespmem:$0x1C480] =	vst v63  }
0x57: {  	[bflag:$0x0] =	sbarrier.arrive $0xFFFF  }
0x58: {  	_ =	swait.ge [sflag:s30], $0x80  }
0x59: {  	[sflag:s30] =	ssyncset.done $0x0  }
0x5a: {  	[sflag:s30] =	ssyncadd.s32 $0xFFFFFF80  }
0x5b: {  	_ =	swait.ge [sflag:s30], $0x80  }
0x5c: {  	[sflag:s30] =	ssyncset.done $0x0  }
0x5d: {  	[sflag:s30] =	ssyncadd.s32 $0xFFFFFF80  }
0x5e: {  	[tilespmem:s0], [sflag:$0x1] =	stream.indirect.gather [hbm4b:s1+s31], $0x80, s4, s31, $0xb8;
	[tilespmem:$0x1C480] =	vst v63  }
0x5f: {  	_ =	swait.ge [sflag:s2], $0x80  }
0x60: {  	[sflag:s2] =	ssyncset.done $0x0  }
0x61: {  	[sflag:s2] =	ssyncadd.s32 $0xFFFFFF80  }
0x62: {  	_ =	swait.ge [sflag:s2], $0x80  }
0x63: {  	[sflag:s2] =	ssyncset.done $0x0  }
0x64: {  	[sflag:s2] =	ssyncadd.s32 $0xFFFFFF80  }
0x65: {  	[tilespmem:s10], [sflag:$0x2] =	stream.indirect.gather [hbm4b:s1+s31], $0x80, s24, s31, $0xb8;
	[tilespmem:$0x1C480] =	vst v63  }
.LBB2_6:
0x66: {  	_ =	swait.ge [sflag:s11], $0x3E80;
	p1 =	seq.s32 s17, $0x2980  }
0x67: {  	[sflag:s11] =	ssyncset.done $0x0;
	s18 =	sadd.s32 @!p1 $0xFFFFFE80, s17  }
0x68: {  	[sflag:s11] =	ssyncadd.s32 $0xFFFFC180;
	s19 =	sand.u32 @!p1 $0x7C00, s18  }
0x69: {  	[spmem:s3] =	stream.indirect.scatter.add.f32 [tilespmem:s0], [sflag:$0x7], $0x80, s23, s31, $0xb8;
	[tilespmem:$0x1C480] =	vst v63  }
0x6a: {  	s18 =	sand.u32 @!p1 $0x200, s18;
	s19 =	sadd.s32 @!p1 s6, s19  }
0x6b: {  	_ =	swait.ge [sflag:s22], $0x3E80;
	s18 =	sor.u32 @!p1 s18, s19  }
0x6c: {  	[sflag:s22] =	ssyncset.done $0x0;
	s18 =	sshrl.u32 @!p1 s18, $0x3  }
0x6d: {  	s20 =	simm.s32 @!p1 $0x0;
	[sflag:s22] =	ssyncadd.s32 $0xFFFFC180;
	s19 =	sadd.s32 @!p1 s5, s18  }
0x6e: {  	[tilespmem:s20], [sflag:$0x3] =	stream.linear.gather @!p1 [hbm4b:s19+s20], $0x80, $0x38;
	[tilespmem:$0x1C480] =	vst v63  }
0x6f: {  	s18 =	sadd.s32 @!p1 s7, s18;
	s19 =	simm.s32 @!p1 $0x200  }
0x70: {  	[tilespmem:s19], [sflag:$0x3] =	stream.linear.gather @!p1 [hbm4b:s18+s20], $0x80, $0x38;
	[tilespmem:$0x1C480] =	vst v63  }
0x71: {  	_ =	swait.ge [sflag:s12], $0x80  }
0x72: {  	[sflag:s12] =	ssyncset.done $0x0  }
0x73: {  	[sflag:s12] =	ssyncadd.s32 $0xFFFFFF80  }
0x74: {  	_ =	swait.ge [sflag:s12], $0x80  }
0x75: {  	[sflag:s12] =	ssyncset.done $0x0  }
0x76: {  	[sflag:s12] =	ssyncadd.s32 $0xFFFFFF80  }
0x77: {  	[tilespmem:s0], [sflag:$0x1] =	stream.indirect.gather [hbm4b:s1+s31], $0x80, s26, s31, $0xb8;
	[tilespmem:$0x1C480] =	vst v63  }
0x78: {  	s18 =	sadd.s32 @!p1 $0xFFFFFF00, s17;
	_ =	swait.ge [sflag:s13], $0x3E80  }
0x79: {  	s19 =	sand.u32 @!p1 $0x7C00, s18;
	[sflag:s13] =	ssyncset.done $0x0  }
0x7a: {  	s18 =	sand.u32 @!p1 $0x280, s18;
	s19 =	sadd.s32 @!p1 s6, s19;
	[sflag:s13] =	ssyncadd.s32 $0xFFFFC180  }
0x7b: {  	[spmem:s3] =	stream.indirect.scatter.add.f32 [tilespmem:s10], [sflag:$0x7], $0x80, s25, s31, $0xb8;
	[tilespmem:$0x1C480] =	vst v63  }
0x7c: {  	s18 =	sor.u32 @!p1 s18, s19;
	_ =	swait.ge [sflag:s22], $0x3E80  }
0x7d: {  	s18 =	sshrl.u32 @!p1 s18, $0x3;
	[sflag:s22] =	ssyncset.done $0x0  }
0x7e: {  	s9 =	simm.s32 @!p1 $0x80;
	s19 =	sadd.s32 @!p1 s5, s18;
	[sflag:s22] =	ssyncadd.s32 $0xFFFFC180  }
0x7f: {  	[tilespmem:s9], [sflag:$0x4] =	stream.linear.gather @!p1 [hbm4b:s19+s20], $0x80, $0x38;
	[tilespmem:$0x1C480] =	vst v63  }
0x80: {  	s9 =	sadd.s32 @!p1 s7, s18;
	s18 =	simm.s32 @!p1 $0x280  }
0x81: {  	[tilespmem:s18], [sflag:$0x4] =	stream.linear.gather @!p1 [hbm4b:s9+s20], $0x80, $0x38;
	[tilespmem:$0x1C480] =	vst v63  }
0x82: {  	_ =	swait.ge [sflag:s14], $0x80  }
0x83: {  	[sflag:s14] =	ssyncset.done $0x0  }
0x84: {  	[sflag:s14] =	ssyncadd.s32 $0xFFFFFF80  }
0x85: {  	_ =	swait.ge [sflag:s14], $0x80  }
0x86: {  	[sflag:s14] =	ssyncset.done $0x0  }
0x87: {  	[sflag:s14] =	ssyncadd.s32 $0xFFFFFF80  }
0x88: {  	[tilespmem:s10], [sflag:$0x2] =	stream.indirect.gather [hbm4b:s1+s31], $0x80, s29, s31, $0xb8;
	[tilespmem:$0x1C480] =	vst v63  }
0x89: {  	_ =	swait.ge [sflag:s11], $0x3E80  }
0x8a: {  	[sflag:s11] =	ssyncset.done $0x0  }
.Ltmp4:
0x8b: {  	[sflag:s11] =	ssyncadd.s32 $0xFFFFC180;
	(pc) =	sbr.rel @p1 .LBB2_8-.Ltmp4, $4  }
0x8c: {  	[spmem:s3] =	stream.indirect.scatter.add.f32 [tilespmem:s0], [sflag:$0x7], $0x80, s28, s31, $0xb8;
	[tilespmem:$0x1C480] =	vst v63  }
0x8d: {  	_ =	swait.ge [sflag:s22], $0x3E80  }
0x8e: {  	[sflag:s22] =	ssyncset.done $0x0  }
0x8f: {  	[sflag:s22] =	ssyncadd.s32 $0xFFFFC180  }
0x90: {  	s9 =	sadd.s32 $0xFFFFFF80, s17  }
0x91: {  	s18 =	sand.u32 $0x7C00, s9  }
0x92: {  	s9 =	sand.u32 $0x300, s9;
	s18 =	sadd.s32 s6, s18  }
0x93: {  	s9 =	sor.u32 s9, s18  }
0x94: {  	s9 =	sshrl.u32 s9, $0x3  }
0x95: {  	s20 =	sadd.s32 s5, s9  }
0x96: {  	[tilespmem:s26], [sflag:$0x5] =	stream.linear.gather [hbm4b:s20+s4], $0x80, $0x38;
	[tilespmem:$0x1C480] =	vst v63  }
0x97: {  	s9 =	sadd.s32 s7, s9  }
0x98: {  	[tilespmem:s28], [sflag:$0x5] =	stream.linear.gather [hbm4b:s9+s4], $0x80, $0x38;
	[tilespmem:$0x1C480] =	vst v63  }
0x99: {  	_ =	swait.ge [sflag:s30], $0x80  }
0x9a: {  	[sflag:s30] =	ssyncset.done $0x0  }
0x9b: {  	[sflag:s30] =	ssyncadd.s32 $0xFFFFFF80  }
0x9c: {  	_ =	swait.ge [sflag:s30], $0x80  }
0x9d: {  	[sflag:s30] =	ssyncset.done $0x0  }
0x9e: {  	[sflag:s30] =	ssyncadd.s32 $0xFFFFFF80  }
0x9f: {  	[tilespmem:s0], [sflag:$0x1] =	stream.indirect.gather [hbm4b:s1+s31], $0x80, s4, s31, $0xb8;
	[tilespmem:$0x1C480] =	vst v63  }
0xa0: {  	_ =	swait.ge [sflag:s13], $0x3E80  }
0xa1: {  	s18 =	sand.u32 $0x7C00, s17;
	[sflag:s13] =	ssyncset.done $0x0  }
0xa2: {  	s19 =	sand.u32 $0x380, s17;
	s9 =	sadd.s32 s6, s18;
	[sflag:s13] =	ssyncadd.s32 $0xFFFFC180  }
0xa3: {  	[spmem:s3] =	stream.indirect.scatter.add.f32 [tilespmem:s10], [sflag:$0x7], $0x80, s15, s31, $0xb8;
	[tilespmem:$0x1C480] =	vst v63  }
0xa4: {  	s9 =	sor.u32 s19, s9;
	_ =	swait.ge [sflag:s22], $0x3E80  }
0xa5: {  	s9 =	sshrl.u32 s9, $0x3;
	[sflag:s22] =	ssyncset.done $0x0  }
0xa6: {  	s20 =	sadd.s32 s5, s9;
	[sflag:s22] =	ssyncadd.s32 $0xFFFFC180  }
0xa7: {  	[tilespmem:s29], [sflag:$0x6] =	stream.linear.gather [hbm4b:s20+s4], $0x80, $0x38;
	[tilespmem:$0x1C480] =	vst v63  }
0xa8: {  	s9 =	sadd.s32 s7, s9  }
0xa9: {  	[tilespmem:s15], [sflag:$0x6] =	stream.linear.gather [hbm4b:s9+s4], $0x80, $0x38;
	[tilespmem:$0x1C480] =	vst v63  }
0xaa: {  	_ =	swait.ge [sflag:s2], $0x80  }
0xab: {  	[sflag:s2] =	ssyncset.done $0x0  }
.Ltmp5:
0xac: {  	[sflag:s2] =	ssyncadd.s32 $0xFFFFFF80;
	(pc) =	sbr.rel .LBB2_6-.Ltmp5, $4  }
0xad: {  	_ =	swait.ge [sflag:s2], $0x80  }
0xae: {  	[sflag:s2] =	ssyncset.done $0x0  }
0xaf: {  	s17 =	sadd.s32 $0x200, s17;
	[sflag:s2] =	ssyncadd.s32 $0xFFFFFF80  }
0xb0: {  	[tilespmem:s10], [sflag:$0x2] =	stream.indirect.gather [hbm4b:s1+s31], $0x80, s24, s31, $0xb8;
	[tilespmem:$0x1C480] =	vst v63  }
.LBB2_9:
0xb1: {  	_ =	sfence.sel $0x180000  }
0xb2: {  	[bflag:$0x0] =	sbarrier.arrive $0xFFFF  }
0xb3: {  	_ =	strace $0x9000004A  }
0xb4: {  	s0 =	stileid.u32;
	[bflag:$0x2] =	sbarrier.arrive $0xFFFF  }
0xb5: {  	p0 =	sne.s32 s0, $0x0;
	s0 =	rddreg [dreg:$0x3]  }
0xb6: {  	s0 =	sadd.s32 @!p0 $0x100000, s0  }
0xb7: {  	[sflag:s0] =	ssyncadd.tile.s32 @!p0 $0x1;
	_ =	shalt  }
.Lfunc_end2:
_tile_overlayer_lowered:
.L_overlay_start_2:
0xb8: {  	(tag) =	ssettag $0x2  }
0xb9: {  	s0 =	rddreg [dreg:$0x0];
	s2 =	stileid.u32  }
0xba: {  	s1 =	rddreg [dreg:$0x1];
	p0 =	sne.s32 s2, $0x0  }
0xbb: {  	s3 =	rddreg [dreg:$0x2];
	[bflag:$0x3] =	sbarrier.arrive $0xFFFF;
	s2 =	simm.s32 @!p0 $0x1C07  }
0xbc: {  	[timem:s3], [sflag:s2] =	dma.local @!p0 [hbm:s0], s1  }
0xbd: {  	s0 =	simm.s32 @!p0 $0x7  }
0xbe: {  	_ =	swait.ge @!p0 [sflag:s0], s1  }
0xbf: {  	s1 =	ssub.s32 @!p0 $0x0, s1;
	[sflag:s0] =	ssyncset.done @!p0 $0x0  }
0xc0: {  	[sflag:s0] =	ssyncadd.s32 @!p0 s1  }
0xc1: {  	[bflag:$0x3] =	sbarrier.arrive $0xFFFF  }
0xc2: {  	_ =	shalt  }

// kernel: kernel.15.cloned.1.call-start
scs
__scs_entry_jumppad:
0x0: {  	(pc) =	sbr.rel $0x88, $3  }
0x1: {  	(tag) =	ssettag $0x0;
	lr =	simm.s32 $0x1  }
0x2: {  	[smem:$0x3F9B] =	sst lr;
	_ =	strace $0xD0000000  }
0x3: {  	_ = 	snop  }
0x4: {  	_ = 	snop  }
0x5: {  	_ = 	snop  }
0x6: {  	_ = 	snop  }
0x7: {  	_ = 	snop  }
__scs_overlays_trampoline_lowered:
0x8: {  	[smem:$0x3FAA] =	sst s0  }
0x9: {  	[smem:$0x3FAB] =	sst s1  }
0xa: {  	[smem:$0x3FAC] =	sst s2  }
0xb: {  	[smem:$0x3FAD] =	sst s3  }
0xc: {  	[smem:$0x3FAE] =	sst s4  }
0xd: {  	[smem:$0x3FAF] =	sst s5  }
0xe: {  	[smem:$0x3FB0] =	sst s6  }
0xf: {  	[smem:$0x3FB1] =	sst s7  }
0x10: {  	[smem:$0x3FB2] =	sst s8  }
0x11: {  	[smem:$0x3FB3] =	sst s9;
	s0 =	simm.s32 @!p0 $0x0  }
0x12: {  	s1 =	sld [smem:$0x3F99];
	s0 =	simm.s32 @p0 $0x1  }
0x13: {  	[smem:$0x3FB4] =	sst s0;
	s0 =	simm.s32 @!p1 $0x0  }
0x14: {  	s2 =	sld [smem:$0x3F98];
	s0 =	simm.s32 @p1 $0x1  }
0x15: {  	[smem:$0x3FB5] =	sst s0;
	s0 =	simm.s32 @!p2 $0x0  }
0x16: {  	s3 =	sld [smem:$0x3FDB];
	s0 =	simm.s32 @p2 $0x1  }
0x17: {  	s4 =	simm.s32 $0x1BF5;
	[smem:$0x3FB7] =	sst s0  }
0x18: {  	s0 =	sld [smem:$0x3F9A];
	_ =	swait.ge [sflag:s4], $0x0  }
0x19: {  	s7 =	sld [smem:$0x3F9B]  }
0x1a: {  	s8 =	sadd.s32 $0xFFFFE003, lr  }
0x1b: {  	s9 =	sadd.s32 $0xFFFFFEF7, lr;
	s5 =	simm.s32 $0xFFFFFFFF;
	p2 =	slt.u32 s8, $0xFFFFF086  }
0x1c: {  	p1 =	slt.u32 s9, $0xF7A;
	s5 =	simm.s32 @!p2 $0x0  }
0x1d: {  	s5 =	simm.s32 @p1 $0x1;
	p0 =	seq.s32 s7, s2  }
0x1e: {  	s7 =	smul.u32 @!p0 $0xF7A, s2;
	p2 =	seq.s32 @!p0 s5, $0x0  }
0x1f: {  	s9 =	smul.u32 $0xF7A, s1;
	s8 =	simm.s32 @!p0 $0x1BF5;
	p2 =	por !p2, p0  }
0x20: {  	[sflag:s8] =	ssyncset.s32 @!p0 $0xFFFFF086;
	s6 =	sadd.s32 @!p0 s3, s7;
	s7 =	simm.s32 @!p0 $0x108  }
0x21: {  	s3 =	sadd.s32 s3, s9;
	s6 =	sadd.s32 @!p0 $0x88, s6;
	s7 =	simm.s32 @p2 $0x1082  }
0x22: {  	[simem:s7], [sflag:s8] =	dma.local @!p0 [hbm:s6], $0xF7A  }
0x23: {  	s9 =	sor.u32 $0xD0000000, s2;
	s6 =	simm.s32 $0x108;
	_ =	swait.ge @!p0 [sflag:s8], $0x0  }
0x24: {  	s3 =	sadd.s32 $0x88, s3;
	s6 =	simm.s32 @!p1 $0x1082;
	[sflag:s4] =	ssyncset.s32 $0xFFFFF086  }
0x25: {  	[simem:s6], [sflag:s4] =	dma.local [hbm:s3], $0xF7A  }
0x26: {  	[smem:$0x3F9B] =	sst s1;
	(tag) =	ssettag s2;
	_ =	strace s9  }
0x27: {  	s1 =	sld [smem:$0x3FAB]  }
0x28: {  	s2 =	sld [smem:$0x3FAC]  }
0x29: {  	s4 =	sld [smem:$0x3FAE]  }
0x2a: {  	p0 =	seq.s32 s5, $0x0;
	s5 =	sld [smem:$0x3FAF]  }
0x2b: {  	s6 =	sld [smem:$0x3FB0]  }
0x2c: {  	s7 =	sld [smem:$0x3FB1]  }
0x2d: {  	s3 =	simm.s32 $0x108;
	s8 =	sld [smem:$0x3FB2]  }
0x2e: {  	s3 =	simm.s32 @!p0 $0x1082;
	s9 =	sld [smem:$0x3FB3]  }
0x2f: {  	lr =	sadd.s32 s0, s3;
	s0 =	sld [smem:$0x3FAA]  }
0x30: {  	s3 =	sld [smem:$0x3FAD]  }
0x31: {  	[smem:$0x3FB6] =	sst s10  }
0x32: {  	s10 =	sld [smem:$0x3FB4];
	_ =	sdelay $0x3  }
0x33: {  	p0 =	seq.s32 s10, $0x1;
	s10 =	sld [smem:$0x3FB6];
	_ =	sdelay $0x3  }
0x34: {  	[smem:$0x3FB6] =	sst s10  }
0x35: {  	s10 =	sld [smem:$0x3FB5];
	_ =	sdelay $0x3  }
0x36: {  	p1 =	seq.s32 s10, $0x1;
	s10 =	sld [smem:$0x3FB6];
	_ =	sdelay $0x3  }
0x37: {  	[smem:$0x3FB6] =	sst s10  }
0x38: {  	s10 =	sld [smem:$0x3FB7]  }
0x39: {  	_ = 	snop;
	(pc) =	sbr.ind lr, $3  }
0x3a: {  	_ = 	snop  }
0x3b: {  	_ = 	snop  }
0x3c: {  	p2 =	seq.s32 s10, $0x1;
	s10 =	sld [smem:$0x3FB6]  }
0x3d: {  	_ =	shalt  }
0x3e: {  	_ =	shalt  }
0x3f: {  	_ =	shalt  }
0x40: {  	_ =	shalt  }
0x41: {  	_ =	shalt  }
0x42: {  	_ =	shalt  }
0x43: {  	_ =	shalt  }
0x44: {  	_ =	shalt  }
0x45: {  	_ =	shalt  }
0x46: {  	_ =	shalt  }
0x47: {  	_ =	shalt  }
0x48: {  	_ =	shalt  }
0x49: {  	_ =	shalt  }
0x4a: {  	_ =	shalt  }
0x4b: {  	_ =	shalt  }
0x4c: {  	_ =	shalt  }
0x4d: {  	_ =	shalt  }
0x4e: {  	_ =	shalt  }
0x4f: {  	_ =	shalt  }
0x50: {  	_ =	shalt  }
0x51: {  	_ =	shalt  }
0x52: {  	_ =	shalt  }
0x53: {  	_ =	shalt  }
0x54: {  	_ =	shalt  }
0x55: {  	_ =	shalt  }
0x56: {  	_ =	shalt  }
0x57: {  	_ =	shalt  }
0x58: {  	_ =	shalt  }
0x59: {  	_ =	shalt  }
0x5a: {  	_ =	shalt  }
0x5b: {  	_ =	shalt  }
0x5c: {  	_ =	shalt  }
0x5d: {  	_ =	shalt  }
0x5e: {  	_ =	shalt  }
0x5f: {  	_ =	shalt  }
0x60: {  	_ =	shalt  }
0x61: {  	_ =	shalt  }
0x62: {  	_ =	shalt  }
0x63: {  	_ =	shalt  }
0x64: {  	_ =	shalt  }
0x65: {  	_ =	shalt  }
0x66: {  	_ =	shalt  }
0x67: {  	_ =	shalt  }
0x68: {  	_ =	shalt  }
0x69: {  	_ =	shalt  }
0x6a: {  	_ =	shalt  }
0x6b: {  	_ =	shalt  }
0x6c: {  	_ =	shalt  }
0x6d: {  	_ =	shalt  }
0x6e: {  	_ =	shalt  }
0x6f: {  	_ =	shalt  }
0x70: {  	_ =	shalt  }
0x71: {  	_ =	shalt  }
0x72: {  	_ =	shalt  }
0x73: {  	_ =	shalt  }
0x74: {  	_ =	shalt  }
0x75: {  	_ =	shalt  }
0x76: {  	_ =	shalt  }
0x77: {  	_ =	shalt  }
0x78: {  	_ =	shalt  }
0x79: {  	_ =	shalt  }
0x7a: {  	_ =	shalt  }
0x7b: {  	_ =	shalt  }
0x7c: {  	_ =	shalt  }
0x7d: {  	_ =	shalt  }
0x7e: {  	_ =	shalt  }
0x7f: {  	_ =	shalt  }
0x80: {  	_ =	shalt  }
0x81: {  	_ =	shalt  }
0x82: {  	_ =	shalt  }
0x83: {  	_ =	shalt  }
0x84: {  	_ =	shalt  }
0x85: {  	_ =	shalt  }
0x86: {  	_ =	shalt  }
0x87: {  	_ =	shalt  }
.Lfunc_end0:
.L_simem_size_0:
called_computation.2_lowered:
.L_overlay_start_0:
0x88: {  	s2 =	sld [smem:$0x3FD9]  }
0x89: {  	s3 =	sld [smem:$0x3FFE];
	_ =	sdelay $0x1  }
0x8a: {  	s1 =	srdreg.scid  }
0x8b: {  	s0 =	sand.u32 $0x1, s1  }
0x8c: {  	s17 =	sshll.u32 s0, $0xA;
	s2 =	sadd.s32 s3, s2  }
0x8d: {  	s2 =	sadd.s32 s2, s17  }
0x8e: {  	[smem:$0x3FC2] =	sst s2  }
0x8f: {  	_ = 	snop  }
0x90: {  	s2 =	sld [smem:$0x3FD0];
	(tm) =	ssettm $0x1  }
0x91: {  	s18 =	sld [smem:$0x3FFB];
	_ =	sdelay $0x3  }
0x92: {  	_ =	strace s18  }
0x93: {  	s3 =	sld [smem:$0x3FFC];
	_ =	sdelay $0x3  }
0x94: {  	_ =	strace s3  }
0x95: {  	s3 =	sld [smem:$0x3FFD];
	_ =	sdelay $0x3  }
0x96: {  	_ =	strace s3  }
0x97: {  	_ =	strace $0x8FFFFFFF  }
0x98: {  	s19 =	sld [smem:$0x3FDB];
	_ =	sdelay $0x1  }
0x99: {  	s4 =	simm.s32 $_scs_section_size  }
0x9a: {  	s5 =	simm.s32 $_size__tile_overlayer_lowered;
	s6 =	simm.s32 $_tile_overlayer_lowered  }
0x9b: {  	s22 =	simm.s32 $0x1BFF;
	s21 =	sshll.u32 s6, $0x1;
	s3 =	sadd.s32 s4, s19  }
0x9c: {  	s7 =	simm.s32 $0x0;
	s20 =	sshll.u32 s5, $0x1;
	s5 =	sadd.s32 s21, s3  }
0x9d: {  	[timem:s7], [sflag:s22] =	dma.local [hbm:s5], s20  }
0x9e: {  	_ =	swait.ge [sflag:s22], s20  }
0x9f: {  	s4 =	ssub.s32 $0x0, s20;
	[sflag:s22] =	ssyncset.done $0x0  }
0xa0: {  	[sflag:s22] =	ssyncadd.s32 s4;
	_ =	sdelay $0x1  }
0xa1: {  	s23 =	simm.s32 $0x1B8B  }
0xa2: {  	_ =	swait.ge [sflag:s23], $0x1  }
0xa3: {  	[sflag:s23] =	ssyncset.done $0x0  }
0xa4: {  	s25 =	simm.s32 $0x1B8E;
	s24 =	sld [smem:$0x3FFE];
	[sflag:s23] =	ssyncadd.s32 $0xFFFFFFFF  }
0xa5: {  	s26 =	simm.s32 $execute0_lowered;
	[smem:$0x3FD2] =	sst s25  }
0xa6: {  	s5 =	sshll.u32 s26, $0x1;
	_ =	strace $0x8000004C;
	[dreg:$0x1] =	wrdreg $0xFFFFFFFF  }
0xa7: {  	s28 =	simm.s32 $_size_execute0_lowered;
	s3 =	sadd.s32 s3, s5;
	[dreg:$0x0] =	wrdreg $0x0  }
0xa8: {  	s5 =	sshll.u32 s28, $0x1;
	[dreg:$0x2] =	wrdreg s3  }
0xa9: {  	[dreg:$0x3] =	wrdreg s5  }
0xaa: {  	[dreg:$0x4] =	wrdreg $0xC0  }
0xab: {  	_ =	task [dreg:s7], $0x5FFFF  }
0xac: {  	[dreg:$0x1] =	wrdreg $0xFFFFFFFF  }
0xad: {  	[dreg:$0x0] =	wrdreg $0x60  }
0xae: {  	[dreg:$0x2] =	wrdreg s2  }
0xaf: {  	[dreg:$0x3] =	wrdreg s24  }
0xb0: {  	[dreg:$0x4] =	wrdreg $0x8C000  }
0xb1: {  	[dreg:$0x5] =	wrdreg $0x9  }
0xb2: {  	_ =	task.clear_ibuf [dreg:s7], $0x6FFFF;
	_ =	strace $0x9000004C  }
0xb3: {  	s29 =	simm.s32 $0x9;
	_ =	strace $0x8000004E  }
0xb4: {  	_ =	swait.ge [sflag:s29], $0x1  }
0xb5: {  	[sflag:s29] =	ssyncadd.s32 $0xFFFFFFFF  }
0xb6: {  	_ =	strace $0x9000004E  }
0xb7: {  	_ =	sfence  }
0xb8: {  	s30 =	sld [smem:$0x0];
	_ =	sdelay $0x2  }
0xb9: {  	s31 =	sshll.u32 s1, $0xD;
	s1 =	sshrl.u32 s1, $0x2  }
0xba: {  	s3 =	sand.u32 $0x4000, s31;
	s1 =	sadd.s32 s1, s30  }
0xbb: {  	s0 =	sor.u32 s3, s0;
	s1 =	sshll.u32 s1, $0x11  }
0xbc: {  	s0 =	sor.u32 s1, s0  }
0xbd: {  	s0 =	sadd.s32 $0x8F2B, s0  }
0xbe: {  	[sflag:s0] =	ssyncadd.remote.s32 $0x1  }
0xbf: {  	_ =	sfence.sel $0xFFFF  }
0xc0: {  	[dreg:$0x0] =	wrdreg $0xFFFFFFFF;
	(pc) =	sbr.abs _section_cstart, $3  }
0xc1: {  	[dreg:$0x1] =	wrdreg $0xFFFFFFFF  }
0xc2: {  	_ =	task.clear_ibuf [dreg:s7], $0x2FFFF;
	_ =	strace $0x9FFFFFFF  }
0xc3: {  	(tm) =	ssettm $0x7FFFFFFF  }
tec
execute0_lowered:
.L_overlay_start_1:
0x0: {  	(tag) =	ssettag $0x1  }
0x1: {  	s1 =	rddreg [dreg:$0x0]  }
0x2: {  	s0 =	rddreg [dreg:$0x1]  }
0x3: {  	s3 =	rddreg [dreg:$0x2];
	s4 =	simm.s32 $0x0  }
0x4: {  	s2 =	srdreg.scid;
	s15 =	stileid.u32;
	s28 =	simm.s32 $0x300  }
0x5: {  	s29 =	simm.s32 $0x180;
	s30 =	simm.s32 $0x3;
	s31 =	simm.s32 $0x7D  }
0x6: {  	[smem:$0x7FF] =	sst s4;
	s2 =	sand.u32 $0x1, s2;
	s5 =	sshll.u32 s15, $0x1  }
0x7: {  	s8 =	smul.u32 $0x4E000, s15;
	s7 =	sadd.s32 $0x50000, s0;
	s14 =	sadd.s32 $0x138000, s3  }
0x8: {  	p0 =	sne.s32 s15, $0xF;
	_ =	strace $0x8000004D;
	s6 =	sor.u32 s2, s5  }
0x9: {  	s5 =	sadd.s32 $0x5A000, s0;
	s9 =	ssub.s32 $0x2, s2;
	s2 =	smul.u32 $0x138800, s2  }
0xa: {  	s0 =	sadd.s32 $0x1E00, s0;
	[dreg:$0x4] =	wrdreg s14;
	s14 =	smul.u32 $0x13800, s15  }
0xb: {  	s15 =	simm.s32 $0x380;
	s10 =	sshrl.u32 s9, $0x1;
	s8 =	sshrl.u32 s8, $0x2  }
0xc: {  	s6 =	smul.u32 $0x2800, s6;
	s10 =	ssub.s32 s9, s10;
	s8 =	sadd.s32 s8, s3  }
0xd: {  	s22 =	sadd.s32 s14, s2;
	s2 =	sshrl.u32 s2, $0x3;
	s14 =	simm.s32 $0x6  }
0xe: {  	s11 =	sshrl.u32 s6, $0x3;
	s2 =	sadd.s32 s0, s2;
	s26 =	smax.u32 s10, $0x1  }
0xf: {  	s10 =	simm.s32 $0x4400;
	s16 =	sadd.s32 s5, s11;
	s17 =	sadd.s32 s7, s11  }
0x10: {  	s12 =	sor.u32 $0x10, s11;
	s13 =	sor.u32 $0x20, s11;
	[dreg:$0xf] =	wrdreg s26  }
0x11: {  	s11 =	sor.u32 $0x30, s11;
	s25 =	sadd.s32 $0x27000, s2;
	[dreg:$0x5] =	wrdreg s16  }
0x12: {  	s26 =	simm.s32 $0x100;
	s2 =	simm.s32 $0x4;
	[dreg:$0x6] =	wrdreg s17  }
0x13: {  	s18 =	sadd.s32 s5, s12;
	s19 =	sadd.s32 s7, s12;
	[dreg:$0xe] =	wrdreg s25  }
0x14: {  	s20 =	sadd.s32 s5, s13;
	s21 =	sadd.s32 s7, s13;
	[dreg:$0x7] =	wrdreg s18  }
0x15: {  	s23 =	sadd.s32 s5, s11;
	s12 =	sshrl.u32 s22, $0x3;
	[dreg:$0x8] =	wrdreg s19  }
0x16: {  	s24 =	sadd.s32 s7, s11;
	s22 =	simm.s32 $0x7;
	[dreg:$0x9] =	wrdreg s20  }
.Ltmp0:
0x17: {  	s25 =	simm.s32 $0x280;
	[dreg:$0xa] =	wrdreg s21;
	(pc) =	sbr.rel .LBB2_1-.Ltmp0, $4  }
0x18: {  	s11 =	simm.s32 $0x1;
	s13 =	simm.s32 $0x2;
	[dreg:$0xb] =	wrdreg s23  }
0x19: {  	s16 =	simm.s32 $0x0;
	[dreg:$0xc] =	wrdreg s24;
	s0 =	sadd.s32 s0, s12  }
0x1a: {  	s21 =	simm.s32 $0x8400;
	s23 =	simm.s32 $0x200;
	s24 =	simm.s32 $0x80  }
0x1b: {  	v0 =	vimm.f32 $0.0e+00;
	s12 =	simm.s32 $0x5;
	[dreg:$0xd] =	wrdreg s0;
	s0 =	simm.s32 $0x400  }
.LBB2_8:
0x1c: {  	_ =	swait.ge [sflag:s13], $0x3E80  }
0x1d: {  	[sflag:s13] =	ssyncset.done $0x0  }
0x1e: {  	[sflag:s13] =	ssyncadd.s32 $0xFFFFC180  }
0x1f: {  	[spmem:s3] =	stream.indirect.scatter.add.f32 [tilespmem:s10], [sflag:$0x7], $0x80, s15, s31, $0xb8;
	[tilespmem:$0x1C480] =	vst v63  }
0x20: {  	_ =	swait.ge [sflag:s22], $0x3E80  }
0x21: {  	[sflag:s22] =	ssyncset.done $0x0  }
0x22: {  	s9 =	stileid.u32;
	[sflag:s22] =	ssyncadd.s32 $0xFFFFC180  }
0x23: {  	s9 =	sshll.u32 s9, $0x6;
	[bflag:$0x0] =	sbarrier.arrive $0xFFFF  }
0x24: {  	s17 =	sshrl.u32 s8, $0x3;
	s9 =	sor.u32 $0x1C07, s9;
	s18 =	rddreg [dreg:$0xd]  }
0x25: {  	[hbm:s18], [sflag:s9] =	dma.local [spmem:s17], $0x2700  }
0x26: {  	_ =	swait.ge [sflag:s22], $0x2700  }
0x27: {  	[sflag:s22] =	ssyncset.done $0x0;
	s17 =	rddreg [dreg:$0x4]  }
0x28: {  	s18 =	rddreg [dreg:$0xe];
	[sflag:s22] =	ssyncadd.s32 $0xFFFFD900;
	s17 =	sshrl.u32 @!p0 s17, $0x3  }
0x29: {  	[hbm:s18], [sflag:s9] =	dma.local @!p0 [spmem:s17], $0x100  }
0x2a: {  	s9 =	simm.s32 @!p0 $0x7  }
0x2b: {  	_ =	swait.ge @!p0 [sflag:s9], $0x100  }
0x2c: {  	s16 =	sadd.s32 $0x1, s16;
	s20 =	rddreg [dreg:$0xf]  }
0x2d: {  	p1 =	sne.s32 s16, s20  }
.Ltmp1:
0x2e: {  	_ = 	snop;
	(pc) =	sbr.rel @!p1 .LBB2_9-.Ltmp1, $3  }
0x2f: {  	_ =	sdelay $0x1  }
0x30: {  	[sflag:s9] =	ssyncset.done @!p0 $0x0  }
0x31: {  	[sflag:s9] =	ssyncadd.s32 @!p0 $0xFFFFFF00  }
.LBB2_1:
0x32: {  	s17 =	simm.s32 $0x0;
	s18 =	simm.s32 $0x0  }
.LBB2_2:
0x33: {  	p1 =	sne.s32 s18, $0x1FC0  }
.Ltmp2:
0x34: {  	_ = 	snop;
	(pc) =	sbr.rel @p1 .LBB2_2-.Ltmp2, $4  }
0x35: {  	s19 =	sand.u32 $0x1E00, s18  }
0x36: {  	s20 =	sand.u32 $0x70, s17;
	s19 =	sshrl.u32 s19, $0x2  }
0x37: {  	s19 =	sor.u32 s20, s19  }
0x38: {  	s17 =	sadd.s32 $0x10, s17;
	s18 =	sadd.s32 $0x40, s18;
	[tilespmem:s19+$0x8400] =	vst v0  }
0x39: {  	s17 =	sadd.s32 $0x0, s8  }
0x3a: {  	[spmem:s17] =	stream.linear.scatter [tilespmem:s21], [sflag:$0x7], $0x800, $0x38;
	[tilespmem:$0x1C480] =	vst v63  }
0x3b: {  	s17 =	simm.s32 $0x2000;
	_ =	swait.ge [sflag:s22], $0x800  }
.LBB2_4:
0x3c: {  	s18 =	sshra.s32 s17, $0x2;
	[sflag:s22] =	ssyncset.done $0x0;
	p1 =	sne.s32 s17, $0x4C000  }
.Ltmp3:
0x3d: {  	s18 =	sadd.s32 s18, s8;
	[sflag:s22] =	ssyncadd.s32 $0xFFFFF800;
	(pc) =	sbr.rel @p1 .LBB2_4-.Ltmp3, $3  }
0x3e: {  	[spmem:s18] =	stream.linear.scatter [tilespmem:s21], [sflag:$0x7], $0x800, $0x38;
	[tilespmem:$0x1C480] =	vst v63  }
0x3f: {  	s17 =	sadd.s32 $0x2000, s17;
	_ =	sdelay $0x1  }
0x40: {  	_ =	swait.ge [sflag:s22], $0x800  }
0x41: {  	[sflag:s22] =	ssyncset.done $0x0  }
0x42: {  	s17 =	simm.s32 @!p0 $0x8400;
	s9 =	rddreg [dreg:$0x4];
	[sflag:s22] =	ssyncadd.s32 $0xFFFFF800  }
0x43: {  	[spmem:s9] =	stream.linear.scatter @!p0 [tilespmem:s17], [sflag:$0x7], $0x800, $0x38;
	[tilespmem:$0x1C480] =	vst v63  }
0x44: {  	s17 =	simm.s32 @!p0 $0x7  }
0x45: {  	_ =	swait.ge @!p0 [sflag:s17], $0x800  }
0x46: {  	[sflag:s17] =	ssyncset.done @!p0 $0x0  }
0x47: {  	[sflag:s17] =	ssyncadd.s32 @!p0 $0xFFFFF800;
	s17 =	rddreg [dreg:$0x5]  }
0x48: {  	[tilespmem:s4], [sflag:$0x3] =	stream.linear.gather [hbm4b:s17+s4], $0x80, $0x38;
	[tilespmem:$0x1C480] =	vst v63  }
0x49: {  	s18 =	rddreg [dreg:$0x6]  }
0x4a: {  	[tilespmem:s23], [sflag:$0x3] =	stream.linear.gather [hbm4b:s18+s4], $0x80, $0x38;
	[tilespmem:$0x1C480] =	vst v63  }
0x4b: {  	s19 =	rddreg [dreg:$0x7]  }
0x4c: {  	[tilespmem:s24], [sflag:$0x4] =	stream.linear.gather [hbm4b:s19+s4], $0x80, $0x38;
	[tilespmem:$0x1C480] =	vst v63  }
0x4d: {  	s20 =	rddreg [dreg:$0x8]  }
0x4e: {  	[tilespmem:s25], [sflag:$0x4] =	stream.linear.gather [hbm4b:s20+s4], $0x80, $0x38;
	[tilespmem:$0x1C480] =	vst v63  }
0x4f: {  	s17 =	rddreg [dreg:$0x9]  }
0x50: {  	[tilespmem:s26], [sflag:$0x5] =	stream.linear.gather [hbm4b:s17+s4], $0x80, $0x38;
	[tilespmem:$0x1C480] =	vst v63  }
0x51: {  	s18 =	rddreg [dreg:$0xa]  }
0x52: {  	[tilespmem:s28], [sflag:$0x5] =	stream.linear.gather [hbm4b:s18+s4], $0x80, $0x38;
	[tilespmem:$0x1C480] =	vst v63  }
0x53: {  	s19 =	rddreg [dreg:$0xb]  }
0x54: {  	[tilespmem:s29], [sflag:$0x6] =	stream.linear.gather [hbm4b:s19+s4], $0x80, $0x38;
	[tilespmem:$0x1C480] =	vst v63  }
0x55: {  	s20 =	rddreg [dreg:$0xc];
	s17 =	simm.s32 $0x380  }
0x56: {  	[tilespmem:s17], [sflag:$0x6] =	stream.linear.gather [hbm4b:s20+s4], $0x80, $0x38;
	[tilespmem:$0x1C480] =	vst v63  }
0x57: {  	[bflag:$0x0] =	sbarrier.arrive $0xFFFF  }
0x58: {  	_ =	swait.ge [sflag:s30], $0x80  }
0x59: {  	[sflag:s30] =	ssyncset.done $0x0  }
0x5a: {  	[sflag:s30] =	ssyncadd.s32 $0xFFFFFF80  }
0x5b: {  	_ =	swait.ge [sflag:s30], $0x80  }
0x5c: {  	[sflag:s30] =	ssyncset.done $0x0  }
0x5d: {  	[sflag:s30] =	ssyncadd.s32 $0xFFFFFF80  }
0x5e: {  	[tilespmem:s0], [sflag:$0x1] =	stream.indirect.gather [hbm4b:s1+s31], $0x80, s4, s31, $0xb8;
	[tilespmem:$0x1C480] =	vst v63  }
0x5f: {  	_ =	swait.ge [sflag:s2], $0x80  }
0x60: {  	[sflag:s2] =	ssyncset.done $0x0  }
0x61: {  	[sflag:s2] =	ssyncadd.s32 $0xFFFFFF80  }
0x62: {  	_ =	swait.ge [sflag:s2], $0x80  }
0x63: {  	[sflag:s2] =	ssyncset.done $0x0  }
0x64: {  	[sflag:s2] =	ssyncadd.s32 $0xFFFFFF80  }
0x65: {  	[tilespmem:s10], [sflag:$0x2] =	stream.indirect.gather [hbm4b:s1+s31], $0x80, s24, s31, $0xb8;
	[tilespmem:$0x1C480] =	vst v63  }
.LBB2_6:
0x66: {  	_ =	swait.ge [sflag:s11], $0x3E80;
	p1 =	seq.s32 s17, $0x2980  }
0x67: {  	[sflag:s11] =	ssyncset.done $0x0;
	s18 =	sadd.s32 @!p1 $0xFFFFFE80, s17  }
0x68: {  	[sflag:s11] =	ssyncadd.s32 $0xFFFFC180;
	s19 =	sand.u32 @!p1 $0x7C00, s18  }
0x69: {  	[spmem:s3] =	stream.indirect.scatter.add.f32 [tilespmem:s0], [sflag:$0x7], $0x80, s23, s31, $0xb8;
	[tilespmem:$0x1C480] =	vst v63  }
0x6a: {  	s18 =	sand.u32 @!p1 $0x200, s18;
	s19 =	sadd.s32 @!p1 s6, s19  }
0x6b: {  	_ =	swait.ge [sflag:s22], $0x3E80;
	s18 =	sor.u32 @!p1 s18, s19  }
0x6c: {  	[sflag:s22] =	ssyncset.done $0x0;
	s18 =	sshrl.u32 @!p1 s18, $0x3  }
0x6d: {  	s20 =	simm.s32 @!p1 $0x0;
	[sflag:s22] =	ssyncadd.s32 $0xFFFFC180;
	s19 =	sadd.s32 @!p1 s5, s18  }
0x6e: {  	[tilespmem:s20], [sflag:$0x3] =	stream.linear.gather @!p1 [hbm4b:s19+s20], $0x80, $0x38;
	[tilespmem:$0x1C480] =	vst v63  }
0x6f: {  	s18 =	sadd.s32 @!p1 s7, s18;
	s19 =	simm.s32 @!p1 $0x200  }
0x70: {  	[tilespmem:s19], [sflag:$0x3] =	stream.linear.gather @!p1 [hbm4b:s18+s20], $0x80, $0x38;
	[tilespmem:$0x1C480] =	vst v63  }
0x71: {  	_ =	swait.ge [sflag:s12], $0x80  }
0x72: {  	[sflag:s12] =	ssyncset.done $0x0  }
0x73: {  	[sflag:s12] =	ssyncadd.s32 $0xFFFFFF80  }
0x74: {  	_ =	swait.ge [sflag:s12], $0x80  }
0x75: {  	[sflag:s12] =	ssyncset.done $0x0  }
0x76: {  	[sflag:s12] =	ssyncadd.s32 $0xFFFFFF80  }
0x77: {  	[tilespmem:s0], [sflag:$0x1] =	stream.indirect.gather [hbm4b:s1+s31], $0x80, s26, s31, $0xb8;
	[tilespmem:$0x1C480] =	vst v63  }
0x78: {  	s18 =	sadd.s32 @!p1 $0xFFFFFF00, s17;
	_ =	swait.ge [sflag:s13], $0x3E80  }
0x79: {  	s19 =	sand.u32 @!p1 $0x7C00, s18;
	[sflag:s13] =	ssyncset.done $0x0  }
0x7a: {  	s18 =	sand.u32 @!p1 $0x280, s18;
	s19 =	sadd.s32 @!p1 s6, s19;
	[sflag:s13] =	ssyncadd.s32 $0xFFFFC180  }
0x7b: {  	[spmem:s3] =	stream.indirect.scatter.add.f32 [tilespmem:s10], [sflag:$0x7], $0x80, s25, s31, $0xb8;
	[tilespmem:$0x1C480] =	vst v63  }
0x7c: {  	s18 =	sor.u32 @!p1 s18, s19;
	_ =	swait.ge [sflag:s22], $0x3E80  }
0x7d: {  	s18 =	sshrl.u32 @!p1 s18, $0x3;
	[sflag:s22] =	ssyncset.done $0x0  }
0x7e: {  	s9 =	simm.s32 @!p1 $0x80;
	s19 =	sadd.s32 @!p1 s5, s18;
	[sflag:s22] =	ssyncadd.s32 $0xFFFFC180  }
0x7f: {  	[tilespmem:s9], [sflag:$0x4] =	stream.linear.gather @!p1 [hbm4b:s19+s20], $0x80, $0x38;
	[tilespmem:$0x1C480] =	vst v63  }
0x80: {  	s9 =	sadd.s32 @!p1 s7, s18;
	s18 =	simm.s32 @!p1 $0x280  }
0x81: {  	[tilespmem:s18], [sflag:$0x4] =	stream.linear.gather @!p1 [hbm4b:s9+s20], $0x80, $0x38;
	[tilespmem:$0x1C480] =	vst v63  }
0x82: {  	_ =	swait.ge [sflag:s14], $0x80  }
0x83: {  	[sflag:s14] =	ssyncset.done $0x0  }
0x84: {  	[sflag:s14] =	ssyncadd.s32 $0xFFFFFF80  }
0x85: {  	_ =	swait.ge [sflag:s14], $0x80  }
0x86: {  	[sflag:s14] =	ssyncset.done $0x0  }
0x87: {  	[sflag:s14] =	ssyncadd.s32 $0xFFFFFF80  }
0x88: {  	[tilespmem:s10], [sflag:$0x2] =	stream.indirect.gather [hbm4b:s1+s31], $0x80, s29, s31, $0xb8;
	[tilespmem:$0x1C480] =	vst v63  }
0x89: {  	_ =	swait.ge [sflag:s11], $0x3E80  }
0x8a: {  	[sflag:s11] =	ssyncset.done $0x0  }
.Ltmp4:
0x8b: {  	[sflag:s11] =	ssyncadd.s32 $0xFFFFC180;
	(pc) =	sbr.rel @p1 .LBB2_8-.Ltmp4, $4  }
0x8c: {  	[spmem:s3] =	stream.indirect.scatter.add.f32 [tilespmem:s0], [sflag:$0x7], $0x80, s28, s31, $0xb8;
	[tilespmem:$0x1C480] =	vst v63  }
0x8d: {  	_ =	swait.ge [sflag:s22], $0x3E80  }
0x8e: {  	[sflag:s22] =	ssyncset.done $0x0  }
0x8f: {  	[sflag:s22] =	ssyncadd.s32 $0xFFFFC180  }
0x90: {  	s9 =	sadd.s32 $0xFFFFFF80, s17  }
0x91: {  	s18 =	sand.u32 $0x7C00, s9  }
0x92: {  	s9 =	sand.u32 $0x300, s9;
	s18 =	sadd.s32 s6, s18  }
0x93: {  	s9 =	sor.u32 s9, s18  }
0x94: {  	s9 =	sshrl.u32 s9, $0x3  }
0x95: {  	s20 =	sadd.s32 s5, s9  }
0x96: {  	[tilespmem:s26], [sflag:$0x5] =	stream.linear.gather [hbm4b:s20+s4], $0x80, $0x38;
	[tilespmem:$0x1C480] =	vst v63  }
0x97: {  	s9 =	sadd.s32 s7, s9  }
0x98: {  	[tilespmem:s28], [sflag:$0x5] =	stream.linear.gather [hbm4b:s9+s4], $0x80, $0x38;
	[tilespmem:$0x1C480] =	vst v63  }
0x99: {  	_ =	swait.ge [sflag:s30], $0x80  }
0x9a: {  	[sflag:s30] =	ssyncset.done $0x0  }
0x9b: {  	[sflag:s30] =	ssyncadd.s32 $0xFFFFFF80  }
0x9c: {  	_ =	swait.ge [sflag:s30], $0x80  }
0x9d: {  	[sflag:s30] =	ssyncset.done $0x0  }
0x9e: {  	[sflag:s30] =	ssyncadd.s32 $0xFFFFFF80  }
0x9f: {  	[tilespmem:s0], [sflag:$0x1] =	stream.indirect.gather [hbm4b:s1+s31], $0x80, s4, s31, $0xb8;
	[tilespmem:$0x1C480] =	vst v63  }
0xa0: {  	_ =	swait.ge [sflag:s13], $0x3E80  }
0xa1: {  	s18 =	sand.u32 $0x7C00, s17;
	[sflag:s13] =	ssyncset.done $0x0  }
0xa2: {  	s19 =	sand.u32 $0x380, s17;
	s9 =	sadd.s32 s6, s18;
	[sflag:s13] =	ssyncadd.s32 $0xFFFFC180  }
0xa3: {  	[spmem:s3] =	stream.indirect.scatter.add.f32 [tilespmem:s10], [sflag:$0x7], $0x80, s15, s31, $0xb8;
	[tilespmem:$0x1C480] =	vst v63  }
0xa4: {  	s9 =	sor.u32 s19, s9;
	_ =	swait.ge [sflag:s22], $0x3E80  }
0xa5: {  	s9 =	sshrl.u32 s9, $0x3;
	[sflag:s22] =	ssyncset.done $0x0  }
0xa6: {  	s20 =	sadd.s32 s5, s9;
	[sflag:s22] =	ssyncadd.s32 $0xFFFFC180  }
0xa7: {  	[tilespmem:s29], [sflag:$0x6] =	stream.linear.gather [hbm4b:s20+s4], $0x80, $0x38;
	[tilespmem:$0x1C480] =	vst v63  }
0xa8: {  	s9 =	sadd.s32 s7, s9  }
0xa9: {  	[tilespmem:s15], [sflag:$0x6] =	stream.linear.gather [hbm4b:s9+s4], $0x80, $0x38;
	[tilespmem:$0x1C480] =	vst v63  }
0xaa: {  	_ =	swait.ge [sflag:s2], $0x80  }
0xab: {  	[sflag:s2] =	ssyncset.done $0x0  }
.Ltmp5:
0xac: {  	[sflag:s2] =	ssyncadd.s32 $0xFFFFFF80;
	(pc) =	sbr.rel .LBB2_6-.Ltmp5, $4  }
0xad: {  	_ =	swait.ge [sflag:s2], $0x80  }
0xae: {  	[sflag:s2] =	ssyncset.done $0x0  }
0xaf: {  	s17 =	sadd.s32 $0x200, s17;
	[sflag:s2] =	ssyncadd.s32 $0xFFFFFF80  }
0xb0: {  	[tilespmem:s10], [sflag:$0x2] =	stream.indirect.gather [hbm4b:s1+s31], $0x80, s24, s31, $0xb8;
	[tilespmem:$0x1C480] =	vst v63  }
.LBB2_9:
0xb1: {  	_ =	sfence.sel $0x180000  }
0xb2: {  	[bflag:$0x0] =	sbarrier.arrive $0xFFFF  }
0xb3: {  	_ =	strace $0x9000004D  }
0xb4: {  	s0 =	stileid.u32;
	[bflag:$0x2] =	sbarrier.arrive $0xFFFF  }
0xb5: {  	p0 =	sne.s32 s0, $0x0;
	s0 =	rddreg [dreg:$0x3]  }
0xb6: {  	s0 =	sadd.s32 @!p0 $0x100000, s0  }
0xb7: {  	[sflag:s0] =	ssyncadd.tile.s32 @!p0 $0x1;
	_ =	shalt  }
.Lfunc_end2:
_tile_overlayer_lowered:
.L_overlay_start_2:
0xb8: {  	(tag) =	ssettag $0x2  }
0xb9: {  	s0 =	rddreg [dreg:$0x0];
	s2 =	stileid.u32  }
0xba: {  	s1 =	rddreg [dreg:$0x1];
	p0 =	sne.s32 s2, $0x0  }
0xbb: {  	s3 =	rddreg [dreg:$0x2];
	[bflag:$0x3] =	sbarrier.arrive $0xFFFF;
	s2 =	simm.s32 @!p0 $0x1C07  }
0xbc: {  	[timem:s3], [sflag:s2] =	dma.local @!p0 [hbm:s0], s1  }
0xbd: {  	s0 =	simm.s32 @!p0 $0x7  }
0xbe: {  	_ =	swait.ge @!p0 [sflag:s0], s1  }
0xbf: {  	s1 =	ssub.s32 @!p0 $0x0, s1;
	[sflag:s0] =	ssyncset.done @!p0 $0x0  }
0xc0: {  	[sflag:s0] =	ssyncadd.s32 @!p0 s1  }
0xc1: {  	[bflag:$0x3] =	sbarrier.arrive $0xFFFF  }
0xc2: {  	_ =	shalt  }

// kernel: kernel.9.cloned.1.call-start
scs
__scs_entry_jumppad:
0x0: {  	(pc) =	sbr.rel $0x88, $3  }
0x1: {  	(tag) =	ssettag $0x0;
	lr =	simm.s32 $0x1  }
0x2: {  	[smem:$0x3F9B] =	sst lr;
	_ =	strace $0xD0000000  }
0x3: {  	_ = 	snop  }
0x4: {  	_ = 	snop  }
0x5: {  	_ = 	snop  }
0x6: {  	_ = 	snop  }
0x7: {  	_ = 	snop  }
__scs_overlays_trampoline_lowered:
0x8: {  	[smem:$0x3FAA] =	sst s0  }
0x9: {  	[smem:$0x3FAB] =	sst s1  }
0xa: {  	[smem:$0x3FAC] =	sst s2  }
0xb: {  	[smem:$0x3FAD] =	sst s3  }
0xc: {  	[smem:$0x3FAE] =	sst s4  }
0xd: {  	[smem:$0x3FAF] =	sst s5  }
0xe: {  	[smem:$0x3FB0] =	sst s6  }
0xf: {  	[smem:$0x3FB1] =	sst s7  }
0x10: {  	[smem:$0x3FB2] =	sst s8  }
0x11: {  	[smem:$0x3FB3] =	sst s9;
	s0 =	simm.s32 @!p0 $0x0  }
0x12: {  	s1 =	sld [smem:$0x3F99];
	s0 =	simm.s32 @p0 $0x1  }
0x13: {  	[smem:$0x3FB4] =	sst s0;
	s0 =	simm.s32 @!p1 $0x0  }
0x14: {  	s2 =	sld [smem:$0x3F98];
	s0 =	simm.s32 @p1 $0x1  }
0x15: {  	[smem:$0x3FB5] =	sst s0;
	s0 =	simm.s32 @!p2 $0x0  }
0x16: {  	s3 =	sld [smem:$0x3FDB];
	s0 =	simm.s32 @p2 $0x1  }
0x17: {  	s4 =	simm.s32 $0x1BF5;
	[smem:$0x3FB7] =	sst s0  }
0x18: {  	s0 =	sld [smem:$0x3F9A];
	_ =	swait.ge [sflag:s4], $0x0  }
0x19: {  	s7 =	sld [smem:$0x3F9B]  }
0x1a: {  	s8 =	sadd.s32 $0xFFFFE003, lr  }
0x1b: {  	s9 =	sadd.s32 $0xFFFFFEF7, lr;
	s5 =	simm.s32 $0xFFFFFFFF;
	p2 =	slt.u32 s8, $0xFFFFF086  }
0x1c: {  	p1 =	slt.u32 s9, $0xF7A;
	s5 =	simm.s32 @!p2 $0x0  }
0x1d: {  	s5 =	simm.s32 @p1 $0x1;
	p0 =	seq.s32 s7, s2  }
0x1e: {  	s7 =	smul.u32 @!p0 $0xF7A, s2;
	p2 =	seq.s32 @!p0 s5, $0x0  }
0x1f: {  	s9 =	smul.u32 $0xF7A, s1;
	s8 =	simm.s32 @!p0 $0x1BF5;
	p2 =	por !p2, p0  }
0x20: {  	[sflag:s8] =	ssyncset.s32 @!p0 $0xFFFFF086;
	s6 =	sadd.s32 @!p0 s3, s7;
	s7 =	simm.s32 @!p0 $0x108  }
0x21: {  	s3 =	sadd.s32 s3, s9;
	s6 =	sadd.s32 @!p0 $0x88, s6;
	s7 =	simm.s32 @p2 $0x1082  }
0x22: {  	[simem:s7], [sflag:s8] =	dma.local @!p0 [hbm:s6], $0xF7A  }
0x23: {  	s9 =	sor.u32 $0xD0000000, s2;
	s6 =	simm.s32 $0x108;
	_ =	swait.ge @!p0 [sflag:s8], $0x0  }
0x24: {  	s3 =	sadd.s32 $0x88, s3;
	s6 =	simm.s32 @!p1 $0x1082;
	[sflag:s4] =	ssyncset.s32 $0xFFFFF086  }
0x25: {  	[simem:s6], [sflag:s4] =	dma.local [hbm:s3], $0xF7A  }
0x26: {  	[smem:$0x3F9B] =	sst s1;
	(tag) =	ssettag s2;
	_ =	strace s9  }
0x27: {  	s1 =	sld [smem:$0x3FAB]  }
0x28: {  	s2 =	sld [smem:$0x3FAC]  }
0x29: {  	s4 =	sld [smem:$0x3FAE]  }
0x2a: {  	p0 =	seq.s32 s5, $0x0;
	s5 =	sld [smem:$0x3FAF]  }
0x2b: {  	s6 =	sld [smem:$0x3FB0]  }
0x2c: {  	s7 =	sld [smem:$0x3FB1]  }
0x2d: {  	s3 =	simm.s32 $0x108;
	s8 =	sld [smem:$0x3FB2]  }
0x2e: {  	s3 =	simm.s32 @!p0 $0x1082;
	s9 =	sld [smem:$0x3FB3]  }
0x2f: {  	lr =	sadd.s32 s0, s3;
	s0 =	sld [smem:$0x3FAA]  }
0x30: {  	s3 =	sld [smem:$0x3FAD]  }
0x31: {  	[smem:$0x3FB6] =	sst s10  }
0x32: {  	s10 =	sld [smem:$0x3FB4];
	_ =	sdelay $0x3  }
0x33: {  	p0 =	seq.s32 s10, $0x1;
	s10 =	sld [smem:$0x3FB6];
	_ =	sdelay $0x3  }
0x34: {  	[smem:$0x3FB6] =	sst s10  }
0x35: {  	s10 =	sld [smem:$0x3FB5];
	_ =	sdelay $0x3  }
0x36: {  	p1 =	seq.s32 s10, $0x1;
	s10 =	sld [smem:$0x3FB6];
	_ =	sdelay $0x3  }
0x37: {  	[smem:$0x3FB6] =	sst s10  }
0x38: {  	s10 =	sld [smem:$0x3FB7]  }
0x39: {  	_ = 	snop;
	(pc) =	sbr.ind lr, $3  }
0x3a: {  	_ = 	snop  }
0x3b: {  	_ = 	snop  }
0x3c: {  	p2 =	seq.s32 s10, $0x1;
	s10 =	sld [smem:$0x3FB6]  }
0x3d: {  	_ =	shalt  }
0x3e: {  	_ =	shalt  }
0x3f: {  	_ =	shalt  }
0x40: {  	_ =	shalt  }
0x41: {  	_ =	shalt  }
0x42: {  	_ =	shalt  }
0x43: {  	_ =	shalt  }
0x44: {  	_ =	shalt  }
0x45: {  	_ =	shalt  }
0x46: {  	_ =	shalt  }
0x47: {  	_ =	shalt  }
0x48: {  	_ =	shalt  }
0x49: {  	_ =	shalt  }
0x4a: {  	_ =	shalt  }
0x4b: {  	_ =	shalt  }
0x4c: {  	_ =	shalt  }
0x4d: {  	_ =	shalt  }
0x4e: {  	_ =	shalt  }
0x4f: {  	_ =	shalt  }
0x50: {  	_ =	shalt  }
0x51: {  	_ =	shalt  }
0x52: {  	_ =	shalt  }
0x53: {  	_ =	shalt  }
0x54: {  	_ =	shalt  }
0x55: {  	_ =	shalt  }
0x56: {  	_ =	shalt  }
0x57: {  	_ =	shalt  }
0x58: {  	_ =	shalt  }
0x59: {  	_ =	shalt  }
0x5a: {  	_ =	shalt  }
0x5b: {  	_ =	shalt  }
0x5c: {  	_ =	shalt  }
0x5d: {  	_ =	shalt  }
0x5e: {  	_ =	shalt  }
0x5f: {  	_ =	shalt  }
0x60: {  	_ =	shalt  }
0x61: {  	_ =	shalt  }
0x62: {  	_ =	shalt  }
0x63: {  	_ =	shalt  }
0x64: {  	_ =	shalt  }
0x65: {  	_ =	shalt  }
0x66: {  	_ =	shalt  }
0x67: {  	_ =	shalt  }
0x68: {  	_ =	shalt  }
0x69: {  	_ =	shalt  }
0x6a: {  	_ =	shalt  }
0x6b: {  	_ =	shalt  }
0x6c: {  	_ =	shalt  }
0x6d: {  	_ =	shalt  }
0x6e: {  	_ =	shalt  }
0x6f: {  	_ =	shalt  }
0x70: {  	_ =	shalt  }
0x71: {  	_ =	shalt  }
0x72: {  	_ =	shalt  }
0x73: {  	_ =	shalt  }
0x74: {  	_ =	shalt  }
0x75: {  	_ =	shalt  }
0x76: {  	_ =	shalt  }
0x77: {  	_ =	shalt  }
0x78: {  	_ =	shalt  }
0x79: {  	_ =	shalt  }
0x7a: {  	_ =	shalt  }
0x7b: {  	_ =	shalt  }
0x7c: {  	_ =	shalt  }
0x7d: {  	_ =	shalt  }
0x7e: {  	_ =	shalt  }
0x7f: {  	_ =	shalt  }
0x80: {  	_ =	shalt  }
0x81: {  	_ =	shalt  }
0x82: {  	_ =	shalt  }
0x83: {  	_ =	shalt  }
0x84: {  	_ =	shalt  }
0x85: {  	_ =	shalt  }
0x86: {  	_ =	shalt  }
0x87: {  	_ =	shalt  }
.Lfunc_end0:
.L_simem_size_0:
called_computation_lowered:
.L_overlay_start_0:
0x88: {  	s2 =	sld [smem:$0x3FD9]  }
0x89: {  	s3 =	sld [smem:$0x3FFE];
	_ =	sdelay $0x1  }
0x8a: {  	s1 =	srdreg.scid  }
0x8b: {  	s0 =	sand.u32 $0x1, s1  }
0x8c: {  	s17 =	sshll.u32 s0, $0xA;
	s2 =	sadd.s32 s3, s2  }
0x8d: {  	s2 =	sadd.s32 s2, s17  }
0x8e: {  	[smem:$0x3FC2] =	sst s2  }
0x8f: {  	_ = 	snop  }
0x90: {  	s2 =	sld [smem:$0x3FD0];
	(tm) =	ssettm $0x1  }
0x91: {  	s18 =	sld [smem:$0x3FFB];
	_ =	sdelay $0x3  }
0x92: {  	_ =	strace s18  }
0x93: {  	s3 =	sld [smem:$0x3FFC];
	_ =	sdelay $0x3  }
0x94: {  	_ =	strace s3  }
0x95: {  	s3 =	sld [smem:$0x3FFD];
	_ =	sdelay $0x3  }
0x96: {  	_ =	strace s3  }
0x97: {  	_ =	strace $0x8FFFFFFF  }
0x98: {  	s19 =	sld [smem:$0x3FDB];
	_ =	sdelay $0x1  }
0x99: {  	s4 =	simm.s32 $_scs_section_size  }
0x9a: {  	s5 =	simm.s32 $_size__tile_overlayer_lowered;
	s6 =	simm.s32 $_tile_overlayer_lowered  }
0x9b: {  	s22 =	simm.s32 $0x1BFF;
	s21 =	sshll.u32 s6, $0x1;
	s3 =	sadd.s32 s4, s19  }
0x9c: {  	s7 =	simm.s32 $0x0;
	s20 =	sshll.u32 s5, $0x1;
	s5 =	sadd.s32 s21, s3  }
0x9d: {  	[timem:s7], [sflag:s22] =	dma.local [hbm:s5], s20  }
0x9e: {  	_ =	swait.ge [sflag:s22], s20  }
0x9f: {  	s4 =	ssub.s32 $0x0, s20;
	[sflag:s22] =	ssyncset.done $0x0  }
0xa0: {  	[sflag:s22] =	ssyncadd.s32 s4;
	_ =	sdelay $0x1  }
0xa1: {  	s23 =	simm.s32 $0x1B8B  }
0xa2: {  	_ =	swait.ge [sflag:s23], $0x1  }
0xa3: {  	[sflag:s23] =	ssyncset.done $0x0  }
0xa4: {  	s25 =	simm.s32 $0x1B8E;
	s24 =	sld [smem:$0x3FFE];
	[sflag:s23] =	ssyncadd.s32 $0xFFFFFFFF  }
0xa5: {  	s26 =	simm.s32 $execute0_lowered;
	[smem:$0x3FD2] =	sst s25  }
0xa6: {  	s5 =	sshll.u32 s26, $0x1;
	_ =	strace $0x80000046;
	[dreg:$0x1] =	wrdreg $0xFFFFFFFF  }
0xa7: {  	s28 =	simm.s32 $_size_execute0_lowered;
	s3 =	sadd.s32 s3, s5;
	[dreg:$0x0] =	wrdreg $0x0  }
0xa8: {  	s5 =	sshll.u32 s28, $0x1;
	[dreg:$0x2] =	wrdreg s3  }
0xa9: {  	[dreg:$0x3] =	wrdreg s5  }
0xaa: {  	[dreg:$0x4] =	wrdreg $0xC0  }
0xab: {  	_ =	task [dreg:s7], $0x5FFFF  }
0xac: {  	[dreg:$0x1] =	wrdreg $0xFFFFFFFF  }
0xad: {  	[dreg:$0x0] =	wrdreg $0x60  }
0xae: {  	[dreg:$0x2] =	wrdreg s2  }
0xaf: {  	[dreg:$0x3] =	wrdreg s24  }
0xb0: {  	[dreg:$0x4] =	wrdreg $0x70000  }
0xb1: {  	[dreg:$0x5] =	wrdreg $0x9  }
0xb2: {  	_ =	task.clear_ibuf [dreg:s7], $0x6FFFF;
	_ =	strace $0x90000046  }
0xb3: {  	s29 =	simm.s32 $0x9;
	_ =	strace $0x80000048  }
0xb4: {  	_ =	swait.ge [sflag:s29], $0x1  }
0xb5: {  	[sflag:s29] =	ssyncadd.s32 $0xFFFFFFFF  }
0xb6: {  	_ =	strace $0x90000048  }
0xb7: {  	_ =	sfence  }
0xb8: {  	s30 =	sld [smem:$0x0];
	_ =	sdelay $0x2  }
0xb9: {  	s31 =	sshll.u32 s1, $0xD;
	s1 =	sshrl.u32 s1, $0x2  }
0xba: {  	s3 =	sand.u32 $0x4000, s31;
	s1 =	sadd.s32 s1, s30  }
0xbb: {  	s0 =	sor.u32 s3, s0;
	s1 =	sshll.u32 s1, $0x11  }
0xbc: {  	s0 =	sor.u32 s1, s0  }
0xbd: {  	s0 =	sadd.s32 $0x8F2B, s0  }
0xbe: {  	[sflag:s0] =	ssyncadd.remote.s32 $0x1  }
0xbf: {  	_ =	sfence.sel $0xFFFF  }
0xc0: {  	[dreg:$0x0] =	wrdreg $0xFFFFFFFF;
	(pc) =	sbr.abs _section_cstart, $3  }
0xc1: {  	[dreg:$0x1] =	wrdreg $0xFFFFFFFF  }
0xc2: {  	_ =	task.clear_ibuf [dreg:s7], $0x2FFFF;
	_ =	strace $0x9FFFFFFF  }
0xc3: {  	(tm) =	ssettm $0x7FFFFFFF  }
tec
execute0_lowered:
.L_overlay_start_1:
0x0: {  	(tag) =	ssettag $0x1  }
0x1: {  	s6 =	rddreg [dreg:$0x0]  }
0x2: {  	s4 =	rddreg [dreg:$0x1]  }
0x3: {  	s1 =	rddreg [dreg:$0x2]  }
0x4: {  	s0 =	rddreg [dreg:$0x3];
	s3 =	simm.s32 $0x0;
	s5 =	srdreg.scid  }
0x5: {  	s2 =	stileid.u32;
	[smem:$0x7FF] =	sst s3;
	s5 =	sand.u32 $0x1, s5  }
0x6: {  	s8 =	smul.u32 $0x4E000, s2;
	s9 =	sadd.s32 $0x1E00, s4;
	s11 =	sshll.u32 s2, $0x1  }
0x7: {  	s12 =	smul.u32 $0x13800, s2;
	p0 =	sne.s32 s2, $0xF;
	_ =	strace $0x80000047  }
0x8: {  	s7 =	ssub.s32 $0x2, s5;
	s10 =	smul.u32 $0x138800, s5;
	s5 =	sor.u32 s5, s11  }
0x9: {  	s11 =	simm.s32 $0x1;
	s29 =	sshrl.u32 s7, $0x1;
	s8 =	sshrl.u32 s8, $0x2  }
0xa: {  	s30 =	smul.u32 $0x680, s5;
	s5 =	sadd.s32 $0x138000, s1;
	s13 =	ssub.s32 s7, s29  }
0xb: {  	s4 =	sadd.s32 s8, s1;
	s31 =	sadd.s32 s12, s10;
	s10 =	sshrl.u32 s10, $0x3  }
0xc: {  	s12 =	simm.s32 $0x64;
	s8 =	sshrl.u32 s31, $0x3;
	s10 =	sadd.s32 s9, s10  }
0xd: {  	s6 =	sadd.s32 s6, s30;
	s7 =	sadd.s32 s9, s8;
	s8 =	sadd.s32 $0x27000, s10  }
0xe: {  	v0 =	vimm.f32 $0.0e+00;
	v1 =	vimm.f32 $1.000000000e+00;
	s9 =	smax.u32 s13, $0x1;
	s10 =	simm.s32 $0x6800;
	s13 =	simm.s32 $0x3400  }
.LBB2_1:
0xf: {  	s14 =	simm.s32 $0x0;
	s15 =	simm.s32 $0x0  }
.LBB2_2:
0x10: {  	p1 =	sne.s32 s15, $0x1FC0  }
.Ltmp0:
0x11: {  	_ = 	snop;
	(pc) =	sbr.rel @p1 .LBB2_2-.Ltmp0, $4  }
0x12: {  	s16 =	sand.u32 $0x1E00, s15  }
0x13: {  	s17 =	sand.u32 $0x70, s14;
	s16 =	sshrl.u32 s16, $0x2  }
0x14: {  	s16 =	sor.u32 s17, s16  }
0x15: {  	s14 =	sadd.s32 $0x10, s14;
	s15 =	sadd.s32 $0x40, s15;
	[tilespmem:s16+$0x6800] =	vst v0  }
0x16: {  	s14 =	sadd.s32 $0x0, s4  }
0x17: {  	[spmem:s14] =	stream.linear.scatter [tilespmem:s10], [sflag:$0x1], $0x800, $0x38;
	[tilespmem:$0x1A880] =	vst v63  }
0x18: {  	s14 =	simm.s32 $0x2000;
	_ =	swait.ge [sflag:s11], $0x800  }
.LBB2_4:
0x19: {  	s15 =	sshra.s32 s14, $0x2;
	[sflag:s11] =	ssyncset.done $0x0;
	p1 =	sne.s32 s14, $0x4C000  }
.Ltmp1:
0x1a: {  	s15 =	sadd.s32 s15, s4;
	[sflag:s11] =	ssyncadd.s32 $0xFFFFF800;
	(pc) =	sbr.rel @p1 .LBB2_4-.Ltmp1, $3  }
0x1b: {  	[spmem:s15] =	stream.linear.scatter [tilespmem:s10], [sflag:$0x1], $0x800, $0x38;
	[tilespmem:$0x1A880] =	vst v63  }
0x1c: {  	s14 =	sadd.s32 $0x2000, s14;
	_ =	sdelay $0x1  }
0x1d: {  	_ =	swait.ge [sflag:s11], $0x800  }
0x1e: {  	[sflag:s11] =	ssyncset.done $0x0  }
0x1f: {  	s14 =	simm.s32 @!p0 $0x6800;
	[sflag:s11] =	ssyncadd.s32 $0xFFFFF800  }
0x20: {  	[spmem:s5] =	stream.linear.scatter @!p0 [tilespmem:s14], [sflag:$0x1], $0x800, $0x38;
	[tilespmem:$0x1A880] =	vst v63  }
0x21: {  	s15 =	simm.s32 @!p0 $0x1;
	s14 =	simm.s32 $0x0  }
0x22: {  	_ =	swait.ge @!p0 [sflag:s15], $0x800;
	s16 =	sand.u32 $0xFE00, s14  }
0x23: {  	s17 =	sand.u32 $0x70, s14;
	[sflag:s15] =	ssyncset.done @!p0 $0x0;
	s16 =	sshrl.u32 s16, $0x2  }
0x24: {  	[sflag:s15] =	ssyncadd.s32 @!p0 $0xFFFFF800;
	s15 =	simm.s32 $0x40;
	s16 =	sor.u32 s17, s16  }
.LBB2_6:
0x25: {  	p1 =	sne.s32 s15, $0xC7C0  }
0x26: {  	[tilespmem:s16+$0x3400] =	vst v1;
	s14 =	sadd.s32 $0x10, s14;
	s16 =	smov.u32 s15;
	s15 =	sadd.s32 $0x40, s15  }
.Ltmp2:
0x27: {  	(pc) =	sbr.rel @p1 .LBB2_6-.Ltmp2, $4  }
0x28: {  	_ = 	snop  }
0x29: {  	s16 =	sand.u32 $0xFE00, s16  }
0x2a: {  	s17 =	sand.u32 $0x70, s14;
	s16 =	sshrl.u32 s16, $0x2  }
0x2b: {  	s16 =	sor.u32 s17, s16  }
0x2c: {  	[tilespmem:s16+$0x3400] =	vst v1;
	s14 =	simm.s32 $0x0  }
0x2d: {  	[tilespmem:s14], [sflag:$0x1] =	stream.linear.gather [hbm4b:s6+s14], $0x3200, $0x38;
	[tilespmem:$0x1A880] =	vst v63  }
0x2e: {  	_ =	swait.ge [sflag:s11], $0x3200  }
0x2f: {  	[sflag:s11] =	ssyncset.done $0x0  }
0x30: {  	[sflag:s11] =	ssyncadd.s32 $0xFFFFCE00  }
0x31: {  	s31 =	simm.s32 $0x0;
	[bflag:$0x0] =	sbarrier.arrive $0xFFFF  }
0x32: {  	[spmem:s1] =	stream.indirect.scatter.add.f32 [tilespmem:s13], [sflag:$0x1], $0x80, s31, s12, $0xb8;
	[tilespmem:$0x1A880] =	vst v63  }
0x33: {  	_ =	swait.ge [sflag:s11], $0x3200  }
0x34: {  	s14 =	simm.s32 $0x200;
	[sflag:s11] =	ssyncset.done $0x0  }
.LBB2_8:
0x35: {  	s15 =	sshra.s32 s14, $0x2;
	[sflag:s11] =	ssyncadd.s32 $0xFFFFCE00;
	p1 =	sne.s32 s14, $0xC600  }
0x36: {  	[spmem:s1] =	stream.indirect.scatter.add.f32 [tilespmem:s13], [sflag:$0x1], $0x80, s15, s12, $0xb8;
	[tilespmem:$0x1A880] =	vst v63  }
.Ltmp3:
0x37: {  	_ = 	snop;
	(pc) =	sbr.rel @p1 .LBB2_8-.Ltmp3, $4  }
0x38: {  	_ = 	snop  }
0x39: {  	s14 =	sadd.s32 $0x200, s14  }
0x3a: {  	_ =	swait.ge [sflag:s11], $0x3200  }
0x3b: {  	[sflag:s11] =	ssyncset.done $0x0  }
0x3c: {  	[sflag:s11] =	ssyncadd.s32 $0xFFFFCE00;
	s14 =	sshll.u32 s2, $0x6  }
0x3d: {  	s15 =	sshrl.u32 s4, $0x3;
	[bflag:$0x0] =	sbarrier.arrive $0xFFFF;
	s14 =	sor.u32 $0x1C01, s14  }
0x3e: {  	[hbm:s7], [sflag:s14] =	dma.local [spmem:s15], $0x2700  }
0x3f: {  	_ =	swait.ge [sflag:s11], $0x2700  }
0x40: {  	s3 =	sadd.s32 $0x1, s3;
	[sflag:s11] =	ssyncset.done $0x0  }
0x41: {  	p1 =	sne.s32 s3, s9;
	s15 =	sshrl.u32 @!p0 s5, $0x3;
	[sflag:s11] =	ssyncadd.s32 $0xFFFFD900  }
0x42: {  	[hbm:s8], [sflag:s14] =	dma.local @!p0 [spmem:s15], $0x100  }
.Ltmp4:
0x43: {  	_ = 	snop;
	(pc) =	sbr.rel @p1 .LBB2_1-.Ltmp4, $4  }
0x44: {  	s14 =	simm.s32 @!p0 $0x1  }
0x45: {  	_ =	swait.ge @!p0 [sflag:s14], $0x100  }
0x46: {  	[sflag:s14] =	ssyncset.done @!p0 $0x0  }
0x47: {  	[sflag:s14] =	ssyncadd.s32 @!p0 $0xFFFFFF00  }
0x48: {  	_ =	sfence.sel $0x180000  }
0x49: {  	[bflag:$0x0] =	sbarrier.arrive $0xFFFF  }
0x4a: {  	p0 =	sne.s32 s2, $0x0;
	_ =	strace $0x90000047  }
0x4b: {  	s0 =	sadd.s32 @!p0 $0x100000, s0;
	[bflag:$0x2] =	sbarrier.arrive $0xFFFF  }
0x4c: {  	[sflag:s0] =	ssyncadd.tile.s32 @!p0 $0x1;
	_ =	shalt  }
.Lfunc_end2:
_tile_overlayer_lowered:
.L_overlay_start_2:
0x4d: {  	(tag) =	ssettag $0x2  }
0x4e: {  	s0 =	rddreg [dreg:$0x0];
	s2 =	stileid.u32  }
0x4f: {  	s1 =	rddreg [dreg:$0x1];
	p0 =	sne.s32 s2, $0x0  }
0x50: {  	s3 =	rddreg [dreg:$0x2];
	[bflag:$0x3] =	sbarrier.arrive $0xFFFF;
	s2 =	simm.s32 @!p0 $0x1C01  }
0x51: {  	[timem:s3], [sflag:s2] =	dma.local @!p0 [hbm:s0], s1  }
0x52: {  	s0 =	simm.s32 @!p0 $0x1  }
0x53: {  	_ =	swait.ge @!p0 [sflag:s0], s1  }
0x54: {  	s1 =	ssub.s32 @!p0 $0x0, s1;
	[sflag:s0] =	ssyncset.done @!p0 $0x0  }
0x55: {  	[sflag:s0] =	ssyncadd.s32 @!p0 s1  }
0x56: {  	[bflag:$0x3] =	sbarrier.arrive $0xFFFF  }
0x57: {  	_ =	shalt  }

</sc_bundles>
